<compile_context>
chip_gen: v7x
topology: tpu7x:2x2x1
jax: 0.10.2.dev20260603
libtpu: 0.0.44.dev20260713+nightly
codegen_flags: <defaults>
</compile_context>

<pallas_src>
import functools

import jax
import jax.numpy as jnp
from jax import lax
from jax.experimental import pallas as pl
from jax.experimental.pallas import tpu as pltpu
from jax.experimental.pallas import tpu_sc as plsc

ROWS = 16384
COLS = 1000
LANES = 16
BLK_W = 128
N_BLK = 8
WIN = 32
PAD_ROWS = 768

_INFO = plsc.get_sparse_core_info()
_NC = _INFO.num_cores
_NS = _INFO.num_subcores
_NW = _NC * _NS
ROWS_PER_W = ROWS // _NW
N_CHUNK = ROWS_PER_W // LANES


@functools.partial(
    pl.kernel,
    out_type=jax.ShapeDtypeStruct((ROWS,), jnp.float32),
    mesh=plsc.VectorSubcoreMesh(core_axis_name="c", subcore_axis_name="s"),
    compiler_params=pltpu.CompilerParams(needs_layout_passes=False),
    scratch_types=[
        pltpu.VMEM((ROWS_PER_W,), jnp.int32),
        pltpu.VMEM((PAD_ROWS,), jnp.int32),
        pltpu.VMEM((ROWS_PER_W,), jnp.int32),
        pltpu.VMEM((PAD_ROWS, BLK_W), jnp.float32),
        pltpu.VMEM((ROWS_PER_W,), jnp.float32),
        pltpu.SemaphoreType.DMA,
    ],
)
def _depth_gather(
    x_hbm, lab_hbm, out_hbm, lab_v, perm_v, pos_v, val_v, res_v, sem
):
    wid = lax.axis_index("s") * _NC + lax.axis_index("c")
    base = wid * ROWS_PER_W
    lane = lax.iota(jnp.int32, LANES)

    pltpu.sync_copy(lab_hbm.at[pl.ds(base, ROWS_PER_W)], lab_v)

    def fill_body(j, carry):
        perm_v[pl.ds(j * LANES, LANES)] = jnp.zeros((LANES,), jnp.int32)
        return carry

    lax.fori_loop(0, PAD_ROWS // LANES, fill_body, 0)

    def count_body(j, cnts):
        blk = lab_v[pl.ds(j * LANES, LANES)] >> 7
        return tuple(
            cnts[b] + lax.reduce_sum((blk == b).astype(jnp.int32), axes=(0,))
            for b in range(N_BLK)
        )

    zero = jnp.int32(0)
    cnts = lax.fori_loop(0, N_CHUNK, count_body, (zero,) * N_BLK)

    starts = []
    acc = zero
    for b in range(N_BLK):
        starts.append(acc)
        acc = acc + ((cnts[b] + (WIN - 1)) & (-WIN))

    def place_body(j, offs):
        labs = lab_v[pl.ds(j * LANES, LANES)]
        blk = labs >> 7
        grow = base + j * LANES + lane
        pos_acc = jnp.zeros((LANES,), jnp.int32)
        new_offs = []
        for b in range(N_BLK):
            mask = blk == b
            mi = mask.astype(jnp.int32)
            rank = plsc.cumsum(mi) - 1
            pos = offs[b] + rank
            pos_acc = jnp.where(mask, pos, pos_acc)
            plsc.store_scatter(perm_v, [pos], grow, mask=mask)
            new_offs.append(offs[b] + lax.reduce_sum(mi, axes=(0,)))
        pos_v[pl.ds(j * LANES, LANES)] = pos_acc
        return tuple(new_offs)

    lax.fori_loop(0, N_CHUNK, place_body, tuple(starts))

    def win_refs(b, k, start_b):
        w0 = pl.multiple_of(start_b + k * WIN, WIN)
        src = x_hbm.at[
            plsc.Indices(perm_v.at[pl.ds(w0, WIN)], ignored_value=-1),
            pl.ds(pl.multiple_of(b * BLK_W + 0 * w0, BLK_W), BLK_W),
        ]
        dst = val_v.at[pl.ds(w0, WIN), :]
        return src, dst

    for b in range(N_BLK):
        padlen_b = (cnts[b] + (WIN - 1)) & (-WIN)

        def issue_body(k, carry, _b=b, _s=starts[b], _n=padlen_b):
            @pl.when(k * WIN < _n)
            def _():
                src, dst = win_refs(_b, k, _s)
                pltpu.async_copy(src, dst, sem)

            return carry

        lax.fori_loop(0, ROWS_PER_W // WIN, issue_body, 0)

    for b in range(N_BLK):
        padlen_b = (cnts[b] + (WIN - 1)) & (-WIN)

        def drain_body(k, carry, _b=b, _s=starts[b], _n=padlen_b):
            @pl.when(k * WIN < _n)
            def _():
                src, dst = win_refs(_b, k, _s)
                pltpu.make_async_copy(src, dst, sem).wait()

            return carry

        lax.fori_loop(0, ROWS_PER_W // WIN, drain_body, 0)

    def extract_body(j, carry):
        labs = lab_v[pl.ds(j * LANES, LANES)]
        pos = pos_v[pl.ds(j * LANES, LANES)]
        v = plsc.load_gather(val_v, [pos, labs & (BLK_W - 1)])
        res_v[pl.ds(j * LANES, LANES)] = jnp.exp(jnp.abs(v) * 0.1) - 1.0
        return carry

    lax.fori_loop(0, N_CHUNK, extract_body, 0)

    pltpu.sync_copy(res_v, out_hbm.at[pl.ds(base, ROWS_PER_W)])


def kernel(x, labels):
    out = _depth_gather(x, labels.astype(jnp.int32))
    return out[:, None]

# --- scband reference (transcript-rebuilt; emitter-appended) ---
"""Pipeline reference for scband-depth-post-processor-13297218748630 (READ-ONLY COPY).

The authoritative reference and input builder live on the scoring server;
editing this copy changes nothing except your own understanding.
"""

import jax, jax.numpy as jnp
import numpy as np

REG_AMPLIFIER = 10.0
REG_LOGARITHM = True


def setup_inputs(seed: int = 0) -> dict:
    key = jax.random.key(seed)
    k1, k2 = jax.random.split(key)
    x = jax.random.normal(k1, (16384, 1000), dtype=jnp.float32)
    labels = jax.random.randint(k2, (16384,), 0, 1000, dtype=jnp.int64 if jax.config.jax_enable_x64 else jnp.int32)
    return {"x": x, "labels": labels}


def reference(x, labels):
    # Gather the depth logit corresponding to each box's predicted class.
    num_batches = x.shape[0]
    index = jnp.arange(num_batches)
    depth = x[index, labels][:, None]
    # Post-process: undo the regression amplifier, then the log transform.
    depth = depth / REG_AMPLIFIER
    if REG_LOGARITHM:
        depth = jnp.exp(jnp.abs(depth)) - 1.0
    return depth

if __name__ == "__main__":
    import jax
    _d = setup_inputs()
    print(jax.jit(kernel)(*tuple(_d.values())))

</pallas_src>

<mosaic_0001>
#map = affine_map<(d0, d1) -> (0, 0)>
#map1 = affine_map<(d0, d1) -> (0)>
module attributes {stable_mosaic.version = 14 : i64} {
  func.func @_depth_gather(%arg0: i32, %arg1: i32, %arg2: memref<16384x1000xf32, #tpu.memory_space<hbm>>, %arg3: memref<16384xi32, #tpu.memory_space<hbm>>, %arg4: memref<16384xf32, #tpu.memory_space<hbm>>, %arg5: memref<512xi32, #tpu.memory_space<vmem>>, %arg6: memref<768xi32, #tpu.memory_space<vmem>>, %arg7: memref<512xi32, #tpu.memory_space<vmem>>, %arg8: memref<768x128xf32, #tpu.memory_space<vmem>>, %arg9: memref<512xf32, #tpu.memory_space<vmem>>, %arg10: memref<!tpu.dma_semaphore, #tpu.memory_space<semaphore_mem>>) attributes {dimension_semantics = [#tpu.dimension_semantics<core_parallel>, #tpu.dimension_semantics<subcore_parallel>], iteration_bounds = array<i64: 2, 16>, scalar_prefetch = 0 : i64, scratch_operands = 6 : i64, tpu.core_type = #tpu.core_type<sc_vector_subcore>, window_params = [{transform_indices = #map}, {transform_indices = #map1}, {transform_indices = #map1}]} {
    %mul3A = arith.constant 2 : i32
    %mul3A_0 = arith.muli %arg1, %mul3A : i32
    %add3A = arith.addi %mul3A_0, %arg0 : i32
    %mul3A_1 = arith.constant 512 : i32
    %mul3A_2 = arith.muli %add3A, %mul3A_1 : i32
    %iota3A = tpu.iota {dimensions = array<i32: 0>} : vector<16xi32>
    "tpu.region"() ({
      %run_scoped3A = tpu.sem_alloc : memref<!tpu.dma_semaphore, #tpu.memory_space<semaphore_mem>>
      %dma_start3A = tpu.memref_slice %arg3[%mul3A_2] : memref<16384xi32, #tpu.memory_space<hbm>> -> memref<512xi32, #tpu.memory_space<hbm>>
      %dma_start3A_237 = tpu.memref_slice %arg3[%mul3A_2] : memref<16384xi32, #tpu.memory_space<hbm>> -> memref<512xi32, #tpu.memory_space<hbm>>
      tpu.enqueue_dma source(%dma_start3A_237 : memref<512xi32, #tpu.memory_space<hbm>>) target(%arg5 : memref<512xi32, #tpu.memory_space<vmem>>) target_semaphore(%run_scoped3A : memref<!tpu.dma_semaphore, #tpu.memory_space<semaphore_mem>>)
      %dma_wait3A = tpu.memref_slice %arg3[%mul3A_2] : memref<16384xi32, #tpu.memory_space<hbm>> -> memref<512xi32, #tpu.memory_space<hbm>>
      %dma_wait3A_238 = tpu.memref_slice %arg3[%mul3A_2] : memref<16384xi32, #tpu.memory_space<hbm>> -> memref<512xi32, #tpu.memory_space<hbm>>
      tpu.wait_dma2 semaphore(%run_scoped3A : memref<!tpu.dma_semaphore, #tpu.memory_space<semaphore_mem>>) src(%dma_wait3A_238 : memref<512xi32, #tpu.memory_space<hbm>>) dst(%arg5 : memref<512xi32, #tpu.memory_space<vmem>>)
      tpu.yield
    }) : () -> ()
    %scan3A = arith.constant 0 : i32
    %scan3A_3 = arith.constant 0 : i32
    %scan3A_4 = arith.constant 48 : i32
    %scan3A_5 = arith.addi %scan3A_3, %scan3A_4 : i32
    %scan3A_6 = arith.constant 1 : i32
    scf.for %scan3A_237 = %scan3A_3 to %scan3A_5 step %scan3A_6  : i32 {
      %broadcast_in_dim3A = arith.constant 0 : i32
      %broadcast_in_dim3A_238 = vector.broadcast %broadcast_in_dim3A : i32 to vector<16xi32>
      %mul3A_239 = arith.constant 16 : i32
      %mul3A_240 = arith.muli %scan3A_237, %mul3A_239 : i32
      %swap3A = arith.index_cast %mul3A_240 : i32 to index
      %swap3A_241 = tpu.vector_load %arg6[%swap3A] {strides = array<i32>} : memref<768xi32, #tpu.memory_space<vmem>>, vector<16xi32>,
      tpu.vector_store %arg6[%swap3A], %broadcast_in_dim3A_238 {strides = array<i32>} : memref<768xi32, #tpu.memory_space<vmem>>, vector<16xi32>,
    }
    %scan3A_7 = arith.constant 48 : i32
    %scan3A_8 = arith.constant 0 : i32
    %scan3A_9 = arith.constant 0 : i32
    %scan3A_10 = arith.constant 0 : i32
    %scan3A_11 = arith.constant 0 : i32
    %scan3A_12 = arith.constant 0 : i32
    %scan3A_13 = arith.constant 0 : i32
    %scan3A_14 = arith.constant 0 : i32
    %scan3A_15 = arith.constant 0 : i32
    %scan3A_16 = arith.constant 0 : i32
    %scan3A_17 = arith.constant 32 : i32
    %scan3A_18 = arith.addi %scan3A_16, %scan3A_17 : i32
    %scan3A_19 = arith.constant 1 : i32
    %scan3A_20:8 = scf.for %scan3A_237 = %scan3A_16 to %scan3A_18 step %scan3A_19 iter_args(%scan3A_238 = %scan3A_8, %scan3A_239 = %scan3A_9, %scan3A_240 = %scan3A_10, %scan3A_241 = %scan3A_11, %scan3A_242 = %scan3A_12, %scan3A_243 = %scan3A_13, %scan3A_244 = %scan3A_14, %scan3A_245 = %scan3A_15) -> (i32, i32, i32, i32, i32, i32, i32, i32)  : i32 {
      %mul3A_246 = arith.constant 16 : i32
      %mul3A_247 = arith.muli %scan3A_237, %mul3A_246 : i32
      %get3A = arith.index_cast %mul3A_247 : i32 to index
      %get3A_248 = tpu.vector_load %arg5[%get3A] {strides = array<i32>} : memref<512xi32, #tpu.memory_space<vmem>>, vector<16xi32>,
      %shift_right_arithmetic3A = arith.constant 7 : i32
      %shift_right_arithmetic3A_249 = vector.broadcast %shift_right_arithmetic3A : i32 to vector<16xi32>
      %shift_right_arithmetic3A_250 = arith.shrsi %get3A_248, %shift_right_arithmetic3A_249 : vector<16xi32>
      %eq3A = arith.constant 0 : i32
      %eq3A_251 = vector.broadcast %eq3A : i32 to vector<16xi32>
      %eq3A_252 = arith.cmpi eq, %shift_right_arithmetic3A_250, %eq3A_251 : vector<16xi32>
      %convert_element_type3A = arith.extui %eq3A_252 : vector<16xi1> to vector<16xi32>
      %reduce_sum3A = arith.constant true
      %reduce_sum3A_253 = vector.broadcast %reduce_sum3A : i1 to vector<16xi1>
      %reduce_sum3A_254 = tpu.scan <sum>, %convert_element_type3A masked %reduce_sum3A_253 : vector<16xi32>, vector<16xi1> -> vector<16xi32>
      %reduce_sum3A_255 = vector.extract %reduce_sum3A_254[15] : i32 from vector<16xi32>
      %add3A_256 = arith.addi %scan3A_238, %reduce_sum3A_255 : i32
      %eq3A_257 = arith.constant 1 : i32
      %eq3A_258 = vector.broadcast %eq3A_257 : i32 to vector<16xi32>
      %eq3A_259 = arith.cmpi eq, %shift_right_arithmetic3A_250, %eq3A_258 : vector<16xi32>
      %convert_element_type3A_260 = arith.extui %eq3A_259 : vector<16xi1> to vector<16xi32>
      %reduce_sum3A_261 = arith.constant true
      %reduce_sum3A_262 = vector.broadcast %reduce_sum3A_261 : i1 to vector<16xi1>
      %reduce_sum3A_263 = tpu.scan <sum>, %convert_element_type3A_260 masked %reduce_sum3A_262 : vector<16xi32>, vector<16xi1> -> vector<16xi32>
      %reduce_sum3A_264 = vector.extract %reduce_sum3A_263[15] : i32 from vector<16xi32>
      %add3A_265 = arith.addi %scan3A_239, %reduce_sum3A_264 : i32
      %eq3A_266 = arith.constant 2 : i32
      %eq3A_267 = vector.broadcast %eq3A_266 : i32 to vector<16xi32>
      %eq3A_268 = arith.cmpi eq, %shift_right_arithmetic3A_250, %eq3A_267 : vector<16xi32>
      %convert_element_type3A_269 = arith.extui %eq3A_268 : vector<16xi1> to vector<16xi32>
      %reduce_sum3A_270 = arith.constant true
      %reduce_sum3A_271 = vector.broadcast %reduce_sum3A_270 : i1 to vector<16xi1>
      %reduce_sum3A_272 = tpu.scan <sum>, %convert_element_type3A_269 masked %reduce_sum3A_271 : vector<16xi32>, vector<16xi1> -> vector<16xi32>
      %reduce_sum3A_273 = vector.extract %reduce_sum3A_272[15] : i32 from vector<16xi32>
      %add3A_274 = arith.addi %scan3A_240, %reduce_sum3A_273 : i32
      %eq3A_275 = arith.constant 3 : i32
      %eq3A_276 = vector.broadcast %eq3A_275 : i32 to vector<16xi32>
      %eq3A_277 = arith.cmpi eq, %shift_right_arithmetic3A_250, %eq3A_276 : vector<16xi32>
      %convert_element_type3A_278 = arith.extui %eq3A_277 : vector<16xi1> to vector<16xi32>
      %reduce_sum3A_279 = arith.constant true
      %reduce_sum3A_280 = vector.broadcast %reduce_sum3A_279 : i1 to vector<16xi1>
      %reduce_sum3A_281 = tpu.scan <sum>, %convert_element_type3A_278 masked %reduce_sum3A_280 : vector<16xi32>, vector<16xi1> -> vector<16xi32>
      %reduce_sum3A_282 = vector.extract %reduce_sum3A_281[15] : i32 from vector<16xi32>
      %add3A_283 = arith.addi %scan3A_241, %reduce_sum3A_282 : i32
      %eq3A_284 = arith.constant 4 : i32
      %eq3A_285 = vector.broadcast %eq3A_284 : i32 to vector<16xi32>
      %eq3A_286 = arith.cmpi eq, %shift_right_arithmetic3A_250, %eq3A_285 : vector<16xi32>
      %convert_element_type3A_287 = arith.extui %eq3A_286 : vector<16xi1> to vector<16xi32>
      %reduce_sum3A_288 = arith.constant true
      %reduce_sum3A_289 = vector.broadcast %reduce_sum3A_288 : i1 to vector<16xi1>
      %reduce_sum3A_290 = tpu.scan <sum>, %convert_element_type3A_287 masked %reduce_sum3A_289 : vector<16xi32>, vector<16xi1> -> vector<16xi32>
      %reduce_sum3A_291 = vector.extract %reduce_sum3A_290[15] : i32 from vector<16xi32>
      %add3A_292 = arith.addi %scan3A_242, %reduce_sum3A_291 : i32
      %eq3A_293 = arith.constant 5 : i32
      %eq3A_294 = vector.broadcast %eq3A_293 : i32 to vector<16xi32>
      %eq3A_295 = arith.cmpi eq, %shift_right_arithmetic3A_250, %eq3A_294 : vector<16xi32>
      %convert_element_type3A_296 = arith.extui %eq3A_295 : vector<16xi1> to vector<16xi32>
      %reduce_sum3A_297 = arith.constant true
      %reduce_sum3A_298 = vector.broadcast %reduce_sum3A_297 : i1 to vector<16xi1>
      %reduce_sum3A_299 = tpu.scan <sum>, %convert_element_type3A_296 masked %reduce_sum3A_298 : vector<16xi32>, vector<16xi1> -> vector<16xi32>
      %reduce_sum3A_300 = vector.extract %reduce_sum3A_299[15] : i32 from vector<16xi32>
      %add3A_301 = arith.addi %scan3A_243, %reduce_sum3A_300 : i32
      %eq3A_302 = arith.constant 6 : i32
      %eq3A_303 = vector.broadcast %eq3A_302 : i32 to vector<16xi32>
      %eq3A_304 = arith.cmpi eq, %shift_right_arithmetic3A_250, %eq3A_303 : vector<16xi32>
      %convert_element_type3A_305 = arith.extui %eq3A_304 : vector<16xi1> to vector<16xi32>
      %reduce_sum3A_306 = arith.constant true
      %reduce_sum3A_307 = vector.broadcast %reduce_sum3A_306 : i1 to vector<16xi1>
      %reduce_sum3A_308 = tpu.scan <sum>, %convert_element_type3A_305 masked %reduce_sum3A_307 : vector<16xi32>, vector<16xi1> -> vector<16xi32>
      %reduce_sum3A_309 = vector.extract %reduce_sum3A_308[15] : i32 from vector<16xi32>
      %add3A_310 = arith.addi %scan3A_244, %reduce_sum3A_309 : i32
      %eq3A_311 = arith.constant 7 : i32
      %eq3A_312 = vector.broadcast %eq3A_311 : i32 to vector<16xi32>
      %eq3A_313 = arith.cmpi eq, %shift_right_arithmetic3A_250, %eq3A_312 : vector<16xi32>
      %convert_element_type3A_314 = arith.extui %eq3A_313 : vector<16xi1> to vector<16xi32>
      %reduce_sum3A_315 = arith.constant true
      %reduce_sum3A_316 = vector.broadcast %reduce_sum3A_315 : i1 to vector<16xi1>
      %reduce_sum3A_317 = tpu.scan <sum>, %convert_element_type3A_314 masked %reduce_sum3A_316 : vector<16xi32>, vector<16xi1> -> vector<16xi32>
      %reduce_sum3A_318 = vector.extract %reduce_sum3A_317[15] : i32 from vector<16xi32>
      %add3A_319 = arith.addi %scan3A_245, %reduce_sum3A_318 : i32
      scf.yield %add3A_256, %add3A_265, %add3A_274, %add3A_283, %add3A_292, %add3A_301, %add3A_310, %add3A_319 : i32, i32, i32, i32, i32, i32, i32, i32
    }
    %scan3A_21 = arith.constant 32 : i32
    %add3A_22 = arith.constant 31 : i32
    %add3A_23 = arith.addi %scan3A_20#0, %add3A_22 : i32
    %and3A = arith.constant -32 : i32
    %and3A_24 = arith.andi %add3A_23, %and3A : i32
    %add3A_25 = arith.constant 0 : i32
    %add3A_26 = arith.addi %add3A_25, %and3A_24 : i32
    %add3A_27 = arith.constant 31 : i32
    %add3A_28 = arith.addi %scan3A_20#1, %add3A_27 : i32
    %and3A_29 = arith.constant -32 : i32
    %and3A_30 = arith.andi %add3A_28, %and3A_29 : i32
    %add3A_31 = arith.addi %add3A_26, %and3A_30 : i32
    %add3A_32 = arith.constant 31 : i32
    %add3A_33 = arith.addi %scan3A_20#2, %add3A_32 : i32
    %and3A_34 = arith.constant -32 : i32
    %and3A_35 = arith.andi %add3A_33, %and3A_34 : i32
    %add3A_36 = arith.addi %add3A_31, %and3A_35 : i32
    %add3A_37 = arith.constant 31 : i32
    %add3A_38 = arith.addi %scan3A_20#3, %add3A_37 : i32
    %and3A_39 = arith.constant -32 : i32
    %and3A_40 = arith.andi %add3A_38, %and3A_39 : i32
    %add3A_41 = arith.addi %add3A_36, %and3A_40 : i32
    %add3A_42 = arith.constant 31 : i32
    %add3A_43 = arith.addi %scan3A_20#4, %add3A_42 : i32
    %and3A_44 = arith.constant -32 : i32
    %and3A_45 = arith.andi %add3A_43, %and3A_44 : i32
    %add3A_46 = arith.addi %add3A_41, %and3A_45 : i32
    %add3A_47 = arith.constant 31 : i32
    %add3A_48 = arith.addi %scan3A_20#5, %add3A_47 : i32
    %and3A_49 = arith.constant -32 : i32
    %and3A_50 = arith.andi %add3A_48, %and3A_49 : i32
    %add3A_51 = arith.addi %add3A_46, %and3A_50 : i32
    %add3A_52 = arith.constant 31 : i32
    %add3A_53 = arith.addi %scan3A_20#6, %add3A_52 : i32
    %and3A_54 = arith.constant -32 : i32
    %and3A_55 = arith.andi %add3A_53, %and3A_54 : i32
    %add3A_56 = arith.addi %add3A_51, %and3A_55 : i32
    %add3A_57 = arith.constant 31 : i32
    %add3A_58 = arith.addi %scan3A_20#7, %add3A_57 : i32
    %and3A_59 = arith.constant -32 : i32
    %and3A_60 = arith.andi %add3A_58, %and3A_59 : i32
    %add3A_61 = arith.addi %add3A_56, %and3A_60 : i32
    %scan3A_62 = arith.constant 0 : i32
    %scan3A_63 = arith.constant 0 : i32
    %scan3A_64 = arith.constant 32 : i32
    %scan3A_65 = arith.addi %scan3A_63, %scan3A_64 : i32
    %scan3A_66 = arith.constant 1 : i32
    %scan3A_67:8 = scf.for %scan3A_237 = %scan3A_63 to %scan3A_65 step %scan3A_66 iter_args(%scan3A_238 = %scan3A_62, %scan3A_239 = %add3A_26, %scan3A_240 = %add3A_31, %scan3A_241 = %add3A_36, %scan3A_242 = %add3A_41, %scan3A_243 = %add3A_46, %scan3A_244 = %add3A_51, %scan3A_245 = %add3A_56) -> (i32, i32, i32, i32, i32, i32, i32, i32)  : i32 {
      %mul3A_246 = arith.constant 16 : i32
      %mul3A_247 = arith.muli %scan3A_237, %mul3A_246 : i32
      %get3A = arith.index_cast %mul3A_247 : i32 to index
      %get3A_248 = tpu.vector_load %arg5[%get3A] {strides = array<i32>} : memref<512xi32, #tpu.memory_space<vmem>>, vector<16xi32>,
      %shift_right_arithmetic3A = arith.constant 7 : i32
      %shift_right_arithmetic3A_249 = vector.broadcast %shift_right_arithmetic3A : i32 to vector<16xi32>
      %shift_right_arithmetic3A_250 = arith.shrsi %get3A_248, %shift_right_arithmetic3A_249 : vector<16xi32>
      %mul3A_251 = arith.constant 16 : i32
      %mul3A_252 = arith.muli %scan3A_237, %mul3A_251 : i32
      %add3A_253 = arith.addi %mul3A_2, %mul3A_252 : i32
      %add3A_254 = vector.broadcast %add3A_253 : i32 to vector<16xi32>
      %add3A_255 = arith.addi %add3A_254, %iota3A : vector<16xi32>
      %broadcast_in_dim3A = arith.constant 0 : i32
      %broadcast_in_dim3A_256 = vector.broadcast %broadcast_in_dim3A : i32 to vector<16xi32>
      %eq3A = arith.constant 0 : i32
      %eq3A_257 = vector.broadcast %eq3A : i32 to vector<16xi32>
      %eq3A_258 = arith.cmpi eq, %shift_right_arithmetic3A_250, %eq3A_257 : vector<16xi32>
      %convert_element_type3A = arith.extui %eq3A_258 : vector<16xi1> to vector<16xi32>
      %broadcast_in_dim3A_259 = arith.constant true
      %broadcast_in_dim3A_260 = vector.broadcast %broadcast_in_dim3A_259 : i1 to vector<16xi1>
      %masked_cumsum3A = tpu.scan <sum>, %convert_element_type3A masked %broadcast_in_dim3A_260 : vector<16xi32>, vector<16xi1> -> vector<16xi32>
      %sub3A = arith.constant 1 : i32
      %sub3A_261 = vector.broadcast %sub3A : i32 to vector<16xi32>
      %sub3A_262 = arith.subi %masked_cumsum3A, %sub3A_261 : vector<16xi32>
      %add3A_263 = vector.broadcast %scan3A_238 : i32 to vector<16xi32>
      %add3A_264 = arith.addi %add3A_263, %sub3A_262 : vector<16xi32>
      %select_n3A = arith.select %eq3A_258, %add3A_264, %broadcast_in_dim3A_256 : vector<16xi1>, vector<16xi32>
      tpu.vector_store_idx %arg6[%add3A_264], %add3A_255 masked %eq3A_258 : memref<768xi32, #tpu.memory_space<vmem>>[vector<16xi32>], vector<16xi32>, vector<16xi1>
      %reduce_sum3A = arith.constant true
      %reduce_sum3A_265 = vector.broadcast %reduce_sum3A : i1 to vector<16xi1>
      %reduce_sum3A_266 = tpu.scan <sum>, %convert_element_type3A masked %reduce_sum3A_265 : vector<16xi32>, vector<16xi1> -> vector<16xi32>
      %reduce_sum3A_267 = vector.extract %reduce_sum3A_266[15] : i32 from vector<16xi32>
      %add3A_268 = arith.addi %scan3A_238, %reduce_sum3A_267 : i32
      %eq3A_269 = arith.constant 1 : i32
      %eq3A_270 = vector.broadcast %eq3A_269 : i32 to vector<16xi32>
      %eq3A_271 = arith.cmpi eq, %shift_right_arithmetic3A_250, %eq3A_270 : vector<16xi32>
      %convert_element_type3A_272 = arith.extui %eq3A_271 : vector<16xi1> to vector<16xi32>
      %broadcast_in_dim3A_273 = arith.constant true
      %broadcast_in_dim3A_274 = vector.broadcast %broadcast_in_dim3A_273 : i1 to vector<16xi1>
      %masked_cumsum3A_275 = tpu.scan <sum>, %convert_element_type3A_272 masked %broadcast_in_dim3A_274 : vector<16xi32>, vector<16xi1> -> vector<16xi32>
      %sub3A_276 = arith.constant 1 : i32
      %sub3A_277 = vector.broadcast %sub3A_276 : i32 to vector<16xi32>
      %sub3A_278 = arith.subi %masked_cumsum3A_275, %sub3A_277 : vector<16xi32>
      %add3A_279 = vector.broadcast %scan3A_239 : i32 to vector<16xi32>
      %add3A_280 = arith.addi %add3A_279, %sub3A_278 : vector<16xi32>
      %select_n3A_281 = arith.select %eq3A_271, %add3A_280, %select_n3A : vector<16xi1>, vector<16xi32>
      tpu.vector_store_idx %arg6[%add3A_280], %add3A_255 masked %eq3A_271 : memref<768xi32, #tpu.memory_space<vmem>>[vector<16xi32>], vector<16xi32>, vector<16xi1>
      %reduce_sum3A_282 = arith.constant true
      %reduce_sum3A_283 = vector.broadcast %reduce_sum3A_282 : i1 to vector<16xi1>
      %reduce_sum3A_284 = tpu.scan <sum>, %convert_element_type3A_272 masked %reduce_sum3A_283 : vector<16xi32>, vector<16xi1> -> vector<16xi32>
      %reduce_sum3A_285 = vector.extract %reduce_sum3A_284[15] : i32 from vector<16xi32>
      %add3A_286 = arith.addi %scan3A_239, %reduce_sum3A_285 : i32
      %eq3A_287 = arith.constant 2 : i32
      %eq3A_288 = vector.broadcast %eq3A_287 : i32 to vector<16xi32>
      %eq3A_289 = arith.cmpi eq, %shift_right_arithmetic3A_250, %eq3A_288 : vector<16xi32>
      %convert_element_type3A_290 = arith.extui %eq3A_289 : vector<16xi1> to vector<16xi32>
      %broadcast_in_dim3A_291 = arith.constant true
      %broadcast_in_dim3A_292 = vector.broadcast %broadcast_in_dim3A_291 : i1 to vector<16xi1>
      %masked_cumsum3A_293 = tpu.scan <sum>, %convert_element_type3A_290 masked %broadcast_in_dim3A_292 : vector<16xi32>, vector<16xi1> -> vector<16xi32>
      %sub3A_294 = arith.constant 1 : i32
      %sub3A_295 = vector.broadcast %sub3A_294 : i32 to vector<16xi32>
      %sub3A_296 = arith.subi %masked_cumsum3A_293, %sub3A_295 : vector<16xi32>
      %add3A_297 = vector.broadcast %scan3A_240 : i32 to vector<16xi32>
      %add3A_298 = arith.addi %add3A_297, %sub3A_296 : vector<16xi32>
      %select_n3A_299 = arith.select %eq3A_289, %add3A_298, %select_n3A_281 : vector<16xi1>, vector<16xi32>
      tpu.vector_store_idx %arg6[%add3A_298], %add3A_255 masked %eq3A_289 : memref<768xi32, #tpu.memory_space<vmem>>[vector<16xi32>], vector<16xi32>, vector<16xi1>
      %reduce_sum3A_300 = arith.constant true
      %reduce_sum3A_301 = vector.broadcast %reduce_sum3A_300 : i1 to vector<16xi1>
      %reduce_sum3A_302 = tpu.scan <sum>, %convert_element_type3A_290 masked %reduce_sum3A_301 : vector<16xi32>, vector<16xi1> -> vector<16xi32>
      %reduce_sum3A_303 = vector.extract %reduce_sum3A_302[15] : i32 from vector<16xi32>
      %add3A_304 = arith.addi %scan3A_240, %reduce_sum3A_303 : i32
      %eq3A_305 = arith.constant 3 : i32
      %eq3A_306 = vector.broadcast %eq3A_305 : i32 to vector<16xi32>
      %eq3A_307 = arith.cmpi eq, %shift_right_arithmetic3A_250, %eq3A_306 : vector<16xi32>
      %convert_element_type3A_308 = arith.extui %eq3A_307 : vector<16xi1> to vector<16xi32>
      %broadcast_in_dim3A_309 = arith.constant true
      %broadcast_in_dim3A_310 = vector.broadcast %broadcast_in_dim3A_309 : i1 to vector<16xi1>
      %masked_cumsum3A_311 = tpu.scan <sum>, %convert_element_type3A_308 masked %broadcast_in_dim3A_310 : vector<16xi32>, vector<16xi1> -> vector<16xi32>
      %sub3A_312 = arith.constant 1 : i32
      %sub3A_313 = vector.broadcast %sub3A_312 : i32 to vector<16xi32>
      %sub3A_314 = arith.subi %masked_cumsum3A_311, %sub3A_313 : vector<16xi32>
      %add3A_315 = vector.broadcast %scan3A_241 : i32 to vector<16xi32>
      %add3A_316 = arith.addi %add3A_315, %sub3A_314 : vector<16xi32>
      %select_n3A_317 = arith.select %eq3A_307, %add3A_316, %select_n3A_299 : vector<16xi1>, vector<16xi32>
      tpu.vector_store_idx %arg6[%add3A_316], %add3A_255 masked %eq3A_307 : memref<768xi32, #tpu.memory_space<vmem>>[vector<16xi32>], vector<16xi32>, vector<16xi1>
      %reduce_sum3A_318 = arith.constant true
      %reduce_sum3A_319 = vector.broadcast %reduce_sum3A_318 : i1 to vector<16xi1>
      %reduce_sum3A_320 = tpu.scan <sum>, %convert_element_type3A_308 masked %reduce_sum3A_319 : vector<16xi32>, vector<16xi1> -> vector<16xi32>
      %reduce_sum3A_321 = vector.extract %reduce_sum3A_320[15] : i32 from vector<16xi32>
      %add3A_322 = arith.addi %scan3A_241, %reduce_sum3A_321 : i32
      %eq3A_323 = arith.constant 4 : i32
      %eq3A_324 = vector.broadcast %eq3A_323 : i32 to vector<16xi32>
      %eq3A_325 = arith.cmpi eq, %shift_right_arithmetic3A_250, %eq3A_324 : vector<16xi32>
      %convert_element_type3A_326 = arith.extui %eq3A_325 : vector<16xi1> to vector<16xi32>
      %broadcast_in_dim3A_327 = arith.constant true
      %broadcast_in_dim3A_328 = vector.broadcast %broadcast_in_dim3A_327 : i1 to vector<16xi1>
      %masked_cumsum3A_329 = tpu.scan <sum>, %convert_element_type3A_326 masked %broadcast_in_dim3A_328 : vector<16xi32>, vector<16xi1> -> vector<16xi32>
      %sub3A_330 = arith.constant 1 : i32
      %sub3A_331 = vector.broadcast %sub3A_330 : i32 to vector<16xi32>
      %sub3A_332 = arith.subi %masked_cumsum3A_329, %sub3A_331 : vector<16xi32>
      %add3A_333 = vector.broadcast %scan3A_242 : i32 to vector<16xi32>
      %add3A_334 = arith.addi %add3A_333, %sub3A_332 : vector<16xi32>
      %select_n3A_335 = arith.select %eq3A_325, %add3A_334, %select_n3A_317 : vector<16xi1>, vector<16xi32>
      tpu.vector_store_idx %arg6[%add3A_334], %add3A_255 masked %eq3A_325 : memref<768xi32, #tpu.memory_space<vmem>>[vector<16xi32>], vector<16xi32>, vector<16xi1>
      %reduce_sum3A_336 = arith.constant true
      %reduce_sum3A_337 = vector.broadcast %reduce_sum3A_336 : i1 to vector<16xi1>
      %reduce_sum3A_338 = tpu.scan <sum>, %convert_element_type3A_326 masked %reduce_sum3A_337 : vector<16xi32>, vector<16xi1> -> vector<16xi32>
      %reduce_sum3A_339 = vector.extract %reduce_sum3A_338[15] : i32 from vector<16xi32>
      %add3A_340 = arith.addi %scan3A_242, %reduce_sum3A_339 : i32
      %eq3A_341 = arith.constant 5 : i32
      %eq3A_342 = vector.broadcast %eq3A_341 : i32 to vector<16xi32>
      %eq3A_343 = arith.cmpi eq, %shift_right_arithmetic3A_250, %eq3A_342 : vector<16xi32>
      %convert_element_type3A_344 = arith.extui %eq3A_343 : vector<16xi1> to vector<16xi32>
      %broadcast_in_dim3A_345 = arith.constant true
      %broadcast_in_dim3A_346 = vector.broadcast %broadcast_in_dim3A_345 : i1 to vector<16xi1>
      %masked_cumsum3A_347 = tpu.scan <sum>, %convert_element_type3A_344 masked %broadcast_in_dim3A_346 : vector<16xi32>, vector<16xi1> -> vector<16xi32>
      %sub3A_348 = arith.constant 1 : i32
      %sub3A_349 = vector.broadcast %sub3A_348 : i32 to vector<16xi32>
      %sub3A_350 = arith.subi %masked_cumsum3A_347, %sub3A_349 : vector<16xi32>
      %add3A_351 = vector.broadcast %scan3A_243 : i32 to vector<16xi32>
      %add3A_352 = arith.addi %add3A_351, %sub3A_350 : vector<16xi32>
      %select_n3A_353 = arith.select %eq3A_343, %add3A_352, %select_n3A_335 : vector<16xi1>, vector<16xi32>
      tpu.vector_store_idx %arg6[%add3A_352], %add3A_255 masked %eq3A_343 : memref<768xi32, #tpu.memory_space<vmem>>[vector<16xi32>], vector<16xi32>, vector<16xi1>
      %reduce_sum3A_354 = arith.constant true
      %reduce_sum3A_355 = vector.broadcast %reduce_sum3A_354 : i1 to vector<16xi1>
      %reduce_sum3A_356 = tpu.scan <sum>, %convert_element_type3A_344 masked %reduce_sum3A_355 : vector<16xi32>, vector<16xi1> -> vector<16xi32>
      %reduce_sum3A_357 = vector.extract %reduce_sum3A_356[15] : i32 from vector<16xi32>
      %add3A_358 = arith.addi %scan3A_243, %reduce_sum3A_357 : i32
      %eq3A_359 = arith.constant 6 : i32
      %eq3A_360 = vector.broadcast %eq3A_359 : i32 to vector<16xi32>
      %eq3A_361 = arith.cmpi eq, %shift_right_arithmetic3A_250, %eq3A_360 : vector<16xi32>
      %convert_element_type3A_362 = arith.extui %eq3A_361 : vector<16xi1> to vector<16xi32>
      %broadcast_in_dim3A_363 = arith.constant true
      %broadcast_in_dim3A_364 = vector.broadcast %broadcast_in_dim3A_363 : i1 to vector<16xi1>
      %masked_cumsum3A_365 = tpu.scan <sum>, %convert_element_type3A_362 masked %broadcast_in_dim3A_364 : vector<16xi32>, vector<16xi1> -> vector<16xi32>
      %sub3A_366 = arith.constant 1 : i32
      %sub3A_367 = vector.broadcast %sub3A_366 : i32 to vector<16xi32>
      %sub3A_368 = arith.subi %masked_cumsum3A_365, %sub3A_367 : vector<16xi32>
      %add3A_369 = vector.broadcast %scan3A_244 : i32 to vector<16xi32>
      %add3A_370 = arith.addi %add3A_369, %sub3A_368 : vector<16xi32>
      %select_n3A_371 = arith.select %eq3A_361, %add3A_370, %select_n3A_353 : vector<16xi1>, vector<16xi32>
      tpu.vector_store_idx %arg6[%add3A_370], %add3A_255 masked %eq3A_361 : memref<768xi32, #tpu.memory_space<vmem>>[vector<16xi32>], vector<16xi32>, vector<16xi1>
      %reduce_sum3A_372 = arith.constant true
      %reduce_sum3A_373 = vector.broadcast %reduce_sum3A_372 : i1 to vector<16xi1>
      %reduce_sum3A_374 = tpu.scan <sum>, %convert_element_type3A_362 masked %reduce_sum3A_373 : vector<16xi32>, vector<16xi1> -> vector<16xi32>
      %reduce_sum3A_375 = vector.extract %reduce_sum3A_374[15] : i32 from vector<16xi32>
      %add3A_376 = arith.addi %scan3A_244, %reduce_sum3A_375 : i32
      %eq3A_377 = arith.constant 7 : i32
      %eq3A_378 = vector.broadcast %eq3A_377 : i32 to vector<16xi32>
      %eq3A_379 = arith.cmpi eq, %shift_right_arithmetic3A_250, %eq3A_378 : vector<16xi32>
      %convert_element_type3A_380 = arith.extui %eq3A_379 : vector<16xi1> to vector<16xi32>
      %broadcast_in_dim3A_381 = arith.constant true
      %broadcast_in_dim3A_382 = vector.broadcast %broadcast_in_dim3A_381 : i1 to vector<16xi1>
      %masked_cumsum3A_383 = tpu.scan <sum>, %convert_element_type3A_380 masked %broadcast_in_dim3A_382 : vector<16xi32>, vector<16xi1> -> vector<16xi32>
      %sub3A_384 = arith.constant 1 : i32
      %sub3A_385 = vector.broadcast %sub3A_384 : i32 to vector<16xi32>
      %sub3A_386 = arith.subi %masked_cumsum3A_383, %sub3A_385 : vector<16xi32>
      %add3A_387 = vector.broadcast %scan3A_245 : i32 to vector<16xi32>
      %add3A_388 = arith.addi %add3A_387, %sub3A_386 : vector<16xi32>
      %select_n3A_389 = arith.select %eq3A_379, %add3A_388, %select_n3A_371 : vector<16xi1>, vector<16xi32>
      tpu.vector_store_idx %arg6[%add3A_388], %add3A_255 masked %eq3A_379 : memref<768xi32, #tpu.memory_space<vmem>>[vector<16xi32>], vector<16xi32>, vector<16xi1>
      %reduce_sum3A_390 = arith.constant true
      %reduce_sum3A_391 = vector.broadcast %reduce_sum3A_390 : i1 to vector<16xi1>
      %reduce_sum3A_392 = tpu.scan <sum>, %convert_element_type3A_380 masked %reduce_sum3A_391 : vector<16xi32>, vector<16xi1> -> vector<16xi32>
      %reduce_sum3A_393 = vector.extract %reduce_sum3A_392[15] : i32 from vector<16xi32>
      %add3A_394 = arith.addi %scan3A_245, %reduce_sum3A_393 : i32
      %mul3A_395 = arith.constant 16 : i32
      %mul3A_396 = arith.muli %scan3A_237, %mul3A_395 : i32
      %swap3A = arith.index_cast %mul3A_396 : i32 to index
      %swap3A_397 = tpu.vector_load %arg7[%swap3A] {strides = array<i32>} : memref<512xi32, #tpu.memory_space<vmem>>, vector<16xi32>,
      tpu.vector_store %arg7[%swap3A], %select_n3A_389 {strides = array<i32>} : memref<512xi32, #tpu.memory_space<vmem>>, vector<16xi32>,
      scf.yield %add3A_268, %add3A_286, %add3A_304, %add3A_322, %add3A_340, %add3A_358, %add3A_376, %add3A_394 : i32, i32, i32, i32, i32, i32, i32, i32
    }
    %scan3A_68 = arith.constant 32 : i32
    %add3A_69 = arith.constant 31 : i32
    %add3A_70 = arith.addi %scan3A_20#0, %add3A_69 : i32
    %and3A_71 = arith.constant -32 : i32
    %and3A_72 = arith.andi %add3A_70, %and3A_71 : i32
    %scan3A_73 = arith.constant 0 : i32
    %scan3A_74 = arith.constant 0 : i32
    %scan3A_75 = arith.constant 0 : i32
    %scan3A_76 = arith.constant 16 : i32
    %scan3A_77 = arith.addi %scan3A_75, %scan3A_76 : i32
    %scan3A_78 = arith.constant 1 : i32
    scf.for %scan3A_237 = %scan3A_75 to %scan3A_77 step %scan3A_78  : i32 {
      %mul3A_238 = arith.constant 32 : i32
      %mul3A_239 = arith.muli %scan3A_237, %mul3A_238 : i32
      %lt3A = arith.cmpi slt, %mul3A_239, %and3A_72 : i32
      %convert_element_type3A = arith.extui %lt3A : i1 to i32
      %cond3A = arith.constant 0 : i32
      %cond3A_240 = arith.cmpi ne, %convert_element_type3A, %cond3A : i32
      scf.if %cond3A_240 {
        %mul3A_241 = arith.constant 32 : i32
        %mul3A_242 = arith.muli %scan3A_237, %mul3A_241 : i32
        %add3A_243 = arith.addi %scan3A_74, %mul3A_242 : i32
        %multiple_of3A = tpu.assume_multiple %add3A_243, 32 : i32
        %mul3A_244 = arith.constant 0 : i32
        %mul3A_245 = arith.muli %mul3A_244, %multiple_of3A : i32
        %add3A_246 = arith.constant 0 : i32
        %add3A_247 = arith.addi %add3A_246, %mul3A_245 : i32
        %multiple_of3A_248 = tpu.assume_multiple %add3A_247, 128 : i32
        %dma_start3A = arith.constant 0 : i32
        %dma_start3A_249 = tpu.memref_slice %arg8[%multiple_of3A, %dma_start3A] : memref<768x128xf32, #tpu.memory_space<vmem>> -> memref<32x128xf32, #tpu.memory_space<vmem>>
        %dma_start3A_250 = tpu.memref_slice %arg6[%multiple_of3A] : memref<768xi32, #tpu.memory_space<vmem>> -> memref<32xi32, #tpu.memory_space<vmem>>
        %dma_start3A_251 = arith.constant 0 : i32
        %dma_start3A_252 = tpu.memref_slice %arg2[%dma_start3A_251, %multiple_of3A_248] : memref<16384x1000xf32, #tpu.memory_space<hbm>> -> memref<16384x128xf32, #tpu.memory_space<hbm>>
        %dma_start3A_253 = arith.constant -1 : i32
        tpu.enqueue_indirect_dma source(%dma_start3A_252 : memref<16384x128xf32, #tpu.memory_space<hbm>>) target(%dma_start3A_249 : memref<32x128xf32, #tpu.memory_space<vmem>>) offsets(%dma_start3A_250 : memref<32xi32, #tpu.memory_space<vmem>>) offset_filter(%dma_start3A_253) semaphore(%arg10 : memref<!tpu.dma_semaphore, #tpu.memory_space<semaphore_mem>>)
      } else {
      }
    }
    %scan3A_79 = arith.constant 16 : i32
    %add3A_80 = arith.constant 31 : i32
    %add3A_81 = arith.addi %scan3A_20#1, %add3A_80 : i32
    %and3A_82 = arith.constant -32 : i32
    %and3A_83 = arith.andi %add3A_81, %and3A_82 : i32
    %scan3A_84 = arith.constant 0 : i32
    %scan3A_85 = arith.constant 0 : i32
    %scan3A_86 = arith.constant 16 : i32
    %scan3A_87 = arith.addi %scan3A_85, %scan3A_86 : i32
    %scan3A_88 = arith.constant 1 : i32
    scf.for %scan3A_237 = %scan3A_85 to %scan3A_87 step %scan3A_88  : i32 {
      %mul3A_238 = arith.constant 32 : i32
      %mul3A_239 = arith.muli %scan3A_237, %mul3A_238 : i32
      %lt3A = arith.cmpi slt, %mul3A_239, %and3A_83 : i32
      %convert_element_type3A = arith.extui %lt3A : i1 to i32
      %cond3A = arith.constant 0 : i32
      %cond3A_240 = arith.cmpi ne, %convert_element_type3A, %cond3A : i32
      scf.if %cond3A_240 {
        %mul3A_241 = arith.constant 32 : i32
        %mul3A_242 = arith.muli %scan3A_237, %mul3A_241 : i32
        %add3A_243 = arith.addi %add3A_26, %mul3A_242 : i32
        %multiple_of3A = tpu.assume_multiple %add3A_243, 32 : i32
        %mul3A_244 = arith.constant 0 : i32
        %mul3A_245 = arith.muli %mul3A_244, %multiple_of3A : i32
        %add3A_246 = arith.constant 128 : i32
        %add3A_247 = arith.addi %add3A_246, %mul3A_245 : i32
        %multiple_of3A_248 = tpu.assume_multiple %add3A_247, 128 : i32
        %dma_start3A = arith.constant 0 : i32
        %dma_start3A_249 = tpu.memref_slice %arg8[%multiple_of3A, %dma_start3A] : memref<768x128xf32, #tpu.memory_space<vmem>> -> memref<32x128xf32, #tpu.memory_space<vmem>>
        %dma_start3A_250 = tpu.memref_slice %arg6[%multiple_of3A] : memref<768xi32, #tpu.memory_space<vmem>> -> memref<32xi32, #tpu.memory_space<vmem>>
        %dma_start3A_251 = arith.constant 0 : i32
        %dma_start3A_252 = tpu.memref_slice %arg2[%dma_start3A_251, %multiple_of3A_248] : memref<16384x1000xf32, #tpu.memory_space<hbm>> -> memref<16384x128xf32, #tpu.memory_space<hbm>>
        %dma_start3A_253 = arith.constant -1 : i32
        tpu.enqueue_indirect_dma source(%dma_start3A_252 : memref<16384x128xf32, #tpu.memory_space<hbm>>) target(%dma_start3A_249 : memref<32x128xf32, #tpu.memory_space<vmem>>) offsets(%dma_start3A_250 : memref<32xi32, #tpu.memory_space<vmem>>) offset_filter(%dma_start3A_253) semaphore(%arg10 : memref<!tpu.dma_semaphore, #tpu.memory_space<semaphore_mem>>)
      } else {
      }
    }
    %scan3A_89 = arith.constant 16 : i32
    %add3A_90 = arith.constant 31 : i32
    %add3A_91 = arith.addi %scan3A_20#2, %add3A_90 : i32
    %and3A_92 = arith.constant -32 : i32
    %and3A_93 = arith.andi %add3A_91, %and3A_92 : i32
    %scan3A_94 = arith.constant 0 : i32
    %scan3A_95 = arith.constant 0 : i32
    %scan3A_96 = arith.constant 16 : i32
    %scan3A_97 = arith.addi %scan3A_95, %scan3A_96 : i32
    %scan3A_98 = arith.constant 1 : i32
    scf.for %scan3A_237 = %scan3A_95 to %scan3A_97 step %scan3A_98  : i32 {
      %mul3A_238 = arith.constant 32 : i32
      %mul3A_239 = arith.muli %scan3A_237, %mul3A_238 : i32
      %lt3A = arith.cmpi slt, %mul3A_239, %and3A_93 : i32
      %convert_element_type3A = arith.extui %lt3A : i1 to i32
      %cond3A = arith.constant 0 : i32
      %cond3A_240 = arith.cmpi ne, %convert_element_type3A, %cond3A : i32
      scf.if %cond3A_240 {
        %mul3A_241 = arith.constant 32 : i32
        %mul3A_242 = arith.muli %scan3A_237, %mul3A_241 : i32
        %add3A_243 = arith.addi %add3A_31, %mul3A_242 : i32
        %multiple_of3A = tpu.assume_multiple %add3A_243, 32 : i32
        %mul3A_244 = arith.constant 0 : i32
        %mul3A_245 = arith.muli %mul3A_244, %multiple_of3A : i32
        %add3A_246 = arith.constant 256 : i32
        %add3A_247 = arith.addi %add3A_246, %mul3A_245 : i32
        %multiple_of3A_248 = tpu.assume_multiple %add3A_247, 128 : i32
        %dma_start3A = arith.constant 0 : i32
        %dma_start3A_249 = tpu.memref_slice %arg8[%multiple_of3A, %dma_start3A] : memref<768x128xf32, #tpu.memory_space<vmem>> -> memref<32x128xf32, #tpu.memory_space<vmem>>
        %dma_start3A_250 = tpu.memref_slice %arg6[%multiple_of3A] : memref<768xi32, #tpu.memory_space<vmem>> -> memref<32xi32, #tpu.memory_space<vmem>>
        %dma_start3A_251 = arith.constant 0 : i32
        %dma_start3A_252 = tpu.memref_slice %arg2[%dma_start3A_251, %multiple_of3A_248] : memref<16384x1000xf32, #tpu.memory_space<hbm>> -> memref<16384x128xf32, #tpu.memory_space<hbm>>
        %dma_start3A_253 = arith.constant -1 : i32
        tpu.enqueue_indirect_dma source(%dma_start3A_252 : memref<16384x128xf32, #tpu.memory_space<hbm>>) target(%dma_start3A_249 : memref<32x128xf32, #tpu.memory_space<vmem>>) offsets(%dma_start3A_250 : memref<32xi32, #tpu.memory_space<vmem>>) offset_filter(%dma_start3A_253) semaphore(%arg10 : memref<!tpu.dma_semaphore, #tpu.memory_space<semaphore_mem>>)
      } else {
      }
    }
    %scan3A_99 = arith.constant 16 : i32
    %add3A_100 = arith.constant 31 : i32
    %add3A_101 = arith.addi %scan3A_20#3, %add3A_100 : i32
    %and3A_102 = arith.constant -32 : i32
    %and3A_103 = arith.andi %add3A_101, %and3A_102 : i32
    %scan3A_104 = arith.constant 0 : i32
    %scan3A_105 = arith.constant 0 : i32
    %scan3A_106 = arith.constant 16 : i32
    %scan3A_107 = arith.addi %scan3A_105, %scan3A_106 : i32
    %scan3A_108 = arith.constant 1 : i32
    scf.for %scan3A_237 = %scan3A_105 to %scan3A_107 step %scan3A_108  : i32 {
      %mul3A_238 = arith.constant 32 : i32
      %mul3A_239 = arith.muli %scan3A_237, %mul3A_238 : i32
      %lt3A = arith.cmpi slt, %mul3A_239, %and3A_103 : i32
      %convert_element_type3A = arith.extui %lt3A : i1 to i32
      %cond3A = arith.constant 0 : i32
      %cond3A_240 = arith.cmpi ne, %convert_element_type3A, %cond3A : i32
      scf.if %cond3A_240 {
        %mul3A_241 = arith.constant 32 : i32
        %mul3A_242 = arith.muli %scan3A_237, %mul3A_241 : i32
        %add3A_243 = arith.addi %add3A_36, %mul3A_242 : i32
        %multiple_of3A = tpu.assume_multiple %add3A_243, 32 : i32
        %mul3A_244 = arith.constant 0 : i32
        %mul3A_245 = arith.muli %mul3A_244, %multiple_of3A : i32
        %add3A_246 = arith.constant 384 : i32
        %add3A_247 = arith.addi %add3A_246, %mul3A_245 : i32
        %multiple_of3A_248 = tpu.assume_multiple %add3A_247, 128 : i32
        %dma_start3A = arith.constant 0 : i32
        %dma_start3A_249 = tpu.memref_slice %arg8[%multiple_of3A, %dma_start3A] : memref<768x128xf32, #tpu.memory_space<vmem>> -> memref<32x128xf32, #tpu.memory_space<vmem>>
        %dma_start3A_250 = tpu.memref_slice %arg6[%multiple_of3A] : memref<768xi32, #tpu.memory_space<vmem>> -> memref<32xi32, #tpu.memory_space<vmem>>
        %dma_start3A_251 = arith.constant 0 : i32
        %dma_start3A_252 = tpu.memref_slice %arg2[%dma_start3A_251, %multiple_of3A_248] : memref<16384x1000xf32, #tpu.memory_space<hbm>> -> memref<16384x128xf32, #tpu.memory_space<hbm>>
        %dma_start3A_253 = arith.constant -1 : i32
        tpu.enqueue_indirect_dma source(%dma_start3A_252 : memref<16384x128xf32, #tpu.memory_space<hbm>>) target(%dma_start3A_249 : memref<32x128xf32, #tpu.memory_space<vmem>>) offsets(%dma_start3A_250 : memref<32xi32, #tpu.memory_space<vmem>>) offset_filter(%dma_start3A_253) semaphore(%arg10 : memref<!tpu.dma_semaphore, #tpu.memory_space<semaphore_mem>>)
      } else {
      }
    }
    %scan3A_109 = arith.constant 16 : i32
    %add3A_110 = arith.constant 31 : i32
    %add3A_111 = arith.addi %scan3A_20#4, %add3A_110 : i32
    %and3A_112 = arith.constant -32 : i32
    %and3A_113 = arith.andi %add3A_111, %and3A_112 : i32
    %scan3A_114 = arith.constant 0 : i32
    %scan3A_115 = arith.constant 0 : i32
    %scan3A_116 = arith.constant 16 : i32
    %scan3A_117 = arith.addi %scan3A_115, %scan3A_116 : i32
    %scan3A_118 = arith.constant 1 : i32
    scf.for %scan3A_237 = %scan3A_115 to %scan3A_117 step %scan3A_118  : i32 {
      %mul3A_238 = arith.constant 32 : i32
      %mul3A_239 = arith.muli %scan3A_237, %mul3A_238 : i32
      %lt3A = arith.cmpi slt, %mul3A_239, %and3A_113 : i32
      %convert_element_type3A = arith.extui %lt3A : i1 to i32
      %cond3A = arith.constant 0 : i32
      %cond3A_240 = arith.cmpi ne, %convert_element_type3A, %cond3A : i32
      scf.if %cond3A_240 {
        %mul3A_241 = arith.constant 32 : i32
        %mul3A_242 = arith.muli %scan3A_237, %mul3A_241 : i32
        %add3A_243 = arith.addi %add3A_41, %mul3A_242 : i32
        %multiple_of3A = tpu.assume_multiple %add3A_243, 32 : i32
        %mul3A_244 = arith.constant 0 : i32
        %mul3A_245 = arith.muli %mul3A_244, %multiple_of3A : i32
        %add3A_246 = arith.constant 512 : i32
        %add3A_247 = arith.addi %add3A_246, %mul3A_245 : i32
        %multiple_of3A_248 = tpu.assume_multiple %add3A_247, 128 : i32
        %dma_start3A = arith.constant 0 : i32
        %dma_start3A_249 = tpu.memref_slice %arg8[%multiple_of3A, %dma_start3A] : memref<768x128xf32, #tpu.memory_space<vmem>> -> memref<32x128xf32, #tpu.memory_space<vmem>>
        %dma_start3A_250 = tpu.memref_slice %arg6[%multiple_of3A] : memref<768xi32, #tpu.memory_space<vmem>> -> memref<32xi32, #tpu.memory_space<vmem>>
        %dma_start3A_251 = arith.constant 0 : i32
        %dma_start3A_252 = tpu.memref_slice %arg2[%dma_start3A_251, %multiple_of3A_248] : memref<16384x1000xf32, #tpu.memory_space<hbm>> -> memref<16384x128xf32, #tpu.memory_space<hbm>>
        %dma_start3A_253 = arith.constant -1 : i32
        tpu.enqueue_indirect_dma source(%dma_start3A_252 : memref<16384x128xf32, #tpu.memory_space<hbm>>) target(%dma_start3A_249 : memref<32x128xf32, #tpu.memory_space<vmem>>) offsets(%dma_start3A_250 : memref<32xi32, #tpu.memory_space<vmem>>) offset_filter(%dma_start3A_253) semaphore(%arg10 : memref<!tpu.dma_semaphore, #tpu.memory_space<semaphore_mem>>)
      } else {
      }
    }
    %scan3A_119 = arith.constant 16 : i32
    %add3A_120 = arith.constant 31 : i32
    %add3A_121 = arith.addi %scan3A_20#5, %add3A_120 : i32
    %and3A_122 = arith.constant -32 : i32
    %and3A_123 = arith.andi %add3A_121, %and3A_122 : i32
    %scan3A_124 = arith.constant 0 : i32
    %scan3A_125 = arith.constant 0 : i32
    %scan3A_126 = arith.constant 16 : i32
    %scan3A_127 = arith.addi %scan3A_125, %scan3A_126 : i32
    %scan3A_128 = arith.constant 1 : i32
    scf.for %scan3A_237 = %scan3A_125 to %scan3A_127 step %scan3A_128  : i32 {
      %mul3A_238 = arith.constant 32 : i32
      %mul3A_239 = arith.muli %scan3A_237, %mul3A_238 : i32
      %lt3A = arith.cmpi slt, %mul3A_239, %and3A_123 : i32
      %convert_element_type3A = arith.extui %lt3A : i1 to i32
      %cond3A = arith.constant 0 : i32
      %cond3A_240 = arith.cmpi ne, %convert_element_type3A, %cond3A : i32
      scf.if %cond3A_240 {
        %mul3A_241 = arith.constant 32 : i32
        %mul3A_242 = arith.muli %scan3A_237, %mul3A_241 : i32
        %add3A_243 = arith.addi %add3A_46, %mul3A_242 : i32
        %multiple_of3A = tpu.assume_multiple %add3A_243, 32 : i32
        %mul3A_244 = arith.constant 0 : i32
        %mul3A_245 = arith.muli %mul3A_244, %multiple_of3A : i32
        %add3A_246 = arith.constant 640 : i32
        %add3A_247 = arith.addi %add3A_246, %mul3A_245 : i32
        %multiple_of3A_248 = tpu.assume_multiple %add3A_247, 128 : i32
        %dma_start3A = arith.constant 0 : i32
        %dma_start3A_249 = tpu.memref_slice %arg8[%multiple_of3A, %dma_start3A] : memref<768x128xf32, #tpu.memory_space<vmem>> -> memref<32x128xf32, #tpu.memory_space<vmem>>
        %dma_start3A_250 = tpu.memref_slice %arg6[%multiple_of3A] : memref<768xi32, #tpu.memory_space<vmem>> -> memref<32xi32, #tpu.memory_space<vmem>>
        %dma_start3A_251 = arith.constant 0 : i32
        %dma_start3A_252 = tpu.memref_slice %arg2[%dma_start3A_251, %multiple_of3A_248] : memref<16384x1000xf32, #tpu.memory_space<hbm>> -> memref<16384x128xf32, #tpu.memory_space<hbm>>
        %dma_start3A_253 = arith.constant -1 : i32
        tpu.enqueue_indirect_dma source(%dma_start3A_252 : memref<16384x128xf32, #tpu.memory_space<hbm>>) target(%dma_start3A_249 : memref<32x128xf32, #tpu.memory_space<vmem>>) offsets(%dma_start3A_250 : memref<32xi32, #tpu.memory_space<vmem>>) offset_filter(%dma_start3A_253) semaphore(%arg10 : memref<!tpu.dma_semaphore, #tpu.memory_space<semaphore_mem>>)
      } else {
      }
    }
    %scan3A_129 = arith.constant 16 : i32
    %add3A_130 = arith.constant 31 : i32
    %add3A_131 = arith.addi %scan3A_20#6, %add3A_130 : i32
    %and3A_132 = arith.constant -32 : i32
    %and3A_133 = arith.andi %add3A_131, %and3A_132 : i32
    %scan3A_134 = arith.constant 0 : i32
    %scan3A_135 = arith.constant 0 : i32
    %scan3A_136 = arith.constant 16 : i32
    %scan3A_137 = arith.addi %scan3A_135, %scan3A_136 : i32
    %scan3A_138 = arith.constant 1 : i32
    scf.for %scan3A_237 = %scan3A_135 to %scan3A_137 step %scan3A_138  : i32 {
      %mul3A_238 = arith.constant 32 : i32
      %mul3A_239 = arith.muli %scan3A_237, %mul3A_238 : i32
      %lt3A = arith.cmpi slt, %mul3A_239, %and3A_133 : i32
      %convert_element_type3A = arith.extui %lt3A : i1 to i32
      %cond3A = arith.constant 0 : i32
      %cond3A_240 = arith.cmpi ne, %convert_element_type3A, %cond3A : i32
      scf.if %cond3A_240 {
        %mul3A_241 = arith.constant 32 : i32
        %mul3A_242 = arith.muli %scan3A_237, %mul3A_241 : i32
        %add3A_243 = arith.addi %add3A_51, %mul3A_242 : i32
        %multiple_of3A = tpu.assume_multiple %add3A_243, 32 : i32
        %mul3A_244 = arith.constant 0 : i32
        %mul3A_245 = arith.muli %mul3A_244, %multiple_of3A : i32
        %add3A_246 = arith.constant 768 : i32
        %add3A_247 = arith.addi %add3A_246, %mul3A_245 : i32
        %multiple_of3A_248 = tpu.assume_multiple %add3A_247, 128 : i32
        %dma_start3A = arith.constant 0 : i32
        %dma_start3A_249 = tpu.memref_slice %arg8[%multiple_of3A, %dma_start3A] : memref<768x128xf32, #tpu.memory_space<vmem>> -> memref<32x128xf32, #tpu.memory_space<vmem>>
        %dma_start3A_250 = tpu.memref_slice %arg6[%multiple_of3A] : memref<768xi32, #tpu.memory_space<vmem>> -> memref<32xi32, #tpu.memory_space<vmem>>
        %dma_start3A_251 = arith.constant 0 : i32
        %dma_start3A_252 = tpu.memref_slice %arg2[%dma_start3A_251, %multiple_of3A_248] : memref<16384x1000xf32, #tpu.memory_space<hbm>> -> memref<16384x128xf32, #tpu.memory_space<hbm>>
        %dma_start3A_253 = arith.constant -1 : i32
        tpu.enqueue_indirect_dma source(%dma_start3A_252 : memref<16384x128xf32, #tpu.memory_space<hbm>>) target(%dma_start3A_249 : memref<32x128xf32, #tpu.memory_space<vmem>>) offsets(%dma_start3A_250 : memref<32xi32, #tpu.memory_space<vmem>>) offset_filter(%dma_start3A_253) semaphore(%arg10 : memref<!tpu.dma_semaphore, #tpu.memory_space<semaphore_mem>>)
      } else {
      }
    }
    %scan3A_139 = arith.constant 16 : i32
    %add3A_140 = arith.constant 31 : i32
    %add3A_141 = arith.addi %scan3A_20#7, %add3A_140 : i32
    %and3A_142 = arith.constant -32 : i32
    %and3A_143 = arith.andi %add3A_141, %and3A_142 : i32
    %scan3A_144 = arith.constant 0 : i32
    %scan3A_145 = arith.constant 0 : i32
    %scan3A_146 = arith.constant 16 : i32
    %scan3A_147 = arith.addi %scan3A_145, %scan3A_146 : i32
    %scan3A_148 = arith.constant 1 : i32
    scf.for %scan3A_237 = %scan3A_145 to %scan3A_147 step %scan3A_148  : i32 {
      %mul3A_238 = arith.constant 32 : i32
      %mul3A_239 = arith.muli %scan3A_237, %mul3A_238 : i32
      %lt3A = arith.cmpi slt, %mul3A_239, %and3A_143 : i32
      %convert_element_type3A = arith.extui %lt3A : i1 to i32
      %cond3A = arith.constant 0 : i32
      %cond3A_240 = arith.cmpi ne, %convert_element_type3A, %cond3A : i32
      scf.if %cond3A_240 {
        %mul3A_241 = arith.constant 32 : i32
        %mul3A_242 = arith.muli %scan3A_237, %mul3A_241 : i32
        %add3A_243 = arith.addi %add3A_56, %mul3A_242 : i32
        %multiple_of3A = tpu.assume_multiple %add3A_243, 32 : i32
        %mul3A_244 = arith.constant 0 : i32
        %mul3A_245 = arith.muli %mul3A_244, %multiple_of3A : i32
        %add3A_246 = arith.constant 896 : i32
        %add3A_247 = arith.addi %add3A_246, %mul3A_245 : i32
        %multiple_of3A_248 = tpu.assume_multiple %add3A_247, 128 : i32
        %dma_start3A = arith.constant 0 : i32
        %dma_start3A_249 = tpu.memref_slice %arg8[%multiple_of3A, %dma_start3A] : memref<768x128xf32, #tpu.memory_space<vmem>> -> memref<32x128xf32, #tpu.memory_space<vmem>>
        %dma_start3A_250 = tpu.memref_slice %arg6[%multiple_of3A] : memref<768xi32, #tpu.memory_space<vmem>> -> memref<32xi32, #tpu.memory_space<vmem>>
        %dma_start3A_251 = arith.constant 0 : i32
        %dma_start3A_252 = tpu.memref_slice %arg2[%dma_start3A_251, %multiple_of3A_248] : memref<16384x1000xf32, #tpu.memory_space<hbm>> -> memref<16384x128xf32, #tpu.memory_space<hbm>>
        %dma_start3A_253 = arith.constant -1 : i32
        tpu.enqueue_indirect_dma source(%dma_start3A_252 : memref<16384x128xf32, #tpu.memory_space<hbm>>) target(%dma_start3A_249 : memref<32x128xf32, #tpu.memory_space<vmem>>) offsets(%dma_start3A_250 : memref<32xi32, #tpu.memory_space<vmem>>) offset_filter(%dma_start3A_253) semaphore(%arg10 : memref<!tpu.dma_semaphore, #tpu.memory_space<semaphore_mem>>)
      } else {
      }
    }
    %scan3A_149 = arith.constant 16 : i32
    %add3A_150 = arith.constant 31 : i32
    %add3A_151 = arith.addi %scan3A_20#0, %add3A_150 : i32
    %and3A_152 = arith.constant -32 : i32
    %and3A_153 = arith.andi %add3A_151, %and3A_152 : i32
    %scan3A_154 = arith.constant 0 : i32
    %scan3A_155 = arith.constant 0 : i32
    %scan3A_156 = arith.constant 0 : i32
    %scan3A_157 = arith.constant 16 : i32
    %scan3A_158 = arith.addi %scan3A_156, %scan3A_157 : i32
    %scan3A_159 = arith.constant 1 : i32
    scf.for %scan3A_237 = %scan3A_156 to %scan3A_158 step %scan3A_159  : i32 {
      %mul3A_238 = arith.constant 32 : i32
      %mul3A_239 = arith.muli %scan3A_237, %mul3A_238 : i32
      %lt3A = arith.cmpi slt, %mul3A_239, %and3A_153 : i32
      %convert_element_type3A = arith.extui %lt3A : i1 to i32
      %cond3A = arith.constant 0 : i32
      %cond3A_240 = arith.cmpi ne, %convert_element_type3A, %cond3A : i32
      scf.if %cond3A_240 {
        %mul3A_241 = arith.constant 32 : i32
        %mul3A_242 = arith.muli %scan3A_237, %mul3A_241 : i32
        %add3A_243 = arith.addi %scan3A_155, %mul3A_242 : i32
        %multiple_of3A = tpu.assume_multiple %add3A_243, 32 : i32
        %mul3A_244 = arith.constant 0 : i32
        %mul3A_245 = arith.muli %mul3A_244, %multiple_of3A : i32
        %add3A_246 = arith.constant 0 : i32
        %add3A_247 = arith.addi %add3A_246, %mul3A_245 : i32
        %multiple_of3A_248 = tpu.assume_multiple %add3A_247, 128 : i32
        %dma_wait3A = arith.constant 0 : i32
        %dma_wait3A_249 = tpu.memref_slice %arg8[%multiple_of3A, %dma_wait3A] : memref<768x128xf32, #tpu.memory_space<vmem>> -> memref<32x128xf32, #tpu.memory_space<vmem>>
        %dma_wait3A_250 = tpu.memref_slice %arg6[%multiple_of3A] : memref<768xi32, #tpu.memory_space<vmem>> -> memref<32xi32, #tpu.memory_space<vmem>>
        %dma_wait3A_251 = arith.constant 0 : i32
        %dma_wait3A_252 = tpu.memref_slice %arg2[%dma_wait3A_251, %multiple_of3A_248] : memref<16384x1000xf32, #tpu.memory_space<hbm>> -> memref<16384x128xf32, #tpu.memory_space<hbm>>
        tpu.wait_indirect_dma semaphore(%arg10 : memref<!tpu.dma_semaphore, #tpu.memory_space<semaphore_mem>>) src(%dma_wait3A_252 : memref<16384x128xf32, #tpu.memory_space<hbm>>) dst(%dma_wait3A_249 : memref<32x128xf32, #tpu.memory_space<vmem>>)
      } else {
      }
    }
    %scan3A_160 = arith.constant 16 : i32
    %add3A_161 = arith.constant 31 : i32
    %add3A_162 = arith.addi %scan3A_20#1, %add3A_161 : i32
    %and3A_163 = arith.constant -32 : i32
    %and3A_164 = arith.andi %add3A_162, %and3A_163 : i32
    %scan3A_165 = arith.constant 0 : i32
    %scan3A_166 = arith.constant 0 : i32
    %scan3A_167 = arith.constant 16 : i32
    %scan3A_168 = arith.addi %scan3A_166, %scan3A_167 : i32
    %scan3A_169 = arith.constant 1 : i32
    scf.for %scan3A_237 = %scan3A_166 to %scan3A_168 step %scan3A_169  : i32 {
      %mul3A_238 = arith.constant 32 : i32
      %mul3A_239 = arith.muli %scan3A_237, %mul3A_238 : i32
      %lt3A = arith.cmpi slt, %mul3A_239, %and3A_164 : i32
      %convert_element_type3A = arith.extui %lt3A : i1 to i32
      %cond3A = arith.constant 0 : i32
      %cond3A_240 = arith.cmpi ne, %convert_element_type3A, %cond3A : i32
      scf.if %cond3A_240 {
        %mul3A_241 = arith.constant 32 : i32
        %mul3A_242 = arith.muli %scan3A_237, %mul3A_241 : i32
        %add3A_243 = arith.addi %add3A_26, %mul3A_242 : i32
        %multiple_of3A = tpu.assume_multiple %add3A_243, 32 : i32
        %mul3A_244 = arith.constant 0 : i32
        %mul3A_245 = arith.muli %mul3A_244, %multiple_of3A : i32
        %add3A_246 = arith.constant 128 : i32
        %add3A_247 = arith.addi %add3A_246, %mul3A_245 : i32
        %multiple_of3A_248 = tpu.assume_multiple %add3A_247, 128 : i32
        %dma_wait3A = arith.constant 0 : i32
        %dma_wait3A_249 = tpu.memref_slice %arg8[%multiple_of3A, %dma_wait3A] : memref<768x128xf32, #tpu.memory_space<vmem>> -> memref<32x128xf32, #tpu.memory_space<vmem>>
        %dma_wait3A_250 = tpu.memref_slice %arg6[%multiple_of3A] : memref<768xi32, #tpu.memory_space<vmem>> -> memref<32xi32, #tpu.memory_space<vmem>>
        %dma_wait3A_251 = arith.constant 0 : i32
        %dma_wait3A_252 = tpu.memref_slice %arg2[%dma_wait3A_251, %multiple_of3A_248] : memref<16384x1000xf32, #tpu.memory_space<hbm>> -> memref<16384x128xf32, #tpu.memory_space<hbm>>
        tpu.wait_indirect_dma semaphore(%arg10 : memref<!tpu.dma_semaphore, #tpu.memory_space<semaphore_mem>>) src(%dma_wait3A_252 : memref<16384x128xf32, #tpu.memory_space<hbm>>) dst(%dma_wait3A_249 : memref<32x128xf32, #tpu.memory_space<vmem>>)
      } else {
      }
    }
    %scan3A_170 = arith.constant 16 : i32
    %add3A_171 = arith.constant 31 : i32
    %add3A_172 = arith.addi %scan3A_20#2, %add3A_171 : i32
    %and3A_173 = arith.constant -32 : i32
    %and3A_174 = arith.andi %add3A_172, %and3A_173 : i32
    %scan3A_175 = arith.constant 0 : i32
    %scan3A_176 = arith.constant 0 : i32
    %scan3A_177 = arith.constant 16 : i32
    %scan3A_178 = arith.addi %scan3A_176, %scan3A_177 : i32
    %scan3A_179 = arith.constant 1 : i32
    scf.for %scan3A_237 = %scan3A_176 to %scan3A_178 step %scan3A_179  : i32 {
      %mul3A_238 = arith.constant 32 : i32
      %mul3A_239 = arith.muli %scan3A_237, %mul3A_238 : i32
      %lt3A = arith.cmpi slt, %mul3A_239, %and3A_174 : i32
      %convert_element_type3A = arith.extui %lt3A : i1 to i32
      %cond3A = arith.constant 0 : i32
      %cond3A_240 = arith.cmpi ne, %convert_element_type3A, %cond3A : i32
      scf.if %cond3A_240 {
        %mul3A_241 = arith.constant 32 : i32
        %mul3A_242 = arith.muli %scan3A_237, %mul3A_241 : i32
        %add3A_243 = arith.addi %add3A_31, %mul3A_242 : i32
        %multiple_of3A = tpu.assume_multiple %add3A_243, 32 : i32
        %mul3A_244 = arith.constant 0 : i32
        %mul3A_245 = arith.muli %mul3A_244, %multiple_of3A : i32
        %add3A_246 = arith.constant 256 : i32
        %add3A_247 = arith.addi %add3A_246, %mul3A_245 : i32
        %multiple_of3A_248 = tpu.assume_multiple %add3A_247, 128 : i32
        %dma_wait3A = arith.constant 0 : i32
        %dma_wait3A_249 = tpu.memref_slice %arg8[%multiple_of3A, %dma_wait3A] : memref<768x128xf32, #tpu.memory_space<vmem>> -> memref<32x128xf32, #tpu.memory_space<vmem>>
        %dma_wait3A_250 = tpu.memref_slice %arg6[%multiple_of3A] : memref<768xi32, #tpu.memory_space<vmem>> -> memref<32xi32, #tpu.memory_space<vmem>>
        %dma_wait3A_251 = arith.constant 0 : i32
        %dma_wait3A_252 = tpu.memref_slice %arg2[%dma_wait3A_251, %multiple_of3A_248] : memref<16384x1000xf32, #tpu.memory_space<hbm>> -> memref<16384x128xf32, #tpu.memory_space<hbm>>
        tpu.wait_indirect_dma semaphore(%arg10 : memref<!tpu.dma_semaphore, #tpu.memory_space<semaphore_mem>>) src(%dma_wait3A_252 : memref<16384x128xf32, #tpu.memory_space<hbm>>) dst(%dma_wait3A_249 : memref<32x128xf32, #tpu.memory_space<vmem>>)
      } else {
      }
    }
    %scan3A_180 = arith.constant 16 : i32
    %add3A_181 = arith.constant 31 : i32
    %add3A_182 = arith.addi %scan3A_20#3, %add3A_181 : i32
    %and3A_183 = arith.constant -32 : i32
    %and3A_184 = arith.andi %add3A_182, %and3A_183 : i32
    %scan3A_185 = arith.constant 0 : i32
    %scan3A_186 = arith.constant 0 : i32
    %scan3A_187 = arith.constant 16 : i32
    %scan3A_188 = arith.addi %scan3A_186, %scan3A_187 : i32
    %scan3A_189 = arith.constant 1 : i32
    scf.for %scan3A_237 = %scan3A_186 to %scan3A_188 step %scan3A_189  : i32 {
      %mul3A_238 = arith.constant 32 : i32
      %mul3A_239 = arith.muli %scan3A_237, %mul3A_238 : i32
      %lt3A = arith.cmpi slt, %mul3A_239, %and3A_184 : i32
      %convert_element_type3A = arith.extui %lt3A : i1 to i32
      %cond3A = arith.constant 0 : i32
      %cond3A_240 = arith.cmpi ne, %convert_element_type3A, %cond3A : i32
      scf.if %cond3A_240 {
        %mul3A_241 = arith.constant 32 : i32
        %mul3A_242 = arith.muli %scan3A_237, %mul3A_241 : i32
        %add3A_243 = arith.addi %add3A_36, %mul3A_242 : i32
        %multiple_of3A = tpu.assume_multiple %add3A_243, 32 : i32
        %mul3A_244 = arith.constant 0 : i32
        %mul3A_245 = arith.muli %mul3A_244, %multiple_of3A : i32
        %add3A_246 = arith.constant 384 : i32
        %add3A_247 = arith.addi %add3A_246, %mul3A_245 : i32
        %multiple_of3A_248 = tpu.assume_multiple %add3A_247, 128 : i32
        %dma_wait3A = arith.constant 0 : i32
        %dma_wait3A_249 = tpu.memref_slice %arg8[%multiple_of3A, %dma_wait3A] : memref<768x128xf32, #tpu.memory_space<vmem>> -> memref<32x128xf32, #tpu.memory_space<vmem>>
        %dma_wait3A_250 = tpu.memref_slice %arg6[%multiple_of3A] : memref<768xi32, #tpu.memory_space<vmem>> -> memref<32xi32, #tpu.memory_space<vmem>>
        %dma_wait3A_251 = arith.constant 0 : i32
        %dma_wait3A_252 = tpu.memref_slice %arg2[%dma_wait3A_251, %multiple_of3A_248] : memref<16384x1000xf32, #tpu.memory_space<hbm>> -> memref<16384x128xf32, #tpu.memory_space<hbm>>
        tpu.wait_indirect_dma semaphore(%arg10 : memref<!tpu.dma_semaphore, #tpu.memory_space<semaphore_mem>>) src(%dma_wait3A_252 : memref<16384x128xf32, #tpu.memory_space<hbm>>) dst(%dma_wait3A_249 : memref<32x128xf32, #tpu.memory_space<vmem>>)
      } else {
      }
    }
    %scan3A_190 = arith.constant 16 : i32
    %add3A_191 = arith.constant 31 : i32
    %add3A_192 = arith.addi %scan3A_20#4, %add3A_191 : i32
    %and3A_193 = arith.constant -32 : i32
    %and3A_194 = arith.andi %add3A_192, %and3A_193 : i32
    %scan3A_195 = arith.constant 0 : i32
    %scan3A_196 = arith.constant 0 : i32
    %scan3A_197 = arith.constant 16 : i32
    %scan3A_198 = arith.addi %scan3A_196, %scan3A_197 : i32
    %scan3A_199 = arith.constant 1 : i32
    scf.for %scan3A_237 = %scan3A_196 to %scan3A_198 step %scan3A_199  : i32 {
      %mul3A_238 = arith.constant 32 : i32
      %mul3A_239 = arith.muli %scan3A_237, %mul3A_238 : i32
      %lt3A = arith.cmpi slt, %mul3A_239, %and3A_194 : i32
      %convert_element_type3A = arith.extui %lt3A : i1 to i32
      %cond3A = arith.constant 0 : i32
      %cond3A_240 = arith.cmpi ne, %convert_element_type3A, %cond3A : i32
      scf.if %cond3A_240 {
        %mul3A_241 = arith.constant 32 : i32
        %mul3A_242 = arith.muli %scan3A_237, %mul3A_241 : i32
        %add3A_243 = arith.addi %add3A_41, %mul3A_242 : i32
        %multiple_of3A = tpu.assume_multiple %add3A_243, 32 : i32
        %mul3A_244 = arith.constant 0 : i32
        %mul3A_245 = arith.muli %mul3A_244, %multiple_of3A : i32
        %add3A_246 = arith.constant 512 : i32
        %add3A_247 = arith.addi %add3A_246, %mul3A_245 : i32
        %multiple_of3A_248 = tpu.assume_multiple %add3A_247, 128 : i32
        %dma_wait3A = arith.constant 0 : i32
        %dma_wait3A_249 = tpu.memref_slice %arg8[%multiple_of3A, %dma_wait3A] : memref<768x128xf32, #tpu.memory_space<vmem>> -> memref<32x128xf32, #tpu.memory_space<vmem>>
        %dma_wait3A_250 = tpu.memref_slice %arg6[%multiple_of3A] : memref<768xi32, #tpu.memory_space<vmem>> -> memref<32xi32, #tpu.memory_space<vmem>>
        %dma_wait3A_251 = arith.constant 0 : i32
        %dma_wait3A_252 = tpu.memref_slice %arg2[%dma_wait3A_251, %multiple_of3A_248] : memref<16384x1000xf32, #tpu.memory_space<hbm>> -> memref<16384x128xf32, #tpu.memory_space<hbm>>
        tpu.wait_indirect_dma semaphore(%arg10 : memref<!tpu.dma_semaphore, #tpu.memory_space<semaphore_mem>>) src(%dma_wait3A_252 : memref<16384x128xf32, #tpu.memory_space<hbm>>) dst(%dma_wait3A_249 : memref<32x128xf32, #tpu.memory_space<vmem>>)
      } else {
      }
    }
    %scan3A_200 = arith.constant 16 : i32
    %add3A_201 = arith.constant 31 : i32
    %add3A_202 = arith.addi %scan3A_20#5, %add3A_201 : i32
    %and3A_203 = arith.constant -32 : i32
    %and3A_204 = arith.andi %add3A_202, %and3A_203 : i32
    %scan3A_205 = arith.constant 0 : i32
    %scan3A_206 = arith.constant 0 : i32
    %scan3A_207 = arith.constant 16 : i32
    %scan3A_208 = arith.addi %scan3A_206, %scan3A_207 : i32
    %scan3A_209 = arith.constant 1 : i32
    scf.for %scan3A_237 = %scan3A_206 to %scan3A_208 step %scan3A_209  : i32 {
      %mul3A_238 = arith.constant 32 : i32
      %mul3A_239 = arith.muli %scan3A_237, %mul3A_238 : i32
      %lt3A = arith.cmpi slt, %mul3A_239, %and3A_204 : i32
      %convert_element_type3A = arith.extui %lt3A : i1 to i32
      %cond3A = arith.constant 0 : i32
      %cond3A_240 = arith.cmpi ne, %convert_element_type3A, %cond3A : i32
      scf.if %cond3A_240 {
        %mul3A_241 = arith.constant 32 : i32
        %mul3A_242 = arith.muli %scan3A_237, %mul3A_241 : i32
        %add3A_243 = arith.addi %add3A_46, %mul3A_242 : i32
        %multiple_of3A = tpu.assume_multiple %add3A_243, 32 : i32
        %mul3A_244 = arith.constant 0 : i32
        %mul3A_245 = arith.muli %mul3A_244, %multiple_of3A : i32
        %add3A_246 = arith.constant 640 : i32
        %add3A_247 = arith.addi %add3A_246, %mul3A_245 : i32
        %multiple_of3A_248 = tpu.assume_multiple %add3A_247, 128 : i32
        %dma_wait3A = arith.constant 0 : i32
        %dma_wait3A_249 = tpu.memref_slice %arg8[%multiple_of3A, %dma_wait3A] : memref<768x128xf32, #tpu.memory_space<vmem>> -> memref<32x128xf32, #tpu.memory_space<vmem>>
        %dma_wait3A_250 = tpu.memref_slice %arg6[%multiple_of3A] : memref<768xi32, #tpu.memory_space<vmem>> -> memref<32xi32, #tpu.memory_space<vmem>>
        %dma_wait3A_251 = arith.constant 0 : i32
        %dma_wait3A_252 = tpu.memref_slice %arg2[%dma_wait3A_251, %multiple_of3A_248] : memref<16384x1000xf32, #tpu.memory_space<hbm>> -> memref<16384x128xf32, #tpu.memory_space<hbm>>
        tpu.wait_indirect_dma semaphore(%arg10 : memref<!tpu.dma_semaphore, #tpu.memory_space<semaphore_mem>>) src(%dma_wait3A_252 : memref<16384x128xf32, #tpu.memory_space<hbm>>) dst(%dma_wait3A_249 : memref<32x128xf32, #tpu.memory_space<vmem>>)
      } else {
      }
    }
    %scan3A_210 = arith.constant 16 : i32
    %add3A_211 = arith.constant 31 : i32
    %add3A_212 = arith.addi %scan3A_20#6, %add3A_211 : i32
    %and3A_213 = arith.constant -32 : i32
    %and3A_214 = arith.andi %add3A_212, %and3A_213 : i32
    %scan3A_215 = arith.constant 0 : i32
    %scan3A_216 = arith.constant 0 : i32
    %scan3A_217 = arith.constant 16 : i32
    %scan3A_218 = arith.addi %scan3A_216, %scan3A_217 : i32
    %scan3A_219 = arith.constant 1 : i32
    scf.for %scan3A_237 = %scan3A_216 to %scan3A_218 step %scan3A_219  : i32 {
      %mul3A_238 = arith.constant 32 : i32
      %mul3A_239 = arith.muli %scan3A_237, %mul3A_238 : i32
      %lt3A = arith.cmpi slt, %mul3A_239, %and3A_214 : i32
      %convert_element_type3A = arith.extui %lt3A : i1 to i32
      %cond3A = arith.constant 0 : i32
      %cond3A_240 = arith.cmpi ne, %convert_element_type3A, %cond3A : i32
      scf.if %cond3A_240 {
        %mul3A_241 = arith.constant 32 : i32
        %mul3A_242 = arith.muli %scan3A_237, %mul3A_241 : i32
        %add3A_243 = arith.addi %add3A_51, %mul3A_242 : i32
        %multiple_of3A = tpu.assume_multiple %add3A_243, 32 : i32
        %mul3A_244 = arith.constant 0 : i32
        %mul3A_245 = arith.muli %mul3A_244, %multiple_of3A : i32
        %add3A_246 = arith.constant 768 : i32
        %add3A_247 = arith.addi %add3A_246, %mul3A_245 : i32
        %multiple_of3A_248 = tpu.assume_multiple %add3A_247, 128 : i32
        %dma_wait3A = arith.constant 0 : i32
        %dma_wait3A_249 = tpu.memref_slice %arg8[%multiple_of3A, %dma_wait3A] : memref<768x128xf32, #tpu.memory_space<vmem>> -> memref<32x128xf32, #tpu.memory_space<vmem>>
        %dma_wait3A_250 = tpu.memref_slice %arg6[%multiple_of3A] : memref<768xi32, #tpu.memory_space<vmem>> -> memref<32xi32, #tpu.memory_space<vmem>>
        %dma_wait3A_251 = arith.constant 0 : i32
        %dma_wait3A_252 = tpu.memref_slice %arg2[%dma_wait3A_251, %multiple_of3A_248] : memref<16384x1000xf32, #tpu.memory_space<hbm>> -> memref<16384x128xf32, #tpu.memory_space<hbm>>
        tpu.wait_indirect_dma semaphore(%arg10 : memref<!tpu.dma_semaphore, #tpu.memory_space<semaphore_mem>>) src(%dma_wait3A_252 : memref<16384x128xf32, #tpu.memory_space<hbm>>) dst(%dma_wait3A_249 : memref<32x128xf32, #tpu.memory_space<vmem>>)
      } else {
      }
    }
    %scan3A_220 = arith.constant 16 : i32
    %add3A_221 = arith.constant 31 : i32
    %add3A_222 = arith.addi %scan3A_20#7, %add3A_221 : i32
    %and3A_223 = arith.constant -32 : i32
    %and3A_224 = arith.andi %add3A_222, %and3A_223 : i32
    %scan3A_225 = arith.constant 0 : i32
    %scan3A_226 = arith.constant 0 : i32
    %scan3A_227 = arith.constant 16 : i32
    %scan3A_228 = arith.addi %scan3A_226, %scan3A_227 : i32
    %scan3A_229 = arith.constant 1 : i32
    scf.for %scan3A_237 = %scan3A_226 to %scan3A_228 step %scan3A_229  : i32 {
      %mul3A_238 = arith.constant 32 : i32
      %mul3A_239 = arith.muli %scan3A_237, %mul3A_238 : i32
      %lt3A = arith.cmpi slt, %mul3A_239, %and3A_224 : i32
      %convert_element_type3A = arith.extui %lt3A : i1 to i32
      %cond3A = arith.constant 0 : i32
      %cond3A_240 = arith.cmpi ne, %convert_element_type3A, %cond3A : i32
      scf.if %cond3A_240 {
        %mul3A_241 = arith.constant 32 : i32
        %mul3A_242 = arith.muli %scan3A_237, %mul3A_241 : i32
        %add3A_243 = arith.addi %add3A_56, %mul3A_242 : i32
        %multiple_of3A = tpu.assume_multiple %add3A_243, 32 : i32
        %mul3A_244 = arith.constant 0 : i32
        %mul3A_245 = arith.muli %mul3A_244, %multiple_of3A : i32
        %add3A_246 = arith.constant 896 : i32
        %add3A_247 = arith.addi %add3A_246, %mul3A_245 : i32
        %multiple_of3A_248 = tpu.assume_multiple %add3A_247, 128 : i32
        %dma_wait3A = arith.constant 0 : i32
        %dma_wait3A_249 = tpu.memref_slice %arg8[%multiple_of3A, %dma_wait3A] : memref<768x128xf32, #tpu.memory_space<vmem>> -> memref<32x128xf32, #tpu.memory_space<vmem>>
        %dma_wait3A_250 = tpu.memref_slice %arg6[%multiple_of3A] : memref<768xi32, #tpu.memory_space<vmem>> -> memref<32xi32, #tpu.memory_space<vmem>>
        %dma_wait3A_251 = arith.constant 0 : i32
        %dma_wait3A_252 = tpu.memref_slice %arg2[%dma_wait3A_251, %multiple_of3A_248] : memref<16384x1000xf32, #tpu.memory_space<hbm>> -> memref<16384x128xf32, #tpu.memory_space<hbm>>
        tpu.wait_indirect_dma semaphore(%arg10 : memref<!tpu.dma_semaphore, #tpu.memory_space<semaphore_mem>>) src(%dma_wait3A_252 : memref<16384x128xf32, #tpu.memory_space<hbm>>) dst(%dma_wait3A_249 : memref<32x128xf32, #tpu.memory_space<vmem>>)
      } else {
      }
    }
    %scan3A_230 = arith.constant 16 : i32
    %scan3A_231 = arith.constant 0 : i32
    %scan3A_232 = arith.constant 0 : i32
    %scan3A_233 = arith.constant 32 : i32
    %scan3A_234 = arith.addi %scan3A_232, %scan3A_233 : i32
    %scan3A_235 = arith.constant 1 : i32
    scf.for %scan3A_237 = %scan3A_232 to %scan3A_234 step %scan3A_235  : i32 {
      %mul3A_238 = arith.constant 16 : i32
      %mul3A_239 = arith.muli %scan3A_237, %mul3A_238 : i32
      %get3A = arith.index_cast %mul3A_239 : i32 to index
      %get3A_240 = tpu.vector_load %arg5[%get3A] {strides = array<i32>} : memref<512xi32, #tpu.memory_space<vmem>>, vector<16xi32>,
      %mul3A_241 = arith.constant 16 : i32
      %mul3A_242 = arith.muli %scan3A_237, %mul3A_241 : i32
      %get3A_243 = arith.index_cast %mul3A_242 : i32 to index
      %get3A_244 = tpu.vector_load %arg7[%get3A_243] {strides = array<i32>} : memref<512xi32, #tpu.memory_space<vmem>>, vector<16xi32>,
      %and3A_245 = arith.constant 127 : i32
      %and3A_246 = vector.broadcast %and3A_245 : i32 to vector<16xi32>
      %and3A_247 = arith.andi %get3A_240, %and3A_246 : vector<16xi32>
      %gather3A = tpu.vector_load_idx %arg8[%get3A_244, %and3A_247] : memref<768x128xf32, #tpu.memory_space<vmem>>[vector<16xi32>, vector<16xi32>], vector<16xf32>,
      %abs3A = math.absf %gather3A : vector<16xf32>
      %mul3A_248 = arith.constant 1.000000e-01 : f32
      %mul3A_249 = vector.broadcast %mul3A_248 : f32 to vector<16xf32>
      %mul3A_250 = arith.mulf %abs3A, %mul3A_249 : vector<16xf32>
      %exp3A = math.exp %mul3A_250 : vector<16xf32>
      %sub3A = arith.constant 1.000000e+00 : f32
      %sub3A_251 = vector.broadcast %sub3A : f32 to vector<16xf32>
      %sub3A_252 = arith.subf %exp3A, %sub3A_251 : vector<16xf32>
      %mul3A_253 = arith.constant 16 : i32
      %mul3A_254 = arith.muli %scan3A_237, %mul3A_253 : i32
      %swap3A = arith.index_cast %mul3A_254 : i32 to index
      %swap3A_255 = tpu.vector_load %arg9[%swap3A] {strides = array<i32>} : memref<512xf32, #tpu.memory_space<vmem>>, vector<16xf32>,
      tpu.vector_store %arg9[%swap3A], %sub3A_252 {strides = array<i32>} : memref<512xf32, #tpu.memory_space<vmem>>, vector<16xf32>,
    }
    %scan3A_236 = arith.constant 32 : i32
    "tpu.region"() ({
      %run_scoped3A = tpu.sem_alloc : memref<!tpu.dma_semaphore, #tpu.memory_space<semaphore_mem>>
      %dma_start3A = tpu.memref_slice %arg4[%mul3A_2] : memref<16384xf32, #tpu.memory_space<hbm>> -> memref<512xf32, #tpu.memory_space<hbm>>
      %dma_start3A_237 = tpu.memref_slice %arg4[%mul3A_2] : memref<16384xf32, #tpu.memory_space<hbm>> -> memref<512xf32, #tpu.memory_space<hbm>>
      tpu.enqueue_dma source(%arg9 : memref<512xf32, #tpu.memory_space<vmem>>) target(%dma_start3A_237 : memref<512xf32, #tpu.memory_space<hbm>>) target_semaphore(%run_scoped3A : memref<!tpu.dma_semaphore, #tpu.memory_space<semaphore_mem>>)
      %dma_wait3A = tpu.memref_slice %arg4[%mul3A_2] : memref<16384xf32, #tpu.memory_space<hbm>> -> memref<512xf32, #tpu.memory_space<hbm>>
      %dma_wait3A_238 = tpu.memref_slice %arg4[%mul3A_2] : memref<16384xf32, #tpu.memory_space<hbm>> -> memref<512xf32, #tpu.memory_space<hbm>>
      tpu.wait_dma2 semaphore(%run_scoped3A : memref<!tpu.dma_semaphore, #tpu.memory_space<semaphore_mem>>) src(%arg9 : memref<512xf32, #tpu.memory_space<vmem>>) dst(%dma_wait3A_238 : memref<512xf32, #tpu.memory_space<hbm>>)
      tpu.yield
    }) : () -> ()
    return
  }
}

</mosaic_0001>

<sc_bundles>
// kernel: kernel.3.cloned.1.call-start
scs
__scs_entry_jumppad:
0x0: {  	(pc) =	sbr.rel $0x88, $3  }
0x1: {  	(tag) =	ssettag $0x0;
	lr =	simm.s32 $0x1  }
0x2: {  	[smem:$0x3F9F] =	sst lr;
	_ =	strace $0xD0000000  }
0x3: {  	_ = 	snop  }
0x4: {  	_ = 	snop  }
0x5: {  	_ = 	snop  }
0x6: {  	_ = 	snop  }
0x7: {  	_ = 	snop  }
__scs_overlays_trampoline_lowered:
0x8: {  	[smem:$0x3FAE] =	sst s0  }
0x9: {  	[smem:$0x3FAF] =	sst s1  }
0xa: {  	[smem:$0x3FB0] =	sst s2  }
0xb: {  	[smem:$0x3FB1] =	sst s3  }
0xc: {  	[smem:$0x3FB2] =	sst s4  }
0xd: {  	[smem:$0x3FB3] =	sst s5  }
0xe: {  	[smem:$0x3FB4] =	sst s6  }
0xf: {  	[smem:$0x3FB5] =	sst s7  }
0x10: {  	[smem:$0x3FB6] =	sst s8  }
0x11: {  	[smem:$0x3FB7] =	sst s9;
	s0 =	simm.s32 @!p0 $0x0  }
0x12: {  	s1 =	sld [smem:$0x3F9D];
	s0 =	simm.s32 @p0 $0x1  }
0x13: {  	[smem:$0x3FB8] =	sst s0;
	s0 =	simm.s32 @!p1 $0x0  }
0x14: {  	s2 =	sld [smem:$0x3F9C];
	s0 =	simm.s32 @p1 $0x1  }
0x15: {  	[smem:$0x3FB9] =	sst s0;
	s0 =	simm.s32 @!p2 $0x0  }
0x16: {  	s3 =	sld [smem:$0x3FDB];
	s0 =	simm.s32 @p2 $0x1  }
0x17: {  	s4 =	simm.s32 $0x1BF5;
	[smem:$0x3FBB] =	sst s0  }
0x18: {  	s0 =	sld [smem:$0x3F9E];
	_ =	swait.ge [sflag:s4], $0x0  }
0x19: {  	s7 =	sld [smem:$0x3F9F]  }
0x1a: {  	s8 =	sadd.s32 $0xFFFFE003, lr  }
0x1b: {  	s9 =	sadd.s32 $0xFFFFFEF7, lr;
	s5 =	simm.s32 $0xFFFFFFFF;
	p2 =	slt.u32 s8, $0xFFFFF086  }
0x1c: {  	p1 =	slt.u32 s9, $0xF7A;
	s5 =	simm.s32 @!p2 $0x0  }
0x1d: {  	s5 =	simm.s32 @p1 $0x1;
	p0 =	seq.s32 s7, s2  }
0x1e: {  	s7 =	smul.u32 @!p0 $0xF7A, s2;
	p2 =	seq.s32 @!p0 s5, $0x0  }
0x1f: {  	s9 =	smul.u32 $0xF7A, s1;
	s8 =	simm.s32 @!p0 $0x1BF5;
	p2 =	por !p2, p0  }
0x20: {  	[sflag:s8] =	ssyncset.s32 @!p0 $0xFFFFF086;
	s6 =	sadd.s32 @!p0 s3, s7;
	s7 =	simm.s32 @!p0 $0x108  }
0x21: {  	s3 =	sadd.s32 s3, s9;
	s6 =	sadd.s32 @!p0 $0x88, s6;
	s7 =	simm.s32 @p2 $0x1082  }
0x22: {  	[simem:s7], [sflag:s8] =	dma.local @!p0 [hbm:s6], $0xF7A  }
0x23: {  	s9 =	sor.u32 $0xD0000000, s2;
	s6 =	simm.s32 $0x108;
	_ =	swait.ge @!p0 [sflag:s8], $0x0  }
0x24: {  	s3 =	sadd.s32 $0x88, s3;
	s6 =	simm.s32 @!p1 $0x1082;
	[sflag:s4] =	ssyncset.s32 $0xFFFFF086  }
0x25: {  	[simem:s6], [sflag:s4] =	dma.local [hbm:s3], $0xF7A  }
0x26: {  	[smem:$0x3F9F] =	sst s1;
	(tag) =	ssettag s2;
	_ =	strace s9  }
0x27: {  	s1 =	sld [smem:$0x3FAF]  }
0x28: {  	s2 =	sld [smem:$0x3FB0]  }
0x29: {  	s4 =	sld [smem:$0x3FB2]  }
0x2a: {  	p0 =	seq.s32 s5, $0x0;
	s5 =	sld [smem:$0x3FB3]  }
0x2b: {  	s6 =	sld [smem:$0x3FB4]  }
0x2c: {  	s7 =	sld [smem:$0x3FB5]  }
0x2d: {  	s3 =	simm.s32 $0x108;
	s8 =	sld [smem:$0x3FB6]  }
0x2e: {  	s3 =	simm.s32 @!p0 $0x1082;
	s9 =	sld [smem:$0x3FB7]  }
0x2f: {  	lr =	sadd.s32 s0, s3;
	s0 =	sld [smem:$0x3FAE]  }
0x30: {  	s3 =	sld [smem:$0x3FB1]  }
0x31: {  	[smem:$0x3FBA] =	sst s10  }
0x32: {  	s10 =	sld [smem:$0x3FB8];
	_ =	sdelay $0x3  }
0x33: {  	p0 =	seq.s32 s10, $0x1;
	s10 =	sld [smem:$0x3FBA];
	_ =	sdelay $0x3  }
0x34: {  	[smem:$0x3FBA] =	sst s10  }
0x35: {  	s10 =	sld [smem:$0x3FB9];
	_ =	sdelay $0x3  }
0x36: {  	p1 =	seq.s32 s10, $0x1;
	s10 =	sld [smem:$0x3FBA];
	_ =	sdelay $0x3  }
0x37: {  	[smem:$0x3FBA] =	sst s10  }
0x38: {  	s10 =	sld [smem:$0x3FBB]  }
0x39: {  	_ = 	snop;
	(pc) =	sbr.ind lr, $3  }
0x3a: {  	_ = 	snop  }
0x3b: {  	_ = 	snop  }
0x3c: {  	p2 =	seq.s32 s10, $0x1;
	s10 =	sld [smem:$0x3FBA]  }
0x3d: {  	_ =	shalt  }
0x3e: {  	_ =	shalt  }
0x3f: {  	_ =	shalt  }
0x40: {  	_ =	shalt  }
0x41: {  	_ =	shalt  }
0x42: {  	_ =	shalt  }
0x43: {  	_ =	shalt  }
0x44: {  	_ =	shalt  }
0x45: {  	_ =	shalt  }
0x46: {  	_ =	shalt  }
0x47: {  	_ =	shalt  }
0x48: {  	_ =	shalt  }
0x49: {  	_ =	shalt  }
0x4a: {  	_ =	shalt  }
0x4b: {  	_ =	shalt  }
0x4c: {  	_ =	shalt  }
0x4d: {  	_ =	shalt  }
0x4e: {  	_ =	shalt  }
0x4f: {  	_ =	shalt  }
0x50: {  	_ =	shalt  }
0x51: {  	_ =	shalt  }
0x52: {  	_ =	shalt  }
0x53: {  	_ =	shalt  }
0x54: {  	_ =	shalt  }
0x55: {  	_ =	shalt  }
0x56: {  	_ =	shalt  }
0x57: {  	_ =	shalt  }
0x58: {  	_ =	shalt  }
0x59: {  	_ =	shalt  }
0x5a: {  	_ =	shalt  }
0x5b: {  	_ =	shalt  }
0x5c: {  	_ =	shalt  }
0x5d: {  	_ =	shalt  }
0x5e: {  	_ =	shalt  }
0x5f: {  	_ =	shalt  }
0x60: {  	_ =	shalt  }
0x61: {  	_ =	shalt  }
0x62: {  	_ =	shalt  }
0x63: {  	_ =	shalt  }
0x64: {  	_ =	shalt  }
0x65: {  	_ =	shalt  }
0x66: {  	_ =	shalt  }
0x67: {  	_ =	shalt  }
0x68: {  	_ =	shalt  }
0x69: {  	_ =	shalt  }
0x6a: {  	_ =	shalt  }
0x6b: {  	_ =	shalt  }
0x6c: {  	_ =	shalt  }
0x6d: {  	_ =	shalt  }
0x6e: {  	_ =	shalt  }
0x6f: {  	_ =	shalt  }
0x70: {  	_ =	shalt  }
0x71: {  	_ =	shalt  }
0x72: {  	_ =	shalt  }
0x73: {  	_ =	shalt  }
0x74: {  	_ =	shalt  }
0x75: {  	_ =	shalt  }
0x76: {  	_ =	shalt  }
0x77: {  	_ =	shalt  }
0x78: {  	_ =	shalt  }
0x79: {  	_ =	shalt  }
0x7a: {  	_ =	shalt  }
0x7b: {  	_ =	shalt  }
0x7c: {  	_ =	shalt  }
0x7d: {  	_ =	shalt  }
0x7e: {  	_ =	shalt  }
0x7f: {  	_ =	shalt  }
0x80: {  	_ =	shalt  }
0x81: {  	_ =	shalt  }
0x82: {  	_ =	shalt  }
0x83: {  	_ =	shalt  }
0x84: {  	_ =	shalt  }
0x85: {  	_ =	shalt  }
0x86: {  	_ =	shalt  }
0x87: {  	_ =	shalt  }
.Lfunc_end0:
.L_simem_size_0:
called_computation_lowered:
.L_overlay_start_0:
0x88: {  	s2 =	sld [smem:$0x3FD9]  }
0x89: {  	s3 =	sld [smem:$0x3FFE];
	_ =	sdelay $0x1  }
0x8a: {  	s1 =	srdreg.scid  }
0x8b: {  	s0 =	sand.u32 $0x1, s1  }
0x8c: {  	s17 =	sshll.u32 s0, $0xA;
	s2 =	sadd.s32 s3, s2  }
0x8d: {  	s2 =	sadd.s32 s2, s17  }
0x8e: {  	[smem:$0x3FC6] =	sst s2  }
0x8f: {  	_ = 	snop  }
0x90: {  	s2 =	sld [smem:$0x3FC8]  }
0x91: {  	s18 =	sld [smem:$0x3FD0];
	(tm) =	ssettm $0x1  }
0x92: {  	s4 =	sld [smem:$0x3FFB];
	_ =	sdelay $0x3  }
0x93: {  	_ =	strace s4  }
0x94: {  	s4 =	sld [smem:$0x3FFC];
	_ =	sdelay $0x3  }
0x95: {  	_ =	strace s4  }
0x96: {  	s4 =	sld [smem:$0x3FFD];
	_ =	sdelay $0x3  }
0x97: {  	_ =	strace s4  }
0x98: {  	_ =	strace $0x8FFFFFFF  }
0x99: {  	s19 =	sld [smem:$0x3FDB];
	_ =	sdelay $0x1  }
0x9a: {  	s5 =	simm.s32 $_scs_section_size  }
0x9b: {  	s6 =	simm.s32 $_size__tile_overlayer_lowered;
	s7 =	simm.s32 $_tile_overlayer_lowered  }
0x9c: {  	s22 =	simm.s32 $0x1BFF;
	s21 =	sshll.u32 s7, $0x1;
	s4 =	sadd.s32 s5, s19  }
0x9d: {  	s8 =	simm.s32 $0x0;
	s20 =	sshll.u32 s6, $0x1;
	s6 =	sadd.s32 s21, s4  }
0x9e: {  	[timem:s8], [sflag:s22] =	dma.local [hbm:s6], s20  }
0x9f: {  	_ =	swait.ge [sflag:s22], s20  }
0xa0: {  	s5 =	ssub.s32 $0x0, s20;
	[sflag:s22] =	ssyncset.done $0x0  }
0xa1: {  	[sflag:s22] =	ssyncadd.s32 s5;
	_ =	sdelay $0x1  }
0xa2: {  	s23 =	simm.s32 $0x1B8B  }
0xa3: {  	_ =	swait.ge [sflag:s23], $0x1  }
0xa4: {  	[sflag:s23] =	ssyncset.done $0x0  }
0xa5: {  	s25 =	simm.s32 $0x1B8E;
	s24 =	sld [smem:$0x3FFE];
	[sflag:s23] =	ssyncadd.s32 $0xFFFFFFFF  }
0xa6: {  	s26 =	simm.s32 $execute0_lowered;
	[smem:$0x3FD2] =	sst s25  }
0xa7: {  	s6 =	sshll.u32 s26, $0x1;
	_ =	strace $0x80000046;
	[dreg:$0x1] =	wrdreg $0xFFFFFFFF  }
0xa8: {  	s28 =	simm.s32 $_size_execute0_lowered;
	s4 =	sadd.s32 s4, s6;
	[dreg:$0x0] =	wrdreg $0x0  }
0xa9: {  	s6 =	sshll.u32 s28, $0x1;
	[dreg:$0x2] =	wrdreg s4  }
0xaa: {  	[dreg:$0x3] =	wrdreg s6  }
0xab: {  	[dreg:$0x4] =	wrdreg $0xC0  }
0xac: {  	_ =	task [dreg:s8], $0x5FFFF  }
0xad: {  	[dreg:$0x1] =	wrdreg $0xFFFFFFFF  }
0xae: {  	[dreg:$0x0] =	wrdreg $0x60  }
0xaf: {  	[dreg:$0x2] =	wrdreg s24  }
0xb0: {  	[dreg:$0x3] =	wrdreg s2  }
0xb1: {  	[dreg:$0x4] =	wrdreg s18  }
0xb2: {  	[dreg:$0x5] =	wrdreg $0x9  }
0xb3: {  	_ =	task.clear_ibuf [dreg:s8], $0x6FFFF;
	_ =	strace $0x90000046  }
0xb4: {  	s29 =	simm.s32 $0x9;
	_ =	strace $0x80000048  }
0xb5: {  	_ =	swait.ge [sflag:s29], $0x1  }
0xb6: {  	[sflag:s29] =	ssyncadd.s32 $0xFFFFFFFF  }
0xb7: {  	_ =	strace $0x90000048  }
0xb8: {  	_ =	sfence  }
0xb9: {  	s30 =	sld [smem:$0x0];
	_ =	sdelay $0x2  }
0xba: {  	s31 =	sshll.u32 s1, $0xD;
	s1 =	sshrl.u32 s1, $0x2  }
0xbb: {  	s3 =	sand.u32 $0x4000, s31;
	s1 =	sadd.s32 s1, s30  }
0xbc: {  	s0 =	sor.u32 s3, s0;
	s1 =	sshll.u32 s1, $0x11  }
0xbd: {  	s0 =	sor.u32 s1, s0  }
0xbe: {  	s0 =	sadd.s32 $0x8F2B, s0  }
0xbf: {  	[sflag:s0] =	ssyncadd.remote.s32 $0x1  }
0xc0: {  	_ =	sfence.sel $0xFFFF  }
0xc1: {  	[dreg:$0x0] =	wrdreg $0xFFFFFFFF;
	(pc) =	sbr.abs _section_cstart, $3  }
0xc2: {  	[dreg:$0x1] =	wrdreg $0xFFFFFFFF  }
0xc3: {  	_ =	task.clear_ibuf [dreg:s8], $0x2FFFF;
	_ =	strace $0x9FFFFFFF  }
0xc4: {  	(tm) =	ssettm $0x7FFFFFFF  }
0xc5: {  	_ =	shalt  }
tec
execute0_lowered:
.L_overlay_start_1:
0x0: {  	(tag) =	ssettag $0x1  }
0x1: {  	s0 =	rddreg [dreg:$0x0]  }
0x2: {  	s1 =	rddreg [dreg:$0x1]  }
0x3: {  	s3 =	rddreg [dreg:$0x2]  }
0x4: {  	s2 =	srdreg.scid;
	s5 =	stileid.u32  }
0x5: {  	s16 =	simm.s32 $0x200;
	s18 =	simm.s32 $0x700;
	s4 =	sand.u32 $0x1, s2  }
0x6: {  	s2 =	simm.s32 $0x0;
	s5 =	sshll.u32 s5, $0xA;
	s8 =	sadd.s32 $0x580, s0  }
0x7: {  	s9 =	sadd.s32 $0x600, s0;
	s10 =	sadd.s32 $0x680, s0;
	s11 =	sadd.s32 $0x700, s0  }
0x8: {  	v0 =	vimm.s32 $0x0;
	s12 =	sadd.s32 $0x780, s0;
	s6 =	sshll.u32 s4, $0x9;
	[smem:$0x7FF] =	sst s2  }
0x9: {  	v1 =	vlaneseq.u32;
	v2 =	vimm.s32 $0x7;
	v3 =	vimm.s32 $0x3;
	s7 =	ssub.s32 $0x2, s4;
	s4 =	sadd.s32 $0x400, s0;
	s28 =	sor.u32 s6, s5  }
0xa: {  	vm0 =	vmmov $0x1;
	v5 =	vimm.s32 $0x1;
	v6 =	vimm.s32 $0x2;
	_ =	strace $0x80000047;
	s29 =	sshrl.u32 s7, $0x1;
	s13 =	sshrl.u32 s28, $0x3  }
0xb: {  	v7 =	vimm.s32 $0x4;
	v8 =	vimm.s32 $0x5;
	v9 =	vimm.s32 $0x6;
	s6 =	sadd.s32 $0x480, s0;
	[dreg:$0x4] =	wrdreg s28;
	s1 =	sadd.s32 s1, s13  }
0xc: {  	v10 =	vimm.s32 $0x8;
	v11 =	vimm.s32 $0x9;
	v12 =	vimm.s32 $0xA;
	s5 =	ssub.s32 s7, s29;
	s30 =	sadd.s32 s3, s13;
	[dreg:$0x5] =	wrdreg s1  }
0xd: {  	v13 =	vimm.s32 $0xB;
	v14 =	vimm.s32 $0xC;
	v15 =	vimm.s32 $0xD;
	s7 =	sadd.s32 $0x500, s0;
	s31 =	smax.u32 s5, $0x1;
	[dreg:$0x6] =	wrdreg s30  }
0xe: {  	v16 =	vimm.s32 $0xE;
	v17 =	vimm.s32 $0xF;
	v4 =	vmul.u32 $0x8, v1;
	s3 =	simm.s32 $0x0;
	[dreg:$0x7] =	wrdreg s31;
	s1 =	simm.s32 $0x2  }
.LBB2_1:
0xf: {  	[dreg:$0x8] =	wrdreg s3  }
0x10: {  	s0 =	rddreg [dreg:$0x5]  }
0x11: {  	[tilespmem:s2], [sflag:$0x2] =	stream.linear.gather [hbm4b:s0+s2], $0x200, $0x38;
	[tilespmem:$0x18900] =	vst v63  }
0x12: {  	_ =	swait.ge [sflag:s1], $0x200  }
0x13: {  	[sflag:s1] =	ssyncset.done $0x0  }
0x14: {  	[sflag:s1] =	ssyncadd.s32 $0xFFFFFE00  }
0x15: {  	[tilespmem:$0x200] =	vst v0  }
0x16: {  	[tilespmem:$0x210] =	vst v0  }
0x17: {  	[tilespmem:$0x220] =	vst v0  }
0x18: {  	[tilespmem:$0x230] =	vst v0  }
0x19: {  	[tilespmem:$0x240] =	vst v0  }
0x1a: {  	[tilespmem:$0x250] =	vst v0  }
0x1b: {  	[tilespmem:$0x260] =	vst v0  }
0x1c: {  	[tilespmem:$0x270] =	vst v0  }
0x1d: {  	[tilespmem:$0x280] =	vst v0  }
0x1e: {  	[tilespmem:$0x290] =	vst v0  }
0x1f: {  	[tilespmem:$0x2A0] =	vst v0  }
0x20: {  	[tilespmem:$0x2B0] =	vst v0  }
0x21: {  	[tilespmem:$0x2C0] =	vst v0  }
0x22: {  	[tilespmem:$0x2D0] =	vst v0  }
0x23: {  	[tilespmem:$0x2E0] =	vst v0  }
0x24: {  	[tilespmem:$0x2F0] =	vst v0  }
0x25: {  	[tilespmem:$0x300] =	vst v0  }
0x26: {  	[tilespmem:$0x310] =	vst v0  }
0x27: {  	[tilespmem:$0x320] =	vst v0  }
0x28: {  	[tilespmem:$0x330] =	vst v0  }
0x29: {  	[tilespmem:$0x340] =	vst v0  }
0x2a: {  	[tilespmem:$0x350] =	vst v0  }
0x2b: {  	[tilespmem:$0x360] =	vst v0  }
0x2c: {  	[tilespmem:$0x370] =	vst v0  }
0x2d: {  	[tilespmem:$0x380] =	vst v0  }
0x2e: {  	[tilespmem:$0x390] =	vst v0  }
0x2f: {  	[tilespmem:$0x3A0] =	vst v0  }
0x30: {  	[tilespmem:$0x3B0] =	vst v0  }
0x31: {  	[tilespmem:$0x3C0] =	vst v0  }
0x32: {  	[tilespmem:$0x3D0] =	vst v0  }
0x33: {  	[tilespmem:$0x3E0] =	vst v0  }
0x34: {  	[tilespmem:$0x3F0] =	vst v0  }
0x35: {  	[tilespmem:$0x400] =	vst v0  }
0x36: {  	[tilespmem:$0x410] =	vst v0  }
0x37: {  	[tilespmem:$0x420] =	vst v0  }
0x38: {  	[tilespmem:$0x430] =	vst v0  }
0x39: {  	[tilespmem:$0x440] =	vst v0  }
0x3a: {  	[tilespmem:$0x450] =	vst v0  }
0x3b: {  	[tilespmem:$0x460] =	vst v0  }
0x3c: {  	[tilespmem:$0x470] =	vst v0  }
0x3d: {  	[tilespmem:$0x480] =	vst v0  }
0x3e: {  	[tilespmem:$0x490] =	vst v0  }
0x3f: {  	[tilespmem:$0x4A0] =	vst v0  }
0x40: {  	[tilespmem:$0x4B0] =	vst v0  }
0x41: {  	[tilespmem:$0x4C0] =	vst v0  }
0x42: {  	[tilespmem:$0x4D0] =	vst v0  }
0x43: {  	[tilespmem:$0x4E0] =	vst v0  }
0x44: {  	s23 =	simm.s32 $0x0;
	[tilespmem:$0x4F0] =	vst v0  }
0x45: {  	v18 =	vld [tilespmem:s23+$0x0];
	_ =	sdelay $0x4  }
0x46: {  	s24 =	simm.s32 $0x10;
	v18 =	vshra.s32 v18, $0x7  }
0x47: {  	v19 =	vld [tilespmem:s24+$0x0];
	vm1 =	veq.s32 v18, $0x6  }
0x48: {  	v20 =	vsel vm1, $0x1, v0;
	vm1 =	veq.s32 v18, $0x5  }
0x49: {  	vm2 =	veq.s32 v18, $0x1;
	(xrf0) =	vadd.scan.msk.s32 $0xffff, v20;
	v20 =	vsel vm1, $0x1, v0  }
0x4a: {  	v21 =	vsel vm2, $0x1, v0;
	vm1 =	veq.s32 v18, $0x4;
	(xrf0) =	vadd.scan.msk.s32 $0xffff, v20  }
0x4b: {  	vm2 =	veq.s32 v18, $0x3;
	v20 =	vsel vm1, $0x1, v0;
	(xrf0) =	vadd.scan.msk.s32 $0xffff, v21  }
0x4c: {  	v19 =	vshra.s32 v19, $0x7;
	vm1 =	veq.s32 v18, $0x7;
	v21 =	vsel vm2, $0x1, v0;
	(xrf0) =	vadd.scan.msk.s32 $0xffff, v20  }
0x4d: {  	v20 =	vsel vm1, $0x1, v0;
	vm1 =	veq.s32 v19, $0x6;
	(xrf0) =	vadd.scan.msk.s32 $0xffff, v21  }
0x4e: {  	vm2 =	veq.s32 v18, $0x0;
	(xrf0) =	vadd.scan.msk.s32 $0xffff, v20;
	v20 =	vsel vm1, $0x1, v0  }
0x4f: {  	v21 =	vsel vm2, $0x1, v0  }
0x50: {  	vm2 =	veq.s32 v18, $0x2;
	v18, _, _ =	vpop (xrf0);
	(xrf0) =	vadd.scan.msk.s32 $0xffff, v21  }
0x51: {  	s25 =	simm.s32 $0x20;
	v21 =	vsel vm2, $0x1, v0;
	(xrf0) =	vadd.scan.msk.s32 $0xffff, v20;
	v20, _, _ =	vpop (xrf0)  }
0x52: {  	vm6 =	veq.s32 v19, $0x5;
	(xrf0) =	vadd.scan.msk.s32 $0xffff, v21;
	v21 =	vld [tilespmem:s25+$0x0];
	v22, _, _ =	vpop (xrf0)  }
0x53: {  	v25 =	vsel vm6, $0x1, v0;
	vm2 =	veq.s32 v19, $0x1;
	v23, _, _ =	vpop (xrf0);
	(v2sf) =	vpush v22, $0xF  }
0x54: {  	vm4 =	veq.s32 v19, $0x4;
	v24 =	vsel vm2, $0x1, v0;
	v22, _, _ =	vpop (xrf0);
	(v2sf) =	vpush v18, $0xF  }
0x55: {  	v18, _, _ =	vpop (xrf0);
	(v2sf) =	vpush v20, $0xF;
	v20 =	vsel vm4, $0x1, v0  }
0x56: {  	vm3 =	veq.s32 v19, $0x3;
	vm5 =	veq.s32 v19, $0x7;
	vm1 =	veq.s32 v19, $0x0;
	(xrf0) =	vadd.scan.msk.s32 $0xffff, v25;
	v25, _, _ =	vpop (xrf0)  }
0x57: {  	vm2 =	veq.s32 v19, $0x2;
	(xrf0) =	vadd.scan.msk.s32 $0xffff, v24;
	v21 =	vshra.s32 v21, $0x7;
	v24, _, _ =	vpop (xrf0);
	(v2sf) =	vpush v25, $0xF  }
0x58: {  	v19 =	vsel vm3, $0x1, v0;
	(xrf0) =	vadd.scan.msk.s32 $0xffff, v20;
	vm4 =	veq.s32 v21, $0x6;
	v20, _, _ =	vpop (xrf0);
	(v2sf) =	vpush v22, $0xF  }
0x59: {  	(xrf0) =	vadd.scan.msk.s32 $0xffff, v19;
	v22 =	vsel vm5, $0x1, v0;
	(v2sf) =	vpush v20, $0xF;
	v20 =	vsel vm4, $0x1, v0  }
0x5a: {  	s26 =	simm.s32 $0x30;
	v26 =	vsel vm1, $0x1, v0;
	(xrf0) =	vadd.scan.msk.s32 $0xffff, v22  }
0x5b: {  	v25 =	vsel vm2, $0x1, v0;
	vm1 =	veq.s32 v21, $0x0;
	vm2 =	veq.s32 v21, $0x1;
	v19 =	vld [tilespmem:s26+$0x0];
	(xrf0) =	vadd.scan.msk.s32 $0xffff, v26  }
0x5c: {  	vm3 =	veq.s32 v21, $0x3;
	vm6 =	veq.s32 v21, $0x2;
	vm5 =	veq.s32 v21, $0x4;
	(xrf0) =	vadd.scan.msk.s32 $0xffff, v20;
	v20, _, _ =	vpop (xrf0)  }
0x5d: {  	(v2sf) =	vpush v18, $0xF;
	v18 =	vsel vm2, $0x1, v0;
	vm2 =	veq.s32 v21, $0x5;
	(xrf0) =	vadd.scan.msk.s32 $0xffff, v25;
	v22, _, _ =	vpop (xrf0)  }
0x5e: {  	v26 =	vsel vm5, $0x1, v0;
	(v2sf) =	vpush v23, $0xF;
	v25 =	vsel vm2, $0x1, v0;
	v27, _, _ =	vpop (xrf0)  }
0x5f: {  	vm4 =	veq.s32 v21, $0x7;
	v21 =	vsel vm3, $0x1, v0;
	(xrf0) =	vadd.scan.msk.s32 $0xffff, v25;
	(v2sf) =	vpush v22, $0xF;
	v22, _, _ =	vpop (xrf0)  }
0x60: {  	v19 =	vshra.s32 v19, $0x7;
	(xrf0) =	vadd.scan.msk.s32 $0xffff, v18;
	v18 =	vsel vm4, $0x1, v0;
	(v2sf) =	vpush v24, $0xF;
	v24, _, _ =	vpop (xrf0)  }
0x61: {  	v23 =	vsel vm1, $0x1, v0;
	vm1 =	veq.s32 v19, $0x0;
	(xrf0) =	vadd.scan.msk.s32 $0xffff, v26;
	(v2sf) =	vpush v20, $0xF;
	v26, _, _ =	vpop (xrf0)  }
0x62: {  	vm3 =	veq.s32 v19, $0x1;
	vm5 =	veq.s32 v19, $0x4;
	(xrf0) =	vadd.scan.msk.s32 $0xffff, v21;
	v21, _, _ =	vpop (xrf0);
	(v2sf) =	vpush v26, $0xF  }
0x63: {  	v25 =	vsel vm6, $0x1, v0;
	vm6 =	veq.s32 v19, $0x6;
	(xrf0) =	vadd.scan.msk.s32 $0xffff, v18;
	v18, _, _ =	vpop (xrf0);
	(v2sf) =	vpush v22, $0xF  }
0x64: {  	s28 =	simm.s32 $0x40;
	v20 =	vsel vm6, $0x1, v0;
	vm6 =	veq.s32 v19, $0x5;
	s29 =	spop (v2sf);
	(xrf0) =	vadd.scan.msk.s32 $0xffff, v23;
	(v2sf) =	vpush v18, $0xF  }
0x65: {  	vm2 =	veq.s32 v19, $0x7;
	v26 =	vld [tilespmem:s28+$0x0];
	v28, _, _ =	vpop (xrf0);
	(v2sf) =	vpush v24, $0xF;
	v24 =	vsel vm6, $0x1, v0  }
0x66: {  	vm4 =	veq.s32 v19, $0x3;
	v23 =	vsel vm3, $0x1, v0;
	vm3 =	veq.s32 v19, $0x2;
	s30 =	spop (v2sf);
	(xrf0) =	vadd.scan.msk.s32 $0xffff, v20;
	v19, _, _ =	vpop (xrf0)  }
0x67: {  	s5 =	spop (v2sf);
	(xrf0) =	vadd.scan.msk.s32 $0xffff, v25;
	(v2sf) =	vpush v27, $0xF;
	v18, _, _ =	vpop (xrf0)  }
0x68: {  	s13 =	spop (v2sf);
	(xrf0) =	vadd.scan.msk.s32 $0xffff, v24;
	(v2sf) =	vpush v19, $0xF;
	v24, _, _ =	vpop (xrf0)  }
0x69: {  	s14 =	spop (v2sf);
	(xrf0) =	vadd.scan.msk.s32 $0xffff, v23;
	(v2sf) =	vpush v21, $0xF;
	v23, _, _ =	vpop (xrf0)  }
0x6a: {  	v19 =	vshra.s32 v26, $0x7;
	s15 =	spop (v2sf);
	(v2sf) =	vpush v28, $0xF;
	v26, _, _ =	vpop (xrf0)  }
0x6b: {  	(v2sf) =	vpush v26, $0xF;
	_ =	sdelay $0x2  }
0x6c: {  	s19 =	simm.s32 $0x140  }
0x6d: {  	s17 =	simm.s32 $0x0;
	v30 =	vsel vm5, $0x1, v0;
	v29 =	vsel vm4, $0x1, v0;
	s0 =	sadd.s32 $0x0, s29;
	v22 =	vsel vm1, $0x1, v0;
	s3 =	sadd.s32 $0x0, s30  }
0x6e: {  	v20 =	vsel vm3, $0x1, v0;
	s1 =	sadd.s32 $0x0, s5;
	v25 =	vsel vm2, $0x1, v0;
	s5 =	sadd.s32 $0x0, s13;
	vm1 =	veq.s32 v19, $0x0;
	s14 =	sadd.s32 $0x0, s14;
	(xrf0) =	vadd.scan.msk.s32 $0xffff, v30  }
0x6f: {  	vm4 =	veq.s32 v19, $0x1;
	vm2 =	veq.s32 v19, $0x3;
	vm3 =	veq.s32 v19, $0x4;
	s13 =	sadd.s32 $0x0, s15;
	s31 =	spop (v2sf);
	s15 =	simm.s32 $0x0;
	(xrf0) =	vadd.scan.msk.s32 $0xffff, v29;
	v21, _, _ =	vpop (xrf0)  }
.LBB2_2:
0x70: {  	s20 =	sshra.s32 s19, $0x2;
	vm6 =	veq.s32 v19, $0x6;
	vm5 =	veq.s32 v19, $0x7;
	(xrf0) =	vadd.scan.msk.s32 $0xffff, v25;
	v25, _, _ =	vpop (xrf0);
	(v2sf) =	vpush v24, $0xF;
	s17 =	sadd.s32 s17, s31;
	s21 =	spop (v2sf)  }
0x71: {  	p0 =	sne.s32 s19, $0x7C0;
	s19 =	sadd.s32 $0x40, s19;
	v27 =	vsel vm4, $0x1, v0;
	v26 =	vld [tilespmem:s20+$0x0];
	v24 =	vsel vm6, $0x1, v0;
	(xrf0) =	vadd.scan.msk.s32 $0xffff, v22;
	(v2sf) =	vpush v25, $0xF;
	s15 =	sadd.s32 s15, s21  }
0x72: {  	vm4 =	veq.s32 v19, $0x2;
	vm6 =	veq.s32 v19, $0x5;
	(xrf0) =	vadd.scan.msk.s32 $0xffff, v24;
	v28, _, _ =	vpop (xrf0);
	(v2sf) =	vpush v23, $0xF;
	s20 =	spop (v2sf)  }
0x73: {  	v29 =	vsel vm2, $0x1, v0;
	v30 =	vsel vm3, $0x1, v0;
	v19, _, _ =	vpop (xrf0);
	(xrf0) =	vadd.scan.msk.s32 $0xffff, v20;
	(v2sf) =	vpush v18, $0xF;
	s0 =	sadd.s32 s0, s20;
	s20 =	spop (v2sf)  }
.Ltmp0:
0x74: {  	v22 =	vsel vm1, $0x1, v0;
	v31 =	vsel vm6, $0x1, v0;
	v20 =	vsel vm4, $0x1, v0;
	v18, _, _ =	vpop (xrf0);
	s3 =	sadd.s32 s3, s20;
	s20 =	spop (v2sf);
	(pc) =	sbr.rel @p0 .LBB2_2-.Ltmp0, $4  }
0x75: {  	(xrf0) =	vadd.scan.msk.s32 $0xffff, v31;
	(v2sf) =	vpush v19, $0xF;
	v24, _, _ =	vpop (xrf0);
	s1 =	sadd.s32 s1, s20;
	s20 =	spop (v2sf)  }
0x76: {  	v25 =	vsel vm5, $0x1, v0;
	v19 =	vshra.s32 v26, $0x7;
	(xrf0) =	vadd.scan.msk.s32 $0xffff, v27;
	(v2sf) =	vpush v21, $0xF;
	v23, _, _ =	vpop (xrf0);
	s21 =	spop (v2sf)  }
0x77: {  	vm1 =	veq.s32 v19, $0x0;
	vm4 =	veq.s32 v19, $0x1;
	(xrf0) =	vadd.scan.msk.s32 $0xffff, v30;
	v26, _, _ =	vpop (xrf0);
	(v2sf) =	vpush v28, $0xF;
	s14 =	sadd.s32 s14, s21;
	s21 =	spop (v2sf)  }
0x78: {  	s5 =	sadd.s32 s5, s20;
	vm2 =	veq.s32 v19, $0x3;
	vm3 =	veq.s32 v19, $0x4;
	(xrf0) =	vadd.scan.msk.s32 $0xffff, v29;
	v21, _, _ =	vpop (xrf0);
	(v2sf) =	vpush v26, $0xF;
	s13 =	sadd.s32 s13, s21;
	s31 =	spop (v2sf)  }
0x79: {  	vm5 =	veq.s32 v19, $0x6;
	(xrf0) =	vadd.scan.msk.s32 $0xffff, v25;
	v25, _, _ =	vpop (xrf0);
	(v2sf) =	vpush v24, $0xF  }
0x7a: {  	v24 =	vsel vm5, $0x1, v0;
	(xrf0) =	vadd.scan.msk.s32 $0xffff, v22;
	(v2sf) =	vpush v25, $0xF  }
0x7b: {  	s20 =	spop (v2sf);
	vm5 =	veq.s32 v19, $0x5;
	(xrf0) =	vadd.scan.msk.s32 $0xffff, v24;
	v22, _, _ =	vpop (xrf0);
	(v2sf) =	vpush v23, $0xF  }
0x7c: {  	s21 =	spop (v2sf);
	v23, _, _ =	vpop (xrf0);
	(xrf0) =	vadd.scan.msk.s32 $0xffff, v20;
	v20 =	vsel vm5, $0x1, v0;
	(v2sf) =	vpush v18, $0xF  }
0x7d: {  	v24 =	vsel vm4, $0x1, v0;
	s22 =	spop (v2sf);
	v18, _, _ =	vpop (xrf0);
	(xrf0) =	vadd.scan.msk.s32 $0xffff, v20;
	(v2sf) =	vpush v23, $0xF  }
0x7e: {  	s19 =	spop (v2sf);
	v20 =	vsel vm3, $0x1, v0;
	v23, _, _ =	vpop (xrf0);
	(xrf0) =	vadd.scan.msk.s32 $0xffff, v24;
	v24 =	vsel vm2, $0x1, v0;
	(v2sf) =	vpush v21, $0xF  }
0x7f: {  	vm3 =	veq.s32 v19, $0x7;
	s25 =	spop (v2sf);
	v21, _, _ =	vpop (xrf0);
	(xrf0) =	vadd.scan.msk.s32 $0xffff, v20  }
0x80: {  	v20 =	vsel vm3, $0x1, v0;
	(v2sf) =	vpush v22, $0xF;
	s26 =	spop (v2sf);
	v25, _, _ =	vpop (xrf0);
	(xrf0) =	vadd.scan.msk.s32 $0xffff, v24  }
0x81: {  	v22 =	vsel vm1, $0x1, v0;
	s23 =	spop (v2sf);
	v24, _, _ =	vpop (xrf0);
	(v2sf) =	vpush v25, $0xF;
	(xrf0) =	vadd.scan.msk.s32 $0xffff, v20  }
0x82: {  	[dreg:$0x15] =	wrdreg s19;
	vm1 =	veq.s32 v19, $0x2;
	s24 =	spop (v2sf);
	v19, _, _ =	vpop (xrf0);
	(v2sf) =	vpush v23, $0xF;
	(xrf0) =	vadd.scan.msk.s32 $0xffff, v22  }
0x83: {  	[dreg:$0x16] =	wrdreg s25;
	v20 =	vsel vm1, $0x1, v0;
	s25 =	spop (v2sf);
	(v2sf) =	vpush v19, $0xF;
	v19, _, _ =	vpop (xrf0)  }
0x84: {  	[dreg:$0x17] =	wrdreg s26;
	(xrf0) =	vadd.scan.msk.s32 $0xffff, v20;
	(v2sf) =	vpush v21, $0xF;
	v21, _, _ =	vpop (xrf0);
	s26 =	spop (v2sf)  }
0x85: {  	[dreg:$0x18] =	wrdreg s23;
	(v2sf) =	vpush v18, $0xF;
	v18, _, _ =	vpop (xrf0);
	s23 =	spop (v2sf)  }
0x86: {  	s15 =	sadd.s32 s15, s20;
	s20 =	rddreg [dreg:$0x15];
	(v2sf) =	vpush v21, $0xF;
	v20, _, _ =	vpop (xrf0);
	s30 =	spop (v2sf)  }
0x87: {  	[dreg:$0x13] =	wrdreg s24;
	(v2sf) =	vpush v24, $0xF;
	v21, _, _ =	vpop (xrf0);
	s24 =	spop (v2sf)  }
0x88: {  	[dreg:$0x1a] =	wrdreg s26;
	v22, _, _ =	vpop (xrf0);
	(v2sf) =	vpush v19, $0xF;
	s26 =	spop (v2sf)  }
0x89: {  	s1 =	sadd.s32 s1, s20;
	s20 =	rddreg [dreg:$0x16];
	(v2sf) =	vpush v22, $0xF;
	s28 =	spop (v2sf)  }
0x8a: {  	[dreg:$0x19] =	wrdreg s25;
	v19, _, _ =	vpop (xrf0);
	(v2sf) =	vpush v20, $0xF;
	s25 =	spop (v2sf)  }
0x8b: {  	[dreg:$0x14] =	wrdreg s25;
	(v2sf) =	vpush v19, $0xF;
	s25 =	spop (v2sf)  }
0x8c: {  	[dreg:$0x1c] =	wrdreg s24;
	(v2sf) =	vpush v21, $0xF;
	s24 =	spop (v2sf)  }
0x8d: {  	s0 =	sadd.s32 s0, s21;
	[dreg:$0x1b] =	wrdreg s23;
	s23 =	spop (v2sf);
	(v2sf) =	vpush v18, $0xF  }
0x8e: {  	s3 =	sadd.s32 s3, s22;
	s5 =	sadd.s32 s5, s20;
	s22 =	rddreg [dreg:$0x17]  }
0x8f: {  	s14 =	sadd.s32 s14, s22;
	s20 =	rddreg [dreg:$0x18];
	s21 =	spop (v2sf)  }
0x90: {  	s13 =	sadd.s32 s13, s20;
	s20 =	rddreg [dreg:$0x19];
	s22 =	spop (v2sf)  }
0x91: {  	s15 =	sadd.s32 s15, s20;
	s20 =	rddreg [dreg:$0x1a];
	s19 =	spop (v2sf)  }
0x92: {  	s0 =	sadd.s32 s0, s20;
	s30 =	sadd.s32 s1, s30;
	s20 =	spop (v2sf)  }
0x93: {  	s14 =	sadd.s32 s14, s26;
	s26 =	rddreg [dreg:$0x1c];
	s1 =	spop (v2sf)  }
0x94: {  	s29 =	rddreg [dreg:$0x1b];
	s5 =	sadd.s32 s5, s26;
	s26 =	spop (v2sf)  }
0x95: {  	s3 =	sadd.s32 s3, s29;
	s15 =	sadd.s32 s15, s25;
	s25 =	spop (v2sf)  }
0x96: {  	s3 =	sadd.s32 s3, s23;
	s23 =	spop (v2sf)  }
0x97: {  	s13 =	sadd.s32 s13, s28;
	s14 =	sadd.s32 s14, s19;
	s19 =	spop (v2sf)  }
0x98: {  	s0 =	sadd.s32 s0, s24;
	s21 =	sadd.s32 s30, s21;
	s24 =	spop (v2sf)  }
0x99: {  	s5 =	sadd.s32 s5, s22;
	s15 =	sadd.s32 s15, s26;
	s26 =	spop (v2sf)  }
0x9a: {  	s13 =	sadd.s32 s13, s20;
	s3 =	sadd.s32 s3, s23;
	s23 =	spop (v2sf)  }
0x9b: {  	s0 =	sadd.s32 s0, s25;
	s20 =	sadd.s32 s5, s24;
	s5 =	spop (v2sf)  }
0x9c: {  	s14 =	sadd.s32 s14, s26;
	s13 =	sadd.s32 s13, s23;
	s26 =	spop (v2sf)  }
0x9d: {  	s0 =	sadd.s32 $0x1F, s0;
	s25 =	sadd.s32 $0x1F, s13;
	s13 =	sadd.s32 s15, s26  }
0x9e: {  	s24 =	sadd.s32 $0x1F, s20;
	s20 =	sadd.s32 $0x1F, s13;
	s13 =	simm.s32 $0x0  }
0x9f: {  	s21 =	sadd.s32 s21, s19;
	[dreg:$0x10] =	wrdreg s0;
	v18 =	vld [tilespmem:s13+$0x0]  }
0xa0: {  	s0 =	sand.u32 $0xFFFFFFE0, s0;
	[dreg:$0x11] =	wrdreg s24;
	s19 =	sand.u32 $0xFFFFFFE0, s24  }
0xa1: {  	s14 =	sadd.s32 $0x1F, s14;
	s24 =	sadd.s32 s19, s0;
	s30 =	sand.u32 $0xFFFFFFE0, s25  }
0xa2: {  	s21 =	sadd.s32 $0x1F, s21;
	s28 =	sand.u32 $0xFFFFFFE0, s14;
	s15 =	sadd.s32 s30, s24  }
0xa3: {  	v21 =	vmov s19;
	[dreg:$0xf] =	wrdreg s25;
	s26 =	sadd.s32 s28, s15;
	s25 =	sand.u32 $0xFFFFFFE0, s20  }
0xa4: {  	[dreg:$0xe] =	wrdreg s14;
	s14 =	sand.u32 $0xFFFFFFE0, s21;
	v21 =	vadd.s32 $0xFFFFFFFF, v21;
	s22 =	sadd.s32 s25, s26;
	v24 =	vmov s26;
	v18 =	vshra.s32 v18, $0x7  }
0xa5: {  	s3 =	sadd.s32 $0x1F, s3;
	[dreg:$0xb] =	wrdreg s14;
	v21 =	vbroadcast v21, $0x0;
	s14 =	sadd.s32 s14, s22;
	v24 =	vadd.s32 $0xFFFFFFFF, v24;
	vm1 =	veq.s32 v18, $0x7  }
0xa6: {  	[dreg:$0xa] =	wrdreg s3;
	s3 =	sand.u32 $0xFFFFFFE0, s3;
	v22 =	vmov s14;
	vm7 =	veq.s32 v18, $0x0;
	v23 =	vsel vm1, $0x1, v0  }
0xa7: {  	[dreg:$0x9] =	wrdreg s3;
	s29 =	sadd.s32 s3, s14;
	s3 =	simm.s32 $0x0;
	v24 =	vbroadcast v24, $0x0;
	vm6 =	veq.s32 v18, $0x1;
	v25 =	vsel vm7, $0x1, v0;
	(xrf0) =	vadd.scan.msk.s32 $0xffff, v23  }
0xa8: {  	v19 =	vmov s3;
	vm2 =	veq.s32 v18, $0x6;
	v23 =	vsel vm6, $0x1, v0;
	(xrf0) =	vadd.scan.msk.s32 $0xffff, v25  }
0xa9: {  	vm3 =	veq.s32 v18, $0x5;
	vm4 =	veq.s32 v18, $0x4;
	v25 =	vsel vm2, $0x1, v0;
	(xrf0) =	vadd.scan.msk.s32 $0xffff, v23  }
0xaa: {  	vm8 =	veq.s32 v18, $0x2;
	vm5 =	veq.s32 v18, $0x3;
	v26 =	vsel vm4, $0x1, v0;
	(xrf0) =	vadd.scan.msk.s32 $0xffff, v25  }
0xab: {  	v18 =	vmov s15;
	v27 =	vsel vm8, $0x1, v0;
	(xrf0) =	vadd.scan.msk.s32 $0xffff, v26;
	v26 =	vsel vm5, $0x1, v0  }
0xac: {  	v20 =	vmov s29;
	(xrf0) =	vadd.scan.msk.s32 $0xffff, v27;
	v27 =	vadd.s32 $0xFFFFFFFF, v18;
	v18 =	vmov s22  }
0xad: {  	v19 =	vadd.s32 $0xFFFFFFFF, v19;
	v20 =	vadd.s32 $0xFFFFFFFF, v20;
	v23 =	vsel vm3, $0x1, v0  }
0xae: {  	v22 =	vadd.s32 $0xFFFFFFFF, v22;
	v19 =	vbroadcast v19, $0x0;
	v20 =	vbroadcast v20, $0x0;
	(xrf0) =	vadd.scan.msk.s32 $0xffff, v26;
	v26, _, _ =	vpop (xrf0)  }
0xaf: {  	v25 =	vmov s24;
	v28 =	vadd.s32 $0xFFFFFFFF, v18;
	v18, _, _ =	vpop (xrf0);
	(v2sf) =	vpush v26, $0xF  }
0xb0: {  	v25 =	vadd.s32 $0xFFFFFFFF, v25;
	v27 =	vbroadcast v27, $0x0;
	(xrf0) =	vadd.scan.msk.s32 $0xffff, v23;
	(v2sf) =	vpush v18, $0xF;
	v23, _, _ =	vpop (xrf0)  }
0xb1: {  	[dreg:$0xc] =	wrdreg s21;
	v28 =	vbroadcast v28, $0x0;
	v19 =	vadd.s32 v19, v18;
	(v2sf) =	vpush v23, $0xF;
	v30, _, _ =	vpop (xrf0)  }
0xb2: {  	s21 =	rddreg [dreg:$0x4];
	v31 =	vadd.s32 v21, v23;
	v21 =	vbroadcast v25, $0x0;
	v23, _, _ =	vpop (xrf0);
	(v2sf) =	vpush v30, $0xF  }
0xb3: {  	v18 =	vor.u32 s21, v1;
	v29 =	vnsel vm7, $0x0, v19;
	v62, _, _ =	vpop (xrf0);
	(v2sf) =	vpush v23, $0xF  }
0xb4: {  	s17 =	sadd.s32 s17, s31;
	s23 =	rddreg [dreg:$0x13];
	v25 =	vsel vm6, v31, v29;
	v32 =	vadd.s32 v21, v62;
	(v2sf) =	vpush v62, $0xF;
	v63, _, _ =	vpop (xrf0)  }
0xb5: {  	s17 =	sadd.s32 s17, s23;
	s23 =	rddreg [dreg:$0x14];
	v25 =	vsel vm8, v32, v25;
	v21 =	vadd.s32 v27, v63;
	v27 =	vbroadcast v22, $0x0  }
0xb6: {  	s17 =	sadd.s32 s17, s23;
	v22 =	vadd.s32 v24, v23;
	v33, _, _ =	vpop (xrf0);
	(v2sf) =	vpush v63, $0xF;
	v23 =	vsel vm5, v21, v25  }
0xb7: {  	s31 =	smov.u32 s19;
	s1 =	sadd.s32 s17, s1;
	s17 =	smov.u32 s21;
	[tilespmem:v19+s16+$0x0] =	vst.idx.msk vm7, v18;
	(v2sf) =	vpush v33, $0xF;
	v19 =	vsel vm4, v22, v23;
	v23 =	vadd.s32 v28, v33  }
0xb8: {  	[dreg:$0xd] =	wrdreg s20;
	s1 =	sadd.s32 s1, s5;
	s5 =	simm.s32 $0x80;
	[tilespmem:v31+s16+$0x0] =	vst.idx.msk vm6, v18;
	v24 =	vadd.s32 v27, v30;
	v19 =	vsel vm3, v23, v19  }
0xb9: {  	s20 =	simm.s32 $0x10;
	[dreg:$0x12] =	wrdreg s1;
	s1 =	simm.s32 $0x0;
	v20 =	vadd.s32 v20, v26;
	[tilespmem:v32+s16+$0x0] =	vst.idx.msk vm8, v18;
	v19 =	vsel vm2, v24, v19  }
.LBB2_4:
0xba: {  	p0 =	sne.s32 s5, $0x7C0  }
0xbb: {  	[tilespmem:v21+s16+$0x0] =	vst.idx.msk vm5, v18;
	s17 =	sadd.s32 $0x10, s17;
	s21 =	smov.u32 s5;
	s5 =	sadd.s32 $0x40, s5  }
0xbc: {  	[tilespmem:v22+s16+$0x0] =	vst.idx.msk vm4, v18  }
0xbd: {  	[tilespmem:v23+s16+$0x0] =	vst.idx.msk vm3, v18  }
0xbe: {  	[tilespmem:v24+s16+$0x0] =	vst.idx.msk vm2, v18  }
0xbf: {  	v19 =	vsel vm1, v20, v19;
	[tilespmem:v20+s16+$0x0] =	vst.idx.msk vm1, v18;
	s23 =	spop (v2sf)  }
0xc0: {  	v18 =	vld [tilespmem:s20+$0x0];
	s29 =	sadd.s32 s29, s23;
	[tilespmem:s13+$0x500] =	vst v19;
	s23 =	spop (v2sf);
	s13 =	smov.u32 s20  }
0xc1: {  	s1 =	sadd.s32 s1, s23;
	s20 =	spop (v2sf)  }
0xc2: {  	v20 =	vmov s29;
	v19 =	vmov s1;
	s31 =	sadd.s32 s31, s20;
	s20 =	spop (v2sf)  }
0xc3: {  	v20 =	vadd.s32 $0xFFFFFFFF, v20;
	v19 =	vadd.s32 $0xFFFFFFFF, v19;
	v21 =	vmov s31;
	s14 =	sadd.s32 s14, s20;
	s20 =	spop (v2sf)  }
0xc4: {  	v21 =	vadd.s32 $0xFFFFFFFF, v21;
	v22 =	vmov s14;
	s26 =	sadd.s32 s26, s20;
	s20 =	spop (v2sf)  }
0xc5: {  	v18 =	vshra.s32 v18, $0x7;
	v23 =	vmov s26;
	v22 =	vadd.s32 $0xFFFFFFFF, v22;
	s24 =	sadd.s32 s24, s20;
	s20 =	spop (v2sf)  }
0xc6: {  	vm6 =	veq.s32 v18, $0x0;
	vm2 =	veq.s32 v18, $0x6;
	vm1 =	veq.s32 v18, $0x7;
	s15 =	sadd.s32 s15, s20;
	s20 =	spop (v2sf)  }
0xc7: {  	vm3 =	veq.s32 v18, $0x5;
	v24 =	vsel vm6, $0x1, v0;
	v25 =	vsel vm1, $0x1, v0;
	s22 =	sadd.s32 s22, s20  }
0xc8: {  	vm7 =	veq.s32 v18, $0x1;
	v26 =	vsel vm3, $0x1, v0;
	v27 =	vsel vm2, $0x1, v0;
	(xrf0) =	vadd.scan.msk.s32 $0xffff, v25  }
0xc9: {  	v28 =	vmov s24;
	v29 =	vmov s15;
	v25 =	vsel vm7, $0x1, v0;
	(xrf0) =	vadd.scan.msk.s32 $0xffff, v24  }
0xca: {  	vm8 =	veq.s32 v18, $0x2;
	vm4 =	veq.s32 v18, $0x4;
	v24 =	vadd.s32 $0xFFFFFFFF, v28;
	(xrf0) =	vadd.scan.msk.s32 $0xffff, v25  }
0xcb: {  	v28 =	vadd.s32 $0xFFFFFFFF, v29;
	v29 =	vsel vm4, $0x1, v0;
	v25 =	vsel vm8, $0x1, v0;
	(xrf0) =	vadd.scan.msk.s32 $0xffff, v27  }
0xcc: {  	vm5 =	veq.s32 v18, $0x3;
	v23 =	vadd.s32 $0xFFFFFFFF, v23;
	v18 =	vmov s22;
	(xrf0) =	vadd.scan.msk.s32 $0xffff, v29  }
0xcd: {  	v30 =	vsel vm5, $0x1, v0;
	v29 =	vadd.s32 $0xFFFFFFFF, v18;
	(xrf0) =	vadd.scan.msk.s32 $0xffff, v25  }
0xce: {  	v19 =	vbroadcast v19, $0x0;
	(xrf0) =	vadd.scan.msk.s32 $0xffff, v30;
	v25, _, _ =	vpop (xrf0)  }
0xcf: {  	v21 =	vbroadcast v21, $0x0;
	v18 =	vor.u32 s17, v1;
	v27, _, _ =	vpop (xrf0);
	(xrf0) =	vadd.scan.msk.s32 $0xffff, v26;
	(v2sf) =	vpush v25, $0xF  }
0xd0: {  	v26 =	vbroadcast v22, $0x0;
	v19 =	vadd.s32 v19, v27;
	(v2sf) =	vpush v27, $0xF;
	v22, _, _ =	vpop (xrf0)  }
0xd1: {  	v27 =	vnsel vm6, $0x0, v19;
	v30 =	vadd.s32 v21, v22;
	(v2sf) =	vpush v22, $0xF;
	v31, _, _ =	vpop (xrf0)  }
0xd2: {  	v33 =	vbroadcast v24, $0x0;
	v21 =	vsel vm7, v30, v27;
	v24, _, _ =	vpop (xrf0);
	(v2sf) =	vpush v31, $0xF  }
0xd3: {  	v23 =	vbroadcast v23, $0x0;
	v34 =	vbroadcast v28, $0x0;
	v28, _, _ =	vpop (xrf0);
	(v2sf) =	vpush v24, $0xF  }
0xd4: {  	v29 =	vbroadcast v29, $0x0;
	v32 =	vadd.s32 v33, v28;
	(v2sf) =	vpush v28, $0xF;
	v22, _, _ =	vpop (xrf0)  }
.Ltmp1:
0xd5: {  	v28 =	vsel vm8, v32, v21;
	v21 =	vadd.s32 v34, v22;
	(v2sf) =	vpush v22, $0xF;
	v27, _, _ =	vpop (xrf0);
	(pc) =	sbr.rel @p0 .LBB2_4-.Ltmp1, $4  }
0xd6: {  	v22 =	vadd.s32 v23, v24;
	v28 =	vsel vm5, v21, v28;
	(v2sf) =	vpush v27, $0xF  }
0xd7: {  	v20 =	vbroadcast v20, $0x0;
	v23 =	vadd.s32 v29, v27;
	[tilespmem:v19+s16+$0x0] =	vst.idx.msk vm6, v18;
	v19 =	vsel vm4, v22, v28  }
0xd8: {  	v24 =	vadd.s32 v26, v31;
	[tilespmem:v30+s16+$0x0] =	vst.idx.msk vm7, v18;
	v19 =	vsel vm3, v23, v19  }
0xd9: {  	s20 =	sshra.s32 s21, $0x2;
	v20 =	vadd.s32 v20, v25;
	[tilespmem:v32+s16+$0x0] =	vst.idx.msk vm8, v18;
	v19 =	vsel vm2, v24, v19  }
0xda: {  	_ =	sdelay $0x4  }
0xdb: {  	[tilespmem:v21+s16+$0x0] =	vst.idx.msk vm5, v18  }
0xdc: {  	[tilespmem:v22+s16+$0x0] =	vst.idx.msk vm4, v18  }
0xdd: {  	[tilespmem:v23+s16+$0x0] =	vst.idx.msk vm3, v18  }
0xde: {  	[tilespmem:v24+s16+$0x0] =	vst.idx.msk vm2, v18  }
0xdf: {  	[tilespmem:v20+s16+$0x0] =	vst.idx.msk vm1, v18  }
0xe0: {  	v18 =	vld [tilespmem:s20+$0x0];
	_ =	sdelay $0x4  }
0xe1: {  	v18 =	vshra.s32 v18, $0x7  }
0xe2: {  	vm2 =	veq.s32 v18, $0x7  }
0xe3: {  	vm7 =	veq.s32 v18, $0x0;
	v41 =	vsel vm2, $0x1, v0  }
0xe4: {  	vm6 =	veq.s32 v18, $0x1;
	v42 =	vsel vm7, $0x1, v0;
	(xrf0) =	vadd.scan.msk.s32 $0xffff, v41  }
0xe5: {  	vm3 =	veq.s32 v18, $0x6;
	vm14 =	veq.s32 v18, $0x4;
	v43 =	vsel vm6, $0x1, v0;
	(xrf0) =	vadd.scan.msk.s32 $0xffff, v42  }
0xe6: {  	vm8 =	veq.s32 v18, $0x2;
	vm9 =	veq.s32 v18, $0x3;
	v44 =	vsel vm3, $0x1, v0;
	(xrf0) =	vadd.scan.msk.s32 $0xffff, v43  }
0xe7: {  	vm15 =	veq.s32 v18, $0x5;
	v45 =	vsel vm14, $0x1, v0;
	v18 =	vsel vm9, $0x1, v0;
	(xrf0) =	vadd.scan.msk.s32 $0xffff, v44  }
0xe8: {  	v46 =	vsel vm8, $0x1, v0;
	(xrf0) =	vadd.scan.msk.s32 $0xffff, v45  }
0xe9: {  	(xrf0) =	vadd.scan.msk.s32 $0xffff, v46  }
0xea: {  	s5 =	spop (v2sf);
	v47 =	vsel vm15, $0x1, v0;
	(xrf0) =	vadd.scan.msk.s32 $0xffff, v18;
	v18, _, _ =	vpop (xrf0)  }
0xeb: {  	s21 =	spop (v2sf);
	v48, _, _ =	vpop (xrf0);
	(xrf0) =	vadd.scan.msk.s32 $0xffff, v47;
	(v2sf) =	vpush v18, $0xF  }
0xec: {  	s5 =	sadd.s32 s29, s5;
	s1 =	sadd.s32 s1, s21;
	s23 =	spop (v2sf);
	(v2sf) =	vpush v48, $0xF;
	v49, _, _ =	vpop (xrf0)  }
0xed: {  	v52 =	vmov s5;
	v50 =	vmov s1;
	s1 =	spop (v2sf);
	(v2sf) =	vpush v49, $0xF;
	v51, _, _ =	vpop (xrf0)  }
0xee: {  	v19 =	vsel vm1, v20, v19;
	s21 =	sadd.s32 s31, s23;
	v24 =	vadd.s32 $0xFFFFFFFF, v52;
	s23 =	spop (v2sf);
	v25, _, _ =	vpop (xrf0);
	(v2sf) =	vpush v51, $0xF  }
0xef: {  	v20 =	vadd.s32 $0xFFFFFFFF, v50;
	v26 =	vmov s21;
	s31 =	spop (v2sf);
	v27, _, _ =	vpop (xrf0);
	(v2sf) =	vpush v25, $0xF  }
0xf0: {  	s1 =	sadd.s32 s14, s1;
	s29 =	sadd.s32 s26, s23;
	v26 =	vadd.s32 $0xFFFFFFFF, v26;
	v20 =	vbroadcast v20, $0x0;
	(v2sf) =	vpush v27, $0xF;
	v29, _, _ =	vpop (xrf0)  }
0xf1: {  	v55 =	vmov s1;
	v28 =	vmov s29;
	s23 =	sadd.s32 s24, s31;
	s24 =	spop (v2sf);
	(v2sf) =	vpush v29, $0xF;
	v31, _, _ =	vpop (xrf0)  }
0xf2: {  	v26 =	vbroadcast v26, $0x0;
	v30 =	vmov s23;
	s26 =	sadd.s32 s15, s24;
	(v2sf) =	vpush v31, $0xF  }
0xf3: {  	s29 =	spop (v2sf);
	v28 =	vadd.s32 $0xFFFFFFFF, v28;
	v30 =	vadd.s32 $0xFFFFFFFF, v30;
	v53 =	vmov s26  }
0xf4: {  	s31 =	sadd.s32 s22, s29;
	v30 =	vbroadcast v30, $0x0;
	v22 =	vadd.s32 $0xFFFFFFFF, v53;
	v20 =	vadd.s32 v20, v48  }
0xf5: {  	v54 =	vmov s31;
	v22 =	vbroadcast v22, $0x0;
	v21 =	vadd.s32 v26, v49  }
0xf6: {  	v28 =	vbroadcast v28, $0x0;
	v26 =	vadd.s32 $0xFFFFFFFF, v54;
	v27 =	vadd.s32 v30, v27  }
0xf7: {  	s15 =	sadd.s32 $0x10, s17;
	v26 =	vbroadcast v26, $0x0;
	v30 =	vadd.s32 $0xFFFFFFFF, v55;
	v22 =	vadd.s32 v22, v29  }
0xf8: {  	[tilespmem:s13+$0x500] =	vst v19;
	v19 =	vor.u32 s15, v1;
	v25 =	vadd.s32 v28, v25;
	v56 =	vbroadcast v30, $0x0  }
0xf9: {  	v24 =	vbroadcast v24, $0x0;
	v57 =	vnsel vm7, $0x0, v20;
	[tilespmem:v20+s16+$0x0] =	vst.idx.msk vm7, v19;
	v58 =	vadd.s32 v26, v31  }
0xfa: {  	v59 =	vsel vm6, v21, v57;
	[tilespmem:v21+s16+$0x0] =	vst.idx.msk vm6, v19;
	v60 =	vadd.s32 v56, v51;
	s17 =	spop (v2sf)  }
0xfb: {  	v18 =	vadd.s32 v24, v18;
	v61 =	vsel vm8, v27, v59;
	[tilespmem:v27+s16+$0x0] =	vst.idx.msk vm8, v19;
	s21 =	spop (v2sf)  }
0xfc: {  	v23 =	vsel vm9, v22, v61;
	[tilespmem:v22+s16+$0x0] =	vst.idx.msk vm9, v19;
	s22 =	spop (v2sf)  }
.Ltmp2:
0xfd: {  	v62 =	vsel vm14, v25, v23;
	[tilespmem:v25+s16+$0x0] =	vst.idx.msk vm14, v19;
	s23 =	spop (v2sf);
	(pc) =	sbr.rel .LBB2_6-.Ltmp2, $4  }
0xfe: {  	v22 =	vsel vm15, v58, v62;
	[tilespmem:v58+s16+$0x0] =	vst.idx.msk vm15, v19;
	s24 =	spop (v2sf)  }
0xff: {  	v63 =	vsel vm3, v60, v22;
	[tilespmem:v60+s16+$0x0] =	vst.idx.msk vm3, v19;
	s26 =	spop (v2sf)  }
0x100: {  	v20 =	vsel vm2, v18, v63;
	[tilespmem:v18+s16+$0x0] =	vst.idx.msk vm2, v19;
	s29 =	spop (v2sf)  }
0x101: {  	s5 =	simm.s32 $0x0;
	s1 =	simm.s32 $0x210;
	[tilespmem:s20+$0x500] =	vst v20;
	s31 =	spop (v2sf)  }
.LBB2_8:
0x102: {  	s5 =	sadd.s32 $0x4000, s5  }
0x103: {  	p0 =	sne.s32 s5, $0x40000  }
.Ltmp3:
0x104: {  	_ = 	snop;
	(pc) =	sbr.rel @!p0 .LBB2_9-.Ltmp3, $2  }
0x105: {  	_ =	sdelay $0x2  }
0x106: {  	s3 =	sadd.s32 $0x20, s3;
	s1 =	sadd.s32 $0x20, s1  }
.LBB2_6:
0x107: {  	p0 =	sge.s32 s3, s19  }
.Ltmp4:
0x108: {  	_ = 	snop;
	(pc) =	sbr.rel @p0 .LBB2_8-.Ltmp4, $1  }
0x109: {  	_ =	sdelay $0x3  }
0x10a: {  	(ifvalue) =	ssetifvalue $0xFFFFFFFF;
	v18 =	vld [tilespmem:s1+$0xFFFFFFF0];
	_ =	sdelay $0x4  }
0x10b: {  	v19 =	vshll.u32 v18, $0x3  }
0x10c: {  	v18 =	vand.u32 $0x7, v18;
	v19 =	vand.u32 $0xFFFFFFC0, v19  }
0x10d: {  	v18 =	vor.u32 v18, v19  }
0x10e: {  	v19 =	vperm.xlane v18, v0;
	_ =	sdelay $0x1  }
0x10f: {  	v20 =	vperm.xlane v18, v5;
	v19 =	vadd.s32 v4, v19;
	_ =	sdelay $0x1  }
0x110: {  	v21 =	vperm.xlane v18, v6;
	v20 =	vadd.s32 v4, v20  }
0x111: {  	s13 =	sshra.s32 s5, $0x2  }
0x112: {  	s14 =	sadd.s32 $0x700, s13;
	v22 =	vperm.xlane v18, v3;
	v21 =	vadd.s32 v4, v21  }
0x113: {  	[tilespmem:s14], [sflag:$0x1] =	stream.indirect_vreg.gather [hbm4b:s4+s2], $0x80, v19, vm0, $0xb8;
	[tilespmem:$0x18900] =	vst v63  }
0x114: {  	s15 =	sadd.s32 $0x780, s13;
	v63 =	vperm.xlane v18, v7;
	v19 =	vadd.s32 v4, v22  }
0x115: {  	[tilespmem:s15], [sflag:$0x1] =	stream.indirect_vreg.gather [hbm4b:s4+s2], $0x80, v20, vm0, $0xb8;
	[tilespmem:$0x18900] =	vst v63  }
0x116: {  	s17 =	sadd.s32 $0x800, s13;
	v25 =	vperm.xlane v18, v8;
	v24 =	vadd.s32 v4, v63  }
0x117: {  	[tilespmem:s17], [sflag:$0x1] =	stream.indirect_vreg.gather [hbm4b:s4+s2], $0x80, v21, vm0, $0xb8;
	[tilespmem:$0x18900] =	vst v63  }
0x118: {  	s20 =	sadd.s32 $0x880, s13;
	v27 =	vperm.xlane v18, v9;
	v26 =	vadd.s32 v4, v25  }
0x119: {  	[tilespmem:s20], [sflag:$0x1] =	stream.indirect_vreg.gather [hbm4b:s4+s2], $0x80, v19, vm0, $0xb8;
	[tilespmem:$0x18900] =	vst v63  }
0x11a: {  	s21 =	sadd.s32 $0x900, s13;
	v28 =	vperm.xlane v18, v2;
	v19 =	vadd.s32 v4, v27  }
0x11b: {  	[tilespmem:s21], [sflag:$0x1] =	stream.indirect_vreg.gather [hbm4b:s4+s2], $0x80, v24, vm0, $0xb8;
	[tilespmem:$0x18900] =	vst v63  }
0x11c: {  	s22 =	sadd.s32 $0x980, s13;
	v30 =	vperm.xlane v18, v10;
	v29 =	vadd.s32 v4, v28  }
0x11d: {  	[tilespmem:s22], [sflag:$0x1] =	stream.indirect_vreg.gather [hbm4b:s4+s2], $0x80, v26, vm0, $0xb8;
	[tilespmem:$0x18900] =	vst v63  }
0x11e: {  	s23 =	sadd.s32 $0xA00, s13;
	v32 =	vperm.xlane v18, v11;
	v31 =	vadd.s32 v4, v30  }
0x11f: {  	[tilespmem:s23], [sflag:$0x1] =	stream.indirect_vreg.gather [hbm4b:s4+s2], $0x80, v19, vm0, $0xb8;
	[tilespmem:$0x18900] =	vst v63  }
0x120: {  	s24 =	sadd.s32 $0xA80, s13;
	v33 =	vperm.xlane v18, v12;
	v19 =	vadd.s32 v4, v32  }
0x121: {  	[tilespmem:s24], [sflag:$0x1] =	stream.indirect_vreg.gather [hbm4b:s4+s2], $0x80, v29, vm0, $0xb8;
	[tilespmem:$0x18900] =	vst v63  }
0x122: {  	s26 =	sadd.s32 $0xB00, s13;
	v35 =	vperm.xlane v18, v13;
	v34 =	vadd.s32 v4, v33  }
0x123: {  	[tilespmem:s26], [sflag:$0x1] =	stream.indirect_vreg.gather [hbm4b:s4+s2], $0x80, v31, vm0, $0xb8;
	[tilespmem:$0x18900] =	vst v63  }
0x124: {  	s29 =	sadd.s32 $0xB80, s13;
	v37 =	vperm.xlane v18, v14;
	v36 =	vadd.s32 v4, v35  }
0x125: {  	[tilespmem:s29], [sflag:$0x1] =	stream.indirect_vreg.gather [hbm4b:s4+s2], $0x80, v19, vm0, $0xb8;
	[tilespmem:$0x18900] =	vst v63  }
0x126: {  	s31 =	sadd.s32 $0xC00, s13;
	v38 =	vperm.xlane v18, v15;
	v19 =	vadd.s32 v4, v37  }
0x127: {  	[tilespmem:s31], [sflag:$0x1] =	stream.indirect_vreg.gather [hbm4b:s4+s2], $0x80, v34, vm0, $0xb8;
	[tilespmem:$0x18900] =	vst v63  }
0x128: {  	v40 =	vperm.xlane v18, v16;
	v39 =	vadd.s32 v4, v38;
	s15 =	sadd.s32 $0xC80, s13  }
0x129: {  	[tilespmem:s15], [sflag:$0x1] =	stream.indirect_vreg.gather [hbm4b:s4+s2], $0x80, v36, vm0, $0xb8;
	[tilespmem:$0x18900] =	vst v63  }
0x12a: {  	v18 =	vperm.xlane v18, v17;
	v41 =	vadd.s32 v4, v40;
	s17 =	sadd.s32 $0xD00, s13  }
0x12b: {  	[tilespmem:s17], [sflag:$0x1] =	stream.indirect_vreg.gather [hbm4b:s4+s2], $0x80, v19, vm0, $0xb8;
	[tilespmem:$0x18900] =	vst v63  }
0x12c: {  	v18 =	vadd.s32 v4, v18;
	s20 =	sadd.s32 $0xD80, s13  }
0x12d: {  	[tilespmem:s20], [sflag:$0x1] =	stream.indirect_vreg.gather [hbm4b:s4+s2], $0x80, v39, vm0, $0xb8;
	[tilespmem:$0x18900] =	vst v63  }
0x12e: {  	s21 =	sadd.s32 $0xE00, s13  }
0x12f: {  	[tilespmem:s21], [sflag:$0x1] =	stream.indirect_vreg.gather [hbm4b:s4+s2], $0x80, v41, vm0, $0xb8;
	[tilespmem:$0x18900] =	vst v63  }
0x130: {  	s22 =	sadd.s32 $0xE80, s13  }
0x131: {  	[tilespmem:s22], [sflag:$0x1] =	stream.indirect_vreg.gather [hbm4b:s4+s2], $0x80, v18, vm0, $0xb8;
	[tilespmem:$0x18900] =	vst v63  }
0x132: {  	v18 =	vld [tilespmem:s1+$0x0];
	_ =	sdelay $0x4  }
0x133: {  	v19 =	vshll.u32 v18, $0x3  }
0x134: {  	v18 =	vand.u32 $0x7, v18;
	v19 =	vand.u32 $0xFFFFFFC0, v19  }
0x135: {  	v18 =	vor.u32 v18, v19  }
0x136: {  	v19 =	vperm.xlane v18, v0;
	_ =	sdelay $0x1  }
0x137: {  	v42 =	vperm.xlane v18, v5;
	v19 =	vadd.s32 v4, v19;
	_ =	sdelay $0x1  }
0x138: {  	v43 =	vperm.xlane v18, v6;
	v20 =	vadd.s32 v4, v42;
	_ =	sdelay $0x1  }
0x139: {  	s23 =	sadd.s32 $0xF00, s13;
	v44 =	vperm.xlane v18, v3;
	v21 =	vadd.s32 v4, v43  }
0x13a: {  	[tilespmem:s23], [sflag:$0x1] =	stream.indirect_vreg.gather [hbm4b:s4+s2], $0x80, v19, vm0, $0xb8;
	[tilespmem:$0x18900] =	vst v63  }
0x13b: {  	s24 =	sadd.s32 $0xF80, s13;
	v45 =	vperm.xlane v18, v7;
	v19 =	vadd.s32 v4, v44  }
0x13c: {  	[tilespmem:s24], [sflag:$0x1] =	stream.indirect_vreg.gather [hbm4b:s4+s2], $0x80, v20, vm0, $0xb8;
	[tilespmem:$0x18900] =	vst v63  }
0x13d: {  	s26 =	sadd.s32 $0x1000, s13;
	v47 =	vperm.xlane v18, v8;
	v46 =	vadd.s32 v4, v45  }
0x13e: {  	[tilespmem:s26], [sflag:$0x1] =	stream.indirect_vreg.gather [hbm4b:s4+s2], $0x80, v21, vm0, $0xb8;
	[tilespmem:$0x18900] =	vst v63  }
0x13f: {  	s29 =	sadd.s32 $0x1080, s13;
	v49 =	vperm.xlane v18, v9;
	v48 =	vadd.s32 v4, v47  }
0x140: {  	[tilespmem:s29], [sflag:$0x1] =	stream.indirect_vreg.gather [hbm4b:s4+s2], $0x80, v19, vm0, $0xb8;
	[tilespmem:$0x18900] =	vst v63  }
0x141: {  	s31 =	sadd.s32 $0x1100, s13;
	v50 =	vperm.xlane v18, v2;
	v19 =	vadd.s32 v4, v49  }
0x142: {  	[tilespmem:s31], [sflag:$0x1] =	stream.indirect_vreg.gather [hbm4b:s4+s2], $0x80, v46, vm0, $0xb8;
	[tilespmem:$0x18900] =	vst v63  }
0x143: {  	s15 =	sadd.s32 $0x1180, s13;
	v52 =	vperm.xlane v18, v10;
	v51 =	vadd.s32 v4, v50  }
0x144: {  	[tilespmem:s15], [sflag:$0x1] =	stream.indirect_vreg.gather [hbm4b:s4+s2], $0x80, v48, vm0, $0xb8;
	[tilespmem:$0x18900] =	vst v63  }
0x145: {  	s17 =	sadd.s32 $0x1200, s13;
	v54 =	vperm.xlane v18, v11;
	v53 =	vadd.s32 v4, v52  }
0x146: {  	[tilespmem:s17], [sflag:$0x1] =	stream.indirect_vreg.gather [hbm4b:s4+s2], $0x80, v19, vm0, $0xb8;
	[tilespmem:$0x18900] =	vst v63  }
0x147: {  	s20 =	sadd.s32 $0x1280, s13;
	v55 =	vperm.xlane v18, v12;
	v19 =	vadd.s32 v4, v54  }
0x148: {  	[tilespmem:s20], [sflag:$0x1] =	stream.indirect_vreg.gather [hbm4b:s4+s2], $0x80, v51, vm0, $0xb8;
	[tilespmem:$0x18900] =	vst v63  }
0x149: {  	s21 =	sadd.s32 $0x1300, s13;
	v57 =	vperm.xlane v18, v13;
	v56 =	vadd.s32 v4, v55  }
0x14a: {  	[tilespmem:s21], [sflag:$0x1] =	stream.indirect_vreg.gather [hbm4b:s4+s2], $0x80, v53, vm0, $0xb8;
	[tilespmem:$0x18900] =	vst v63  }
0x14b: {  	s22 =	sadd.s32 $0x1380, s13;
	v59 =	vperm.xlane v18, v14;
	v58 =	vadd.s32 v4, v57  }
0x14c: {  	[tilespmem:s22], [sflag:$0x1] =	stream.indirect_vreg.gather [hbm4b:s4+s2], $0x80, v19, vm0, $0xb8;
	[tilespmem:$0x18900] =	vst v63  }
0x14d: {  	v60 =	vperm.xlane v18, v15;
	s23 =	sadd.s32 $0x1400, s13;
	v19 =	vadd.s32 v4, v59  }
0x14e: {  	[tilespmem:s23], [sflag:$0x1] =	stream.indirect_vreg.gather [hbm4b:s4+s2], $0x80, v56, vm0, $0xb8;
	[tilespmem:$0x18900] =	vst v63  }
0x14f: {  	v61 =	vadd.s32 v4, v60;
	s24 =	sadd.s32 $0x1480, s13  }
0x150: {  	v62 =	vperm.xlane v18, v16;
	[tilespmem:s24], [sflag:$0x1] =	stream.indirect_vreg.gather [hbm4b:s4+s2], $0x80, v58, vm0, $0xb8;
	[tilespmem:$0x18900] =	vst v63  }
0x151: {  	s26 =	sadd.s32 $0x1500, s13  }
0x152: {  	v18 =	vperm.xlane v18, v17;
	v63 =	vadd.s32 v4, v62;
	[tilespmem:s26], [sflag:$0x1] =	stream.indirect_vreg.gather [hbm4b:s4+s2], $0x80, v19, vm0, $0xb8;
	[tilespmem:$0x18900] =	vst v63  }
0x153: {  	s29 =	sadd.s32 $0x1580, s13  }
0x154: {  	v18 =	vadd.s32 v4, v18;
	[tilespmem:s29], [sflag:$0x1] =	stream.indirect_vreg.gather [hbm4b:s4+s2], $0x80, v61, vm0, $0xb8;
	[tilespmem:$0x18900] =	vst v63  }
.Ltmp5:
0x155: {  	_ = 	snop;
	(pc) =	sbr.rel .LBB2_8-.Ltmp5, $4  }
0x156: {  	s31 =	sadd.s32 $0x1600, s13  }
0x157: {  	[tilespmem:s31], [sflag:$0x1] =	stream.indirect_vreg.gather [hbm4b:s4+s2], $0x80, v63, vm0, $0xb8;
	[tilespmem:$0x18900] =	vst v63  }
0x158: {  	s13 =	sadd.s32 $0x1680, s13  }
0x159: {  	[tilespmem:s13], [sflag:$0x1] =	stream.indirect_vreg.gather [hbm4b:s4+s2], $0x80, v18, vm0, $0xb8;
	[tilespmem:$0x18900] =	vst v63  }
.LBB2_9:
.Ltmp6:
0x15a: {  	s1 =	rddreg [dreg:$0x11];
	(pc) =	sbr.rel .LBB2_10-.Ltmp6, $4  }
0x15b: {  	s1 =	sshrl.u32 s1, $0x5  }
0x15c: {  	s14 =	sshll.u32 s1, $0xE;
	s1 =	sshll.u32 s1, $0x7  }
0x15d: {  	s13 =	simm.s32 $0x0;
	s3 =	sshra.s32 s14, $0x2;
	s5 =	sshra.s32 s1, $0x2  }
0x15e: {  	s15 =	simm.s32 $0x0;
	s3 =	sor.u32 $0x700, s3;
	s5 =	sadd.s32 $0x210, s5  }
.LBB2_12:
0x15f: {  	s15 =	sadd.s32 $0x4000, s15  }
0x160: {  	p0 =	sne.s32 s15, $0x40000  }
.Ltmp7:
0x161: {  	_ = 	snop;
	(pc) =	sbr.rel @!p0 .LBB2_13-.Ltmp7, $2  }
0x162: {  	_ =	sdelay $0x2  }
0x163: {  	s13 =	sadd.s32 $0x20, s13;
	s5 =	sadd.s32 $0x20, s5  }
.LBB2_10:
0x164: {  	p0 =	sge.s32 s13, s0  }
.Ltmp8:
0x165: {  	_ = 	snop;
	(pc) =	sbr.rel @p0 .LBB2_12-.Ltmp8, $1  }
0x166: {  	_ =	sdelay $0x3  }
0x167: {  	(ifvalue) =	ssetifvalue $0xFFFFFFFF;
	v18 =	vld [tilespmem:s5+$0xFFFFFFF0];
	_ =	sdelay $0x4  }
0x168: {  	v19 =	vshll.u32 v18, $0x3  }
0x169: {  	v18 =	vand.u32 $0x7, v18;
	v19 =	vand.u32 $0xFFFFFFC0, v19  }
0x16a: {  	v18 =	vor.u32 v18, v19  }
0x16b: {  	v19 =	vperm.xlane v18, v0;
	_ =	sdelay $0x1  }
0x16c: {  	v20 =	vperm.xlane v18, v5;
	v19 =	vadd.s32 v4, v19;
	_ =	sdelay $0x1  }
0x16d: {  	v21 =	vperm.xlane v18, v6;
	v20 =	vadd.s32 v4, v20  }
0x16e: {  	s17 =	sshra.s32 s15, $0x2  }
0x16f: {  	s17 =	sadd.s32 s17, s3;
	v22 =	vperm.xlane v18, v3;
	v21 =	vadd.s32 v4, v21  }
0x170: {  	[tilespmem:s17], [sflag:$0x1] =	stream.indirect_vreg.gather [hbm4b:s6+s2], $0x80, v19, vm0, $0xb8;
	[tilespmem:$0x18900] =	vst v63  }
0x171: {  	s20 =	sadd.s32 $0x80, s17;
	v63 =	vperm.xlane v18, v7;
	v19 =	vadd.s32 v4, v22  }
0x172: {  	[tilespmem:s20], [sflag:$0x1] =	stream.indirect_vreg.gather [hbm4b:s6+s2], $0x80, v20, vm0, $0xb8;
	[tilespmem:$0x18900] =	vst v63  }
0x173: {  	s31 =	sadd.s32 $0x100, s17;
	v25 =	vperm.xlane v18, v8;
	v24 =	vadd.s32 v4, v63  }
0x174: {  	[tilespmem:s31], [sflag:$0x1] =	stream.indirect_vreg.gather [hbm4b:s6+s2], $0x80, v21, vm0, $0xb8;
	[tilespmem:$0x18900] =	vst v63  }
0x175: {  	s21 =	sadd.s32 $0x180, s17;
	v27 =	vperm.xlane v18, v9;
	v26 =	vadd.s32 v4, v25  }
0x176: {  	[tilespmem:s21], [sflag:$0x1] =	stream.indirect_vreg.gather [hbm4b:s6+s2], $0x80, v19, vm0, $0xb8;
	[tilespmem:$0x18900] =	vst v63  }
0x177: {  	s22 =	sadd.s32 $0x200, s17;
	v28 =	vperm.xlane v18, v2;
	v19 =	vadd.s32 v4, v27  }
0x178: {  	[tilespmem:s22], [sflag:$0x1] =	stream.indirect_vreg.gather [hbm4b:s6+s2], $0x80, v24, vm0, $0xb8;
	[tilespmem:$0x18900] =	vst v63  }
0x179: {  	s23 =	sadd.s32 $0x280, s17;
	v30 =	vperm.xlane v18, v10;
	v29 =	vadd.s32 v4, v28  }
0x17a: {  	[tilespmem:s23], [sflag:$0x1] =	stream.indirect_vreg.gather [hbm4b:s6+s2], $0x80, v26, vm0, $0xb8;
	[tilespmem:$0x18900] =	vst v63  }
0x17b: {  	s24 =	sadd.s32 $0x300, s17;
	v32 =	vperm.xlane v18, v11;
	v31 =	vadd.s32 v4, v30  }
0x17c: {  	[tilespmem:s24], [sflag:$0x1] =	stream.indirect_vreg.gather [hbm4b:s6+s2], $0x80, v19, vm0, $0xb8;
	[tilespmem:$0x18900] =	vst v63  }
0x17d: {  	s26 =	sadd.s32 $0x380, s17;
	v33 =	vperm.xlane v18, v12;
	v19 =	vadd.s32 v4, v32  }
0x17e: {  	[tilespmem:s26], [sflag:$0x1] =	stream.indirect_vreg.gather [hbm4b:s6+s2], $0x80, v29, vm0, $0xb8;
	[tilespmem:$0x18900] =	vst v63  }
0x17f: {  	s29 =	sadd.s32 $0x400, s17;
	v35 =	vperm.xlane v18, v13;
	v34 =	vadd.s32 v4, v33  }
0x180: {  	[tilespmem:s29], [sflag:$0x1] =	stream.indirect_vreg.gather [hbm4b:s6+s2], $0x80, v31, vm0, $0xb8;
	[tilespmem:$0x18900] =	vst v63  }
0x181: {  	v37 =	vperm.xlane v18, v14;
	v36 =	vadd.s32 v4, v35;
	s31 =	sadd.s32 $0x480, s17  }
0x182: {  	[tilespmem:s31], [sflag:$0x1] =	stream.indirect_vreg.gather [hbm4b:s6+s2], $0x80, v19, vm0, $0xb8;
	[tilespmem:$0x18900] =	vst v63  }
0x183: {  	v38 =	vperm.xlane v18, v15;
	s21 =	sadd.s32 $0x500, s17;
	v19 =	vadd.s32 v4, v37  }
0x184: {  	[tilespmem:s21], [sflag:$0x1] =	stream.indirect_vreg.gather [hbm4b:s6+s2], $0x80, v34, vm0, $0xb8;
	[tilespmem:$0x18900] =	vst v63  }
0x185: {  	v40 =	vperm.xlane v18, v16;
	v39 =	vadd.s32 v4, v38;
	s22 =	sadd.s32 $0x580, s17  }
0x186: {  	[tilespmem:s22], [sflag:$0x1] =	stream.indirect_vreg.gather [hbm4b:s6+s2], $0x80, v36, vm0, $0xb8;
	[tilespmem:$0x18900] =	vst v63  }
0x187: {  	v18 =	vperm.xlane v18, v17;
	v41 =	vadd.s32 v4, v40;
	s23 =	sadd.s32 $0x600, s17  }
0x188: {  	[tilespmem:s23], [sflag:$0x1] =	stream.indirect_vreg.gather [hbm4b:s6+s2], $0x80, v19, vm0, $0xb8;
	[tilespmem:$0x18900] =	vst v63  }
0x189: {  	v18 =	vadd.s32 v4, v18;
	s24 =	sadd.s32 $0x680, s17  }
0x18a: {  	[tilespmem:s24], [sflag:$0x1] =	stream.indirect_vreg.gather [hbm4b:s6+s2], $0x80, v39, vm0, $0xb8;
	[tilespmem:$0x18900] =	vst v63  }
0x18b: {  	s26 =	sadd.s32 $0x700, s17  }
0x18c: {  	[tilespmem:s26], [sflag:$0x1] =	stream.indirect_vreg.gather [hbm4b:s6+s2], $0x80, v41, vm0, $0xb8;
	[tilespmem:$0x18900] =	vst v63  }
0x18d: {  	s29 =	sadd.s32 $0x780, s17  }
0x18e: {  	[tilespmem:s29], [sflag:$0x1] =	stream.indirect_vreg.gather [hbm4b:s6+s2], $0x80, v18, vm0, $0xb8;
	[tilespmem:$0x18900] =	vst v63  }
0x18f: {  	v18 =	vld [tilespmem:s5+$0x0];
	_ =	sdelay $0x4  }
0x190: {  	v19 =	vshll.u32 v18, $0x3  }
0x191: {  	v18 =	vand.u32 $0x7, v18;
	v19 =	vand.u32 $0xFFFFFFC0, v19  }
0x192: {  	v18 =	vor.u32 v18, v19  }
0x193: {  	v19 =	vperm.xlane v18, v0;
	_ =	sdelay $0x1  }
0x194: {  	v42 =	vperm.xlane v18, v5;
	v19 =	vadd.s32 v4, v19;
	_ =	sdelay $0x1  }
0x195: {  	v43 =	vperm.xlane v18, v6;
	v20 =	vadd.s32 v4, v42;
	_ =	sdelay $0x1  }
0x196: {  	s31 =	sadd.s32 $0x800, s17;
	v44 =	vperm.xlane v18, v3;
	v21 =	vadd.s32 v4, v43  }
0x197: {  	[tilespmem:s31], [sflag:$0x1] =	stream.indirect_vreg.gather [hbm4b:s6+s2], $0x80, v19, vm0, $0xb8;
	[tilespmem:$0x18900] =	vst v63  }
0x198: {  	s21 =	sadd.s32 $0x880, s17;
	v45 =	vperm.xlane v18, v7;
	v19 =	vadd.s32 v4, v44  }
0x199: {  	[tilespmem:s21], [sflag:$0x1] =	stream.indirect_vreg.gather [hbm4b:s6+s2], $0x80, v20, vm0, $0xb8;
	[tilespmem:$0x18900] =	vst v63  }
0x19a: {  	s22 =	sadd.s32 $0x900, s17;
	v47 =	vperm.xlane v18, v8;
	v46 =	vadd.s32 v4, v45  }
0x19b: {  	[tilespmem:s22], [sflag:$0x1] =	stream.indirect_vreg.gather [hbm4b:s6+s2], $0x80, v21, vm0, $0xb8;
	[tilespmem:$0x18900] =	vst v63  }
0x19c: {  	s23 =	sadd.s32 $0x980, s17;
	v49 =	vperm.xlane v18, v9;
	v48 =	vadd.s32 v4, v47  }
0x19d: {  	[tilespmem:s23], [sflag:$0x1] =	stream.indirect_vreg.gather [hbm4b:s6+s2], $0x80, v19, vm0, $0xb8;
	[tilespmem:$0x18900] =	vst v63  }
0x19e: {  	s24 =	sadd.s32 $0xA00, s17;
	v50 =	vperm.xlane v18, v2;
	v19 =	vadd.s32 v4, v49  }
0x19f: {  	[tilespmem:s24], [sflag:$0x1] =	stream.indirect_vreg.gather [hbm4b:s6+s2], $0x80, v46, vm0, $0xb8;
	[tilespmem:$0x18900] =	vst v63  }
0x1a0: {  	s26 =	sadd.s32 $0xA80, s17;
	v52 =	vperm.xlane v18, v10;
	v51 =	vadd.s32 v4, v50  }
0x1a1: {  	[tilespmem:s26], [sflag:$0x1] =	stream.indirect_vreg.gather [hbm4b:s6+s2], $0x80, v48, vm0, $0xb8;
	[tilespmem:$0x18900] =	vst v63  }
0x1a2: {  	s29 =	sadd.s32 $0xB00, s17;
	v54 =	vperm.xlane v18, v11;
	v53 =	vadd.s32 v4, v52  }
0x1a3: {  	[tilespmem:s29], [sflag:$0x1] =	stream.indirect_vreg.gather [hbm4b:s6+s2], $0x80, v19, vm0, $0xb8;
	[tilespmem:$0x18900] =	vst v63  }
0x1a4: {  	v55 =	vperm.xlane v18, v12;
	s31 =	sadd.s32 $0xB80, s17;
	v19 =	vadd.s32 v4, v54  }
0x1a5: {  	[tilespmem:s31], [sflag:$0x1] =	stream.indirect_vreg.gather [hbm4b:s6+s2], $0x80, v51, vm0, $0xb8;
	[tilespmem:$0x18900] =	vst v63  }
0x1a6: {  	v57 =	vperm.xlane v18, v13;
	v56 =	vadd.s32 v4, v55;
	s21 =	sadd.s32 $0xC00, s17  }
0x1a7: {  	[tilespmem:s21], [sflag:$0x1] =	stream.indirect_vreg.gather [hbm4b:s6+s2], $0x80, v53, vm0, $0xb8;
	[tilespmem:$0x18900] =	vst v63  }
0x1a8: {  	v59 =	vperm.xlane v18, v14;
	v58 =	vadd.s32 v4, v57;
	s22 =	sadd.s32 $0xC80, s17  }
0x1a9: {  	[tilespmem:s22], [sflag:$0x1] =	stream.indirect_vreg.gather [hbm4b:s6+s2], $0x80, v19, vm0, $0xb8;
	[tilespmem:$0x18900] =	vst v63  }
0x1aa: {  	v60 =	vperm.xlane v18, v15;
	s23 =	sadd.s32 $0xD00, s17;
	v19 =	vadd.s32 v4, v59  }
0x1ab: {  	[tilespmem:s23], [sflag:$0x1] =	stream.indirect_vreg.gather [hbm4b:s6+s2], $0x80, v56, vm0, $0xb8;
	[tilespmem:$0x18900] =	vst v63  }
0x1ac: {  	v61 =	vadd.s32 v4, v60;
	s24 =	sadd.s32 $0xD80, s17  }
0x1ad: {  	v62 =	vperm.xlane v18, v16;
	[tilespmem:s24], [sflag:$0x1] =	stream.indirect_vreg.gather [hbm4b:s6+s2], $0x80, v58, vm0, $0xb8;
	[tilespmem:$0x18900] =	vst v63  }
0x1ae: {  	s26 =	sadd.s32 $0xE00, s17  }
0x1af: {  	v18 =	vperm.xlane v18, v17;
	v63 =	vadd.s32 v4, v62;
	[tilespmem:s26], [sflag:$0x1] =	stream.indirect_vreg.gather [hbm4b:s6+s2], $0x80, v19, vm0, $0xb8;
	[tilespmem:$0x18900] =	vst v63  }
0x1b0: {  	s29 =	sadd.s32 $0xE80, s17  }
0x1b1: {  	v18 =	vadd.s32 v4, v18;
	[tilespmem:s29], [sflag:$0x1] =	stream.indirect_vreg.gather [hbm4b:s6+s2], $0x80, v61, vm0, $0xb8;
	[tilespmem:$0x18900] =	vst v63  }
.Ltmp9:
0x1b2: {  	_ = 	snop;
	(pc) =	sbr.rel .LBB2_12-.Ltmp9, $4  }
0x1b3: {  	s31 =	sadd.s32 $0xF00, s17  }
0x1b4: {  	[tilespmem:s31], [sflag:$0x1] =	stream.indirect_vreg.gather [hbm4b:s6+s2], $0x80, v63, vm0, $0xb8;
	[tilespmem:$0x18900] =	vst v63  }
0x1b5: {  	s17 =	sadd.s32 $0xF80, s17  }
0x1b6: {  	[tilespmem:s17], [sflag:$0x1] =	stream.indirect_vreg.gather [hbm4b:s6+s2], $0x80, v18, vm0, $0xb8;
	[tilespmem:$0x18900] =	vst v63  }
.LBB2_13:
0x1b7: {  	s3 =	rddreg [dreg:$0x10]  }
.Ltmp10:
0x1b8: {  	s5 =	sshrl.u32 s3, $0x5;
	(pc) =	sbr.rel .LBB2_14-.Ltmp10, $4  }
0x1b9: {  	s3 =	sshll.u32 s5, $0xE;
	s5 =	sshll.u32 s5, $0x7  }
0x1ba: {  	s13 =	sadd.s32 s3, s14;
	s5 =	sadd.s32 s5, s1  }
0x1bb: {  	s15 =	simm.s32 $0x0;
	s13 =	sshra.s32 s13, $0x2;
	s5 =	sshra.s32 s5, $0x2  }
0x1bc: {  	s1 =	sor.u32 $0x700, s13;
	s5 =	sadd.s32 $0x210, s5;
	s13 =	simm.s32 $0x0  }
.LBB2_16:
0x1bd: {  	s15 =	sadd.s32 $0x4000, s15  }
0x1be: {  	p0 =	sne.s32 s15, $0x40000  }
.Ltmp11:
0x1bf: {  	_ = 	snop;
	(pc) =	sbr.rel @!p0 .LBB2_17-.Ltmp11, $2  }
0x1c0: {  	_ =	sdelay $0x2  }
0x1c1: {  	s13 =	sadd.s32 $0x20, s13;
	s5 =	sadd.s32 $0x20, s5  }
.LBB2_14:
0x1c2: {  	p0 =	sge.s32 s13, s30  }
.Ltmp12:
0x1c3: {  	_ = 	snop;
	(pc) =	sbr.rel @p0 .LBB2_16-.Ltmp12, $1  }
0x1c4: {  	_ =	sdelay $0x3  }
0x1c5: {  	(ifvalue) =	ssetifvalue $0xFFFFFFFF;
	v18 =	vld [tilespmem:s5+$0xFFFFFFF0];
	_ =	sdelay $0x4  }
0x1c6: {  	v19 =	vshll.u32 v18, $0x3  }
0x1c7: {  	v18 =	vand.u32 $0x7, v18;
	v19 =	vand.u32 $0xFFFFFFC0, v19  }
0x1c8: {  	v18 =	vor.u32 v18, v19  }
0x1c9: {  	v19 =	vperm.xlane v18, v0;
	_ =	sdelay $0x1  }
0x1ca: {  	v20 =	vperm.xlane v18, v5;
	v19 =	vadd.s32 v4, v19;
	_ =	sdelay $0x1  }
0x1cb: {  	v21 =	vperm.xlane v18, v6;
	v20 =	vadd.s32 v4, v20  }
0x1cc: {  	s17 =	sshra.s32 s15, $0x2  }
0x1cd: {  	s17 =	sadd.s32 s17, s1;
	v22 =	vperm.xlane v18, v3;
	v21 =	vadd.s32 v4, v21  }
0x1ce: {  	[tilespmem:s17], [sflag:$0x1] =	stream.indirect_vreg.gather [hbm4b:s7+s2], $0x80, v19, vm0, $0xb8;
	[tilespmem:$0x18900] =	vst v63  }
0x1cf: {  	s20 =	sadd.s32 $0x80, s17;
	v63 =	vperm.xlane v18, v7;
	v19 =	vadd.s32 v4, v22  }
0x1d0: {  	[tilespmem:s20], [sflag:$0x1] =	stream.indirect_vreg.gather [hbm4b:s7+s2], $0x80, v20, vm0, $0xb8;
	[tilespmem:$0x18900] =	vst v63  }
0x1d1: {  	s31 =	sadd.s32 $0x100, s17;
	v25 =	vperm.xlane v18, v8;
	v24 =	vadd.s32 v4, v63  }
0x1d2: {  	[tilespmem:s31], [sflag:$0x1] =	stream.indirect_vreg.gather [hbm4b:s7+s2], $0x80, v21, vm0, $0xb8;
	[tilespmem:$0x18900] =	vst v63  }
0x1d3: {  	s21 =	sadd.s32 $0x180, s17;
	v27 =	vperm.xlane v18, v9;
	v26 =	vadd.s32 v4, v25  }
0x1d4: {  	[tilespmem:s21], [sflag:$0x1] =	stream.indirect_vreg.gather [hbm4b:s7+s2], $0x80, v19, vm0, $0xb8;
	[tilespmem:$0x18900] =	vst v63  }
0x1d5: {  	s22 =	sadd.s32 $0x200, s17;
	v28 =	vperm.xlane v18, v2;
	v19 =	vadd.s32 v4, v27  }
0x1d6: {  	[tilespmem:s22], [sflag:$0x1] =	stream.indirect_vreg.gather [hbm4b:s7+s2], $0x80, v24, vm0, $0xb8;
	[tilespmem:$0x18900] =	vst v63  }
0x1d7: {  	s23 =	sadd.s32 $0x280, s17;
	v30 =	vperm.xlane v18, v10;
	v29 =	vadd.s32 v4, v28  }
0x1d8: {  	[tilespmem:s23], [sflag:$0x1] =	stream.indirect_vreg.gather [hbm4b:s7+s2], $0x80, v26, vm0, $0xb8;
	[tilespmem:$0x18900] =	vst v63  }
0x1d9: {  	s24 =	sadd.s32 $0x300, s17;
	v32 =	vperm.xlane v18, v11;
	v31 =	vadd.s32 v4, v30  }
0x1da: {  	[tilespmem:s24], [sflag:$0x1] =	stream.indirect_vreg.gather [hbm4b:s7+s2], $0x80, v19, vm0, $0xb8;
	[tilespmem:$0x18900] =	vst v63  }
0x1db: {  	s26 =	sadd.s32 $0x380, s17;
	v33 =	vperm.xlane v18, v12;
	v19 =	vadd.s32 v4, v32  }
0x1dc: {  	[tilespmem:s26], [sflag:$0x1] =	stream.indirect_vreg.gather [hbm4b:s7+s2], $0x80, v29, vm0, $0xb8;
	[tilespmem:$0x18900] =	vst v63  }
0x1dd: {  	s29 =	sadd.s32 $0x400, s17;
	v35 =	vperm.xlane v18, v13;
	v34 =	vadd.s32 v4, v33  }
0x1de: {  	[tilespmem:s29], [sflag:$0x1] =	stream.indirect_vreg.gather [hbm4b:s7+s2], $0x80, v31, vm0, $0xb8;
	[tilespmem:$0x18900] =	vst v63  }
0x1df: {  	v37 =	vperm.xlane v18, v14;
	v36 =	vadd.s32 v4, v35;
	s31 =	sadd.s32 $0x480, s17  }
0x1e0: {  	[tilespmem:s31], [sflag:$0x1] =	stream.indirect_vreg.gather [hbm4b:s7+s2], $0x80, v19, vm0, $0xb8;
	[tilespmem:$0x18900] =	vst v63  }
0x1e1: {  	v38 =	vperm.xlane v18, v15;
	s21 =	sadd.s32 $0x500, s17;
	v19 =	vadd.s32 v4, v37  }
0x1e2: {  	[tilespmem:s21], [sflag:$0x1] =	stream.indirect_vreg.gather [hbm4b:s7+s2], $0x80, v34, vm0, $0xb8;
	[tilespmem:$0x18900] =	vst v63  }
0x1e3: {  	v40 =	vperm.xlane v18, v16;
	v39 =	vadd.s32 v4, v38;
	s22 =	sadd.s32 $0x580, s17  }
0x1e4: {  	[tilespmem:s22], [sflag:$0x1] =	stream.indirect_vreg.gather [hbm4b:s7+s2], $0x80, v36, vm0, $0xb8;
	[tilespmem:$0x18900] =	vst v63  }
0x1e5: {  	v18 =	vperm.xlane v18, v17;
	v41 =	vadd.s32 v4, v40;
	s23 =	sadd.s32 $0x600, s17  }
0x1e6: {  	[tilespmem:s23], [sflag:$0x1] =	stream.indirect_vreg.gather [hbm4b:s7+s2], $0x80, v19, vm0, $0xb8;
	[tilespmem:$0x18900] =	vst v63  }
0x1e7: {  	v18 =	vadd.s32 v4, v18;
	s24 =	sadd.s32 $0x680, s17  }
0x1e8: {  	[tilespmem:s24], [sflag:$0x1] =	stream.indirect_vreg.gather [hbm4b:s7+s2], $0x80, v39, vm0, $0xb8;
	[tilespmem:$0x18900] =	vst v63  }
0x1e9: {  	s26 =	sadd.s32 $0x700, s17  }
0x1ea: {  	[tilespmem:s26], [sflag:$0x1] =	stream.indirect_vreg.gather [hbm4b:s7+s2], $0x80, v41, vm0, $0xb8;
	[tilespmem:$0x18900] =	vst v63  }
0x1eb: {  	s29 =	sadd.s32 $0x780, s17  }
0x1ec: {  	[tilespmem:s29], [sflag:$0x1] =	stream.indirect_vreg.gather [hbm4b:s7+s2], $0x80, v18, vm0, $0xb8;
	[tilespmem:$0x18900] =	vst v63  }
0x1ed: {  	v18 =	vld [tilespmem:s5+$0x0];
	_ =	sdelay $0x4  }
0x1ee: {  	v19 =	vshll.u32 v18, $0x3  }
0x1ef: {  	v18 =	vand.u32 $0x7, v18;
	v19 =	vand.u32 $0xFFFFFFC0, v19  }
0x1f0: {  	v18 =	vor.u32 v18, v19  }
0x1f1: {  	v19 =	vperm.xlane v18, v0;
	_ =	sdelay $0x1  }
0x1f2: {  	v42 =	vperm.xlane v18, v5;
	v19 =	vadd.s32 v4, v19;
	_ =	sdelay $0x1  }
0x1f3: {  	v43 =	vperm.xlane v18, v6;
	v20 =	vadd.s32 v4, v42;
	_ =	sdelay $0x1  }
0x1f4: {  	s31 =	sadd.s32 $0x800, s17;
	v44 =	vperm.xlane v18, v3;
	v21 =	vadd.s32 v4, v43  }
0x1f5: {  	[tilespmem:s31], [sflag:$0x1] =	stream.indirect_vreg.gather [hbm4b:s7+s2], $0x80, v19, vm0, $0xb8;
	[tilespmem:$0x18900] =	vst v63  }
0x1f6: {  	s21 =	sadd.s32 $0x880, s17;
	v45 =	vperm.xlane v18, v7;
	v19 =	vadd.s32 v4, v44  }
0x1f7: {  	[tilespmem:s21], [sflag:$0x1] =	stream.indirect_vreg.gather [hbm4b:s7+s2], $0x80, v20, vm0, $0xb8;
	[tilespmem:$0x18900] =	vst v63  }
0x1f8: {  	s22 =	sadd.s32 $0x900, s17;
	v47 =	vperm.xlane v18, v8;
	v46 =	vadd.s32 v4, v45  }
0x1f9: {  	[tilespmem:s22], [sflag:$0x1] =	stream.indirect_vreg.gather [hbm4b:s7+s2], $0x80, v21, vm0, $0xb8;
	[tilespmem:$0x18900] =	vst v63  }
0x1fa: {  	s23 =	sadd.s32 $0x980, s17;
	v49 =	vperm.xlane v18, v9;
	v48 =	vadd.s32 v4, v47  }
0x1fb: {  	[tilespmem:s23], [sflag:$0x1] =	stream.indirect_vreg.gather [hbm4b:s7+s2], $0x80, v19, vm0, $0xb8;
	[tilespmem:$0x18900] =	vst v63  }
0x1fc: {  	s24 =	sadd.s32 $0xA00, s17;
	v50 =	vperm.xlane v18, v2;
	v19 =	vadd.s32 v4, v49  }
0x1fd: {  	[tilespmem:s24], [sflag:$0x1] =	stream.indirect_vreg.gather [hbm4b:s7+s2], $0x80, v46, vm0, $0xb8;
	[tilespmem:$0x18900] =	vst v63  }
0x1fe: {  	s26 =	sadd.s32 $0xA80, s17;
	v52 =	vperm.xlane v18, v10;
	v51 =	vadd.s32 v4, v50  }
0x1ff: {  	[tilespmem:s26], [sflag:$0x1] =	stream.indirect_vreg.gather [hbm4b:s7+s2], $0x80, v48, vm0, $0xb8;
	[tilespmem:$0x18900] =	vst v63  }
0x200: {  	s29 =	sadd.s32 $0xB00, s17;
	v54 =	vperm.xlane v18, v11;
	v53 =	vadd.s32 v4, v52  }
0x201: {  	[tilespmem:s29], [sflag:$0x1] =	stream.indirect_vreg.gather [hbm4b:s7+s2], $0x80, v19, vm0, $0xb8;
	[tilespmem:$0x18900] =	vst v63  }
0x202: {  	v55 =	vperm.xlane v18, v12;
	s31 =	sadd.s32 $0xB80, s17;
	v19 =	vadd.s32 v4, v54  }
0x203: {  	[tilespmem:s31], [sflag:$0x1] =	stream.indirect_vreg.gather [hbm4b:s7+s2], $0x80, v51, vm0, $0xb8;
	[tilespmem:$0x18900] =	vst v63  }
0x204: {  	v57 =	vperm.xlane v18, v13;
	v56 =	vadd.s32 v4, v55;
	s21 =	sadd.s32 $0xC00, s17  }
0x205: {  	[tilespmem:s21], [sflag:$0x1] =	stream.indirect_vreg.gather [hbm4b:s7+s2], $0x80, v53, vm0, $0xb8;
	[tilespmem:$0x18900] =	vst v63  }
0x206: {  	v59 =	vperm.xlane v18, v14;
	v58 =	vadd.s32 v4, v57;
	s22 =	sadd.s32 $0xC80, s17  }
0x207: {  	[tilespmem:s22], [sflag:$0x1] =	stream.indirect_vreg.gather [hbm4b:s7+s2], $0x80, v19, vm0, $0xb8;
	[tilespmem:$0x18900] =	vst v63  }
0x208: {  	v60 =	vperm.xlane v18, v15;
	s23 =	sadd.s32 $0xD00, s17;
	v19 =	vadd.s32 v4, v59  }
0x209: {  	[tilespmem:s23], [sflag:$0x1] =	stream.indirect_vreg.gather [hbm4b:s7+s2], $0x80, v56, vm0, $0xb8;
	[tilespmem:$0x18900] =	vst v63  }
0x20a: {  	v61 =	vadd.s32 v4, v60;
	s24 =	sadd.s32 $0xD80, s17  }
0x20b: {  	v62 =	vperm.xlane v18, v16;
	[tilespmem:s24], [sflag:$0x1] =	stream.indirect_vreg.gather [hbm4b:s7+s2], $0x80, v58, vm0, $0xb8;
	[tilespmem:$0x18900] =	vst v63  }
0x20c: {  	s26 =	sadd.s32 $0xE00, s17  }
0x20d: {  	v18 =	vperm.xlane v18, v17;
	v63 =	vadd.s32 v4, v62;
	[tilespmem:s26], [sflag:$0x1] =	stream.indirect_vreg.gather [hbm4b:s7+s2], $0x80, v19, vm0, $0xb8;
	[tilespmem:$0x18900] =	vst v63  }
0x20e: {  	s29 =	sadd.s32 $0xE80, s17  }
0x20f: {  	v18 =	vadd.s32 v4, v18;
	[tilespmem:s29], [sflag:$0x1] =	stream.indirect_vreg.gather [hbm4b:s7+s2], $0x80, v61, vm0, $0xb8;
	[tilespmem:$0x18900] =	vst v63  }
.Ltmp13:
0x210: {  	_ = 	snop;
	(pc) =	sbr.rel .LBB2_16-.Ltmp13, $4  }
0x211: {  	s31 =	sadd.s32 $0xF00, s17  }
0x212: {  	[tilespmem:s31], [sflag:$0x1] =	stream.indirect_vreg.gather [hbm4b:s7+s2], $0x80, v63, vm0, $0xb8;
	[tilespmem:$0x18900] =	vst v63  }
0x213: {  	s17 =	sadd.s32 $0xF80, s17  }
0x214: {  	[tilespmem:s17], [sflag:$0x1] =	stream.indirect_vreg.gather [hbm4b:s7+s2], $0x80, v18, vm0, $0xb8;
	[tilespmem:$0x18900] =	vst v63  }
.LBB2_17:
0x215: {  	s1 =	rddreg [dreg:$0xf]  }
0x216: {  	s5 =	sadd.s32 s19, s0;
	s1 =	sshll.u32 s1, $0x9  }
.Ltmp14:
0x217: {  	s15 =	sand.u32 $0xFFFFC000, s1;
	s1 =	sadd.s32 s30, s5;
	(pc) =	sbr.rel .LBB2_18-.Ltmp14, $4  }
0x218: {  	s22 =	simm.s32 $0x0;
	s29 =	sadd.s32 s14, s15;
	s13 =	sshll.u32 s1, $0x9  }
0x219: {  	s20 =	sshll.u32 s1, $0x2;
	s5 =	sadd.s32 s3, s29;
	s13 =	sshra.s32 s13, $0x2  }
0x21a: {  	s31 =	sshra.s32 s20, $0x2;
	s20 =	simm.s32 $0x0;
	s5 =	sshra.s32 s5, $0x2  }
0x21b: {  	s13 =	sadd.s32 $0x700, s13;
	s17 =	sor.u32 $0x700, s5;
	s5 =	sadd.s32 $0x210, s31  }
.LBB2_20:
0x21c: {  	s22 =	sadd.s32 $0x4000, s22  }
0x21d: {  	p0 =	sne.s32 s22, $0x40000  }
.Ltmp15:
0x21e: {  	_ = 	snop;
	(pc) =	sbr.rel @!p0 .LBB2_21-.Ltmp15, $2  }
0x21f: {  	_ =	sdelay $0x2  }
0x220: {  	s20 =	sadd.s32 $0x20, s20;
	s5 =	sadd.s32 $0x20, s5  }
.LBB2_18:
0x221: {  	p0 =	sge.s32 s20, s28  }
.Ltmp16:
0x222: {  	_ = 	snop;
	(pc) =	sbr.rel @p0 .LBB2_20-.Ltmp16, $1  }
0x223: {  	_ =	sdelay $0x3  }
0x224: {  	(ifvalue) =	ssetifvalue $0xFFFFFFFF;
	v18 =	vld [tilespmem:s5+$0xFFFFFFF0];
	_ =	sdelay $0x4  }
0x225: {  	v19 =	vshll.u32 v18, $0x3  }
0x226: {  	v18 =	vand.u32 $0x7, v18;
	v19 =	vand.u32 $0xFFFFFFC0, v19  }
0x227: {  	v18 =	vor.u32 v18, v19  }
0x228: {  	v19 =	vperm.xlane v18, v0;
	_ =	sdelay $0x1  }
0x229: {  	v19 =	vadd.s32 v4, v19  }
0x22a: {  	v20 =	vperm.xlane v18, v5;
	_ =	sdelay $0x1  }
0x22b: {  	s21 =	sshra.s32 s22, $0x2;
	v21 =	vperm.xlane v18, v6;
	v20 =	vadd.s32 v4, v20  }
0x22c: {  	s23 =	sadd.s32 s21, s17  }
0x22d: {  	v24 =	vperm.xlane v18, v3;
	[tilespmem:s23], [sflag:$0x1] =	stream.indirect_vreg.gather [hbm4b:s8+s2], $0x80, v19, vm0, $0xb8;
	v19 =	vadd.s32 v4, v21;
	[tilespmem:$0x18900] =	vst v63  }
0x22e: {  	s21 =	sadd.s32 s21, s13  }
0x22f: {  	s29 =	sadd.s32 $0x80, s21;
	v22 =	vperm.xlane v18, v7;
	v21 =	vadd.s32 v4, v24  }
0x230: {  	[tilespmem:s29], [sflag:$0x1] =	stream.indirect_vreg.gather [hbm4b:s8+s2], $0x80, v20, vm0, $0xb8;
	[tilespmem:$0x18900] =	vst v63  }
0x231: {  	s31 =	sadd.s32 $0x100, s21;
	v26 =	vperm.xlane v18, v8;
	v25 =	vadd.s32 v4, v22  }
0x232: {  	[tilespmem:s31], [sflag:$0x1] =	stream.indirect_vreg.gather [hbm4b:s8+s2], $0x80, v19, vm0, $0xb8;
	[tilespmem:$0x18900] =	vst v63  }
0x233: {  	s24 =	sadd.s32 $0x180, s21;
	v27 =	vperm.xlane v18, v9;
	v19 =	vadd.s32 v4, v26  }
0x234: {  	[tilespmem:s24], [sflag:$0x1] =	stream.indirect_vreg.gather [hbm4b:s8+s2], $0x80, v21, vm0, $0xb8;
	[tilespmem:$0x18900] =	vst v63  }
0x235: {  	s26 =	sadd.s32 $0x200, s21;
	v29 =	vperm.xlane v18, v2;
	v28 =	vadd.s32 v4, v27  }
0x236: {  	[tilespmem:s26], [sflag:$0x1] =	stream.indirect_vreg.gather [hbm4b:s8+s2], $0x80, v25, vm0, $0xb8;
	[tilespmem:$0x18900] =	vst v63  }
0x237: {  	v31 =	vperm.xlane v18, v10;
	v30 =	vadd.s32 v4, v29;
	s29 =	sadd.s32 $0x280, s21  }
0x238: {  	[tilespmem:s29], [sflag:$0x1] =	stream.indirect_vreg.gather [hbm4b:s8+s2], $0x80, v19, vm0, $0xb8;
	[tilespmem:$0x18900] =	vst v63  }
0x239: {  	v32 =	vperm.xlane v18, v11;
	s31 =	sadd.s32 $0x300, s21;
	v19 =	vadd.s32 v4, v31  }
0x23a: {  	[tilespmem:s31], [sflag:$0x1] =	stream.indirect_vreg.gather [hbm4b:s8+s2], $0x80, v28, vm0, $0xb8;
	[tilespmem:$0x18900] =	vst v63  }
0x23b: {  	v34 =	vperm.xlane v18, v12;
	v33 =	vadd.s32 v4, v32;
	s24 =	sadd.s32 $0x380, s21  }
0x23c: {  	[tilespmem:s24], [sflag:$0x1] =	stream.indirect_vreg.gather [hbm4b:s8+s2], $0x80, v30, vm0, $0xb8;
	[tilespmem:$0x18900] =	vst v63  }
0x23d: {  	v36 =	vperm.xlane v18, v13;
	v35 =	vadd.s32 v4, v34;
	s26 =	sadd.s32 $0x400, s21  }
0x23e: {  	[tilespmem:s26], [sflag:$0x1] =	stream.indirect_vreg.gather [hbm4b:s8+s2], $0x80, v19, vm0, $0xb8;
	[tilespmem:$0x18900] =	vst v63  }
0x23f: {  	v37 =	vperm.xlane v18, v14;
	s29 =	sadd.s32 $0x480, s21;
	v19 =	vadd.s32 v4, v36  }
0x240: {  	[tilespmem:s29], [sflag:$0x1] =	stream.indirect_vreg.gather [hbm4b:s8+s2], $0x80, v33, vm0, $0xb8;
	[tilespmem:$0x18900] =	vst v63  }
0x241: {  	v39 =	vperm.xlane v18, v15;
	v38 =	vadd.s32 v4, v37;
	s31 =	sadd.s32 $0x500, s21  }
0x242: {  	[tilespmem:s31], [sflag:$0x1] =	stream.indirect_vreg.gather [hbm4b:s8+s2], $0x80, v35, vm0, $0xb8;
	[tilespmem:$0x18900] =	vst v63  }
0x243: {  	v41 =	vperm.xlane v18, v16;
	v40 =	vadd.s32 v4, v39;
	s24 =	sadd.s32 $0x580, s21  }
0x244: {  	[tilespmem:s24], [sflag:$0x1] =	stream.indirect_vreg.gather [hbm4b:s8+s2], $0x80, v19, vm0, $0xb8;
	[tilespmem:$0x18900] =	vst v63  }
0x245: {  	v18 =	vperm.xlane v18, v17;
	s26 =	sadd.s32 $0x600, s21;
	v19 =	vadd.s32 v4, v41  }
0x246: {  	[tilespmem:s26], [sflag:$0x1] =	stream.indirect_vreg.gather [hbm4b:s8+s2], $0x80, v38, vm0, $0xb8;
	[tilespmem:$0x18900] =	vst v63  }
0x247: {  	v18 =	vadd.s32 v4, v18;
	s29 =	sadd.s32 $0x680, s21  }
0x248: {  	[tilespmem:s29], [sflag:$0x1] =	stream.indirect_vreg.gather [hbm4b:s8+s2], $0x80, v40, vm0, $0xb8;
	[tilespmem:$0x18900] =	vst v63  }
0x249: {  	s31 =	sadd.s32 $0x700, s21  }
0x24a: {  	[tilespmem:s31], [sflag:$0x1] =	stream.indirect_vreg.gather [hbm4b:s8+s2], $0x80, v19, vm0, $0xb8;
	[tilespmem:$0x18900] =	vst v63  }
0x24b: {  	s24 =	sadd.s32 $0x780, s21  }
0x24c: {  	[tilespmem:s24], [sflag:$0x1] =	stream.indirect_vreg.gather [hbm4b:s8+s2], $0x80, v18, vm0, $0xb8;
	[tilespmem:$0x18900] =	vst v63  }
0x24d: {  	v18 =	vld [tilespmem:s5+$0x0];
	_ =	sdelay $0x4  }
0x24e: {  	v19 =	vshll.u32 v18, $0x3  }
0x24f: {  	v18 =	vand.u32 $0x7, v18;
	v19 =	vand.u32 $0xFFFFFFC0, v19  }
0x250: {  	v18 =	vor.u32 v18, v19  }
0x251: {  	v19 =	vperm.xlane v18, v0;
	_ =	sdelay $0x1  }
0x252: {  	v42 =	vperm.xlane v18, v5;
	v19 =	vadd.s32 v4, v19;
	_ =	sdelay $0x1  }
0x253: {  	v43 =	vperm.xlane v18, v6;
	v20 =	vadd.s32 v4, v42;
	_ =	sdelay $0x1  }
0x254: {  	s26 =	sadd.s32 $0x800, s21;
	v44 =	vperm.xlane v18, v3;
	v21 =	vadd.s32 v4, v43  }
0x255: {  	[tilespmem:s26], [sflag:$0x1] =	stream.indirect_vreg.gather [hbm4b:s8+s2], $0x80, v19, vm0, $0xb8;
	[tilespmem:$0x18900] =	vst v63  }
0x256: {  	s29 =	sadd.s32 $0x880, s21;
	v45 =	vperm.xlane v18, v7;
	v19 =	vadd.s32 v4, v44  }
0x257: {  	[tilespmem:s29], [sflag:$0x1] =	stream.indirect_vreg.gather [hbm4b:s8+s2], $0x80, v20, vm0, $0xb8;
	[tilespmem:$0x18900] =	vst v63  }
0x258: {  	s31 =	sadd.s32 $0x900, s21;
	v47 =	vperm.xlane v18, v8;
	v46 =	vadd.s32 v4, v45  }
0x259: {  	[tilespmem:s31], [sflag:$0x1] =	stream.indirect_vreg.gather [hbm4b:s8+s2], $0x80, v21, vm0, $0xb8;
	[tilespmem:$0x18900] =	vst v63  }
0x25a: {  	s24 =	sadd.s32 $0x980, s21;
	v49 =	vperm.xlane v18, v9;
	v48 =	vadd.s32 v4, v47  }
0x25b: {  	[tilespmem:s24], [sflag:$0x1] =	stream.indirect_vreg.gather [hbm4b:s8+s2], $0x80, v19, vm0, $0xb8;
	[tilespmem:$0x18900] =	vst v63  }
0x25c: {  	v50 =	vperm.xlane v18, v2;
	s26 =	sadd.s32 $0xA00, s21;
	v19 =	vadd.s32 v4, v49  }
0x25d: {  	[tilespmem:s26], [sflag:$0x1] =	stream.indirect_vreg.gather [hbm4b:s8+s2], $0x80, v46, vm0, $0xb8;
	[tilespmem:$0x18900] =	vst v63  }
0x25e: {  	v52 =	vperm.xlane v18, v10;
	v51 =	vadd.s32 v4, v50;
	s29 =	sadd.s32 $0xA80, s21  }
0x25f: {  	[tilespmem:s29], [sflag:$0x1] =	stream.indirect_vreg.gather [hbm4b:s8+s2], $0x80, v48, vm0, $0xb8;
	[tilespmem:$0x18900] =	vst v63  }
0x260: {  	v54 =	vperm.xlane v18, v11;
	v53 =	vadd.s32 v4, v52;
	s31 =	sadd.s32 $0xB00, s21  }
0x261: {  	[tilespmem:s31], [sflag:$0x1] =	stream.indirect_vreg.gather [hbm4b:s8+s2], $0x80, v19, vm0, $0xb8;
	[tilespmem:$0x18900] =	vst v63  }
0x262: {  	v55 =	vperm.xlane v18, v12;
	s24 =	sadd.s32 $0xB80, s21;
	v19 =	vadd.s32 v4, v54  }
0x263: {  	[tilespmem:s24], [sflag:$0x1] =	stream.indirect_vreg.gather [hbm4b:s8+s2], $0x80, v51, vm0, $0xb8;
	[tilespmem:$0x18900] =	vst v63  }
0x264: {  	v57 =	vperm.xlane v18, v13;
	v56 =	vadd.s32 v4, v55;
	s26 =	sadd.s32 $0xC00, s21  }
0x265: {  	[tilespmem:s26], [sflag:$0x1] =	stream.indirect_vreg.gather [hbm4b:s8+s2], $0x80, v53, vm0, $0xb8;
	[tilespmem:$0x18900] =	vst v63  }
0x266: {  	v59 =	vperm.xlane v18, v14;
	v58 =	vadd.s32 v4, v57;
	s29 =	sadd.s32 $0xC80, s21  }
0x267: {  	[tilespmem:s29], [sflag:$0x1] =	stream.indirect_vreg.gather [hbm4b:s8+s2], $0x80, v19, vm0, $0xb8;
	[tilespmem:$0x18900] =	vst v63  }
0x268: {  	v60 =	vperm.xlane v18, v15;
	s31 =	sadd.s32 $0xD00, s21;
	v19 =	vadd.s32 v4, v59  }
0x269: {  	[tilespmem:s31], [sflag:$0x1] =	stream.indirect_vreg.gather [hbm4b:s8+s2], $0x80, v56, vm0, $0xb8;
	[tilespmem:$0x18900] =	vst v63  }
0x26a: {  	v61 =	vadd.s32 v4, v60;
	s24 =	sadd.s32 $0xD80, s21  }
0x26b: {  	v62 =	vperm.xlane v18, v16;
	[tilespmem:s24], [sflag:$0x1] =	stream.indirect_vreg.gather [hbm4b:s8+s2], $0x80, v58, vm0, $0xb8;
	[tilespmem:$0x18900] =	vst v63  }
0x26c: {  	s26 =	sadd.s32 $0xE00, s21  }
0x26d: {  	v18 =	vperm.xlane v18, v17;
	v63 =	vadd.s32 v4, v62;
	[tilespmem:s26], [sflag:$0x1] =	stream.indirect_vreg.gather [hbm4b:s8+s2], $0x80, v19, vm0, $0xb8;
	[tilespmem:$0x18900] =	vst v63  }
0x26e: {  	s29 =	sadd.s32 $0xE80, s21  }
0x26f: {  	v18 =	vadd.s32 v4, v18;
	[tilespmem:s29], [sflag:$0x1] =	stream.indirect_vreg.gather [hbm4b:s8+s2], $0x80, v61, vm0, $0xb8;
	[tilespmem:$0x18900] =	vst v63  }
.Ltmp17:
0x270: {  	_ = 	snop;
	(pc) =	sbr.rel .LBB2_20-.Ltmp17, $4  }
0x271: {  	s31 =	sadd.s32 $0xF00, s21  }
0x272: {  	[tilespmem:s31], [sflag:$0x1] =	stream.indirect_vreg.gather [hbm4b:s8+s2], $0x80, v63, vm0, $0xb8;
	[tilespmem:$0x18900] =	vst v63  }
0x273: {  	s21 =	sadd.s32 $0xF80, s21  }
0x274: {  	[tilespmem:s21], [sflag:$0x1] =	stream.indirect_vreg.gather [hbm4b:s8+s2], $0x80, v18, vm0, $0xb8;
	[tilespmem:$0x18900] =	vst v63  }
.LBB2_21:
0x275: {  	s5 =	rddreg [dreg:$0xe]  }
0x276: {  	s1 =	sadd.s32 s28, s1;
	s26 =	simm.s32 $0x0;
	s5 =	sshll.u32 s5, $0x9  }
0x277: {  	s20 =	sshll.u32 s1, $0x9;
	s21 =	sshll.u32 s1, $0x2;
	s13 =	sand.u32 $0xFFFFC000, s5  }
.Ltmp18:
0x278: {  	s20 =	sshra.s32 s20, $0x2;
	s5 =	sadd.s32 s15, s13;
	(pc) =	sbr.rel .LBB2_22-.Ltmp18, $4  }
0x279: {  	s31 =	sshra.s32 s21, $0x2;
	s17 =	sadd.s32 s3, s5;
	s5 =	sadd.s32 s14, s5  }
0x27a: {  	s20 =	sadd.s32 $0x700, s20;
	s17 =	sadd.s32 s14, s17;
	s5 =	sadd.s32 s3, s5  }
0x27b: {  	s24 =	sadd.s32 $0x210, s31;
	s17 =	sshra.s32 s17, $0x2;
	s5 =	sshra.s32 s5, $0x2  }
0x27c: {  	s17 =	sor.u32 $0x700, s17;
	s22 =	sor.u32 $0x700, s5;
	s5 =	simm.s32 $0x0  }
.LBB2_24:
0x27d: {  	s26 =	sadd.s32 $0x4000, s26  }
0x27e: {  	p0 =	sne.s32 s26, $0x40000  }
.Ltmp19:
0x27f: {  	_ = 	snop;
	(pc) =	sbr.rel @!p0 .LBB2_25-.Ltmp19, $2  }
0x280: {  	_ =	sdelay $0x2  }
0x281: {  	s5 =	sadd.s32 $0x20, s5;
	s24 =	sadd.s32 $0x20, s24  }
.LBB2_22:
0x282: {  	p0 =	sge.s32 s5, s25  }
.Ltmp20:
0x283: {  	_ = 	snop;
	(pc) =	sbr.rel @p0 .LBB2_24-.Ltmp20, $1  }
0x284: {  	_ =	sdelay $0x3  }
0x285: {  	(ifvalue) =	ssetifvalue $0xFFFFFFFF;
	v18 =	vld [tilespmem:s24+$0xFFFFFFF0];
	_ =	sdelay $0x4  }
0x286: {  	v19 =	vshll.u32 v18, $0x3  }
0x287: {  	v18 =	vand.u32 $0x7, v18;
	v19 =	vand.u32 $0xFFFFFFC0, v19  }
0x288: {  	v18 =	vor.u32 v18, v19  }
0x289: {  	v19 =	vperm.xlane v18, v0;
	_ =	sdelay $0x1  }
0x28a: {  	v19 =	vadd.s32 v4, v19  }
0x28b: {  	v20 =	vperm.xlane v18, v5;
	_ =	sdelay $0x1  }
0x28c: {  	s21 =	sshra.s32 s26, $0x2;
	v21 =	vperm.xlane v18, v6;
	v20 =	vadd.s32 v4, v20  }
0x28d: {  	s31 =	sadd.s32 s21, s22  }
0x28e: {  	v24 =	vperm.xlane v18, v3;
	[tilespmem:s31], [sflag:$0x1] =	stream.indirect_vreg.gather [hbm4b:s9+s2], $0x80, v19, vm0, $0xb8;
	v19 =	vadd.s32 v4, v21;
	[tilespmem:$0x18900] =	vst v63  }
0x28f: {  	s29 =	sadd.s32 s21, s20  }
0x290: {  	s23 =	sadd.s32 $0x80, s29;
	v22 =	vperm.xlane v18, v7;
	v21 =	vadd.s32 v4, v24  }
0x291: {  	[tilespmem:s23], [sflag:$0x1] =	stream.indirect_vreg.gather [hbm4b:s9+s2], $0x80, v20, vm0, $0xb8;
	[tilespmem:$0x18900] =	vst v63  }
0x292: {  	v26 =	vperm.xlane v18, v8;
	v25 =	vadd.s32 v4, v22;
	s23 =	sadd.s32 $0x100, s29  }
0x293: {  	[tilespmem:s23], [sflag:$0x1] =	stream.indirect_vreg.gather [hbm4b:s9+s2], $0x80, v19, vm0, $0xb8;
	[tilespmem:$0x18900] =	vst v63  }
0x294: {  	v27 =	vperm.xlane v18, v9;
	s23 =	sadd.s32 $0x180, s29;
	v19 =	vadd.s32 v4, v26  }
0x295: {  	[tilespmem:s23], [sflag:$0x1] =	stream.indirect_vreg.gather [hbm4b:s9+s2], $0x80, v21, vm0, $0xb8;
	[tilespmem:$0x18900] =	vst v63  }
0x296: {  	v29 =	vperm.xlane v18, v2;
	v28 =	vadd.s32 v4, v27;
	s23 =	sadd.s32 $0x200, s29  }
0x297: {  	[tilespmem:s23], [sflag:$0x1] =	stream.indirect_vreg.gather [hbm4b:s9+s2], $0x80, v25, vm0, $0xb8;
	[tilespmem:$0x18900] =	vst v63  }
0x298: {  	v31 =	vperm.xlane v18, v10;
	v30 =	vadd.s32 v4, v29;
	s23 =	sadd.s32 $0x280, s29  }
0x299: {  	[tilespmem:s23], [sflag:$0x1] =	stream.indirect_vreg.gather [hbm4b:s9+s2], $0x80, v19, vm0, $0xb8;
	[tilespmem:$0x18900] =	vst v63  }
0x29a: {  	v32 =	vperm.xlane v18, v11;
	s23 =	sadd.s32 $0x300, s29;
	v19 =	vadd.s32 v4, v31  }
0x29b: {  	[tilespmem:s23], [sflag:$0x1] =	stream.indirect_vreg.gather [hbm4b:s9+s2], $0x80, v28, vm0, $0xb8;
	[tilespmem:$0x18900] =	vst v63  }
0x29c: {  	v34 =	vperm.xlane v18, v12;
	v33 =	vadd.s32 v4, v32;
	s23 =	sadd.s32 $0x380, s29  }
0x29d: {  	[tilespmem:s23], [sflag:$0x1] =	stream.indirect_vreg.gather [hbm4b:s9+s2], $0x80, v30, vm0, $0xb8;
	[tilespmem:$0x18900] =	vst v63  }
0x29e: {  	v36 =	vperm.xlane v18, v13;
	v35 =	vadd.s32 v4, v34;
	s23 =	sadd.s32 $0x400, s29  }
0x29f: {  	[tilespmem:s23], [sflag:$0x1] =	stream.indirect_vreg.gather [hbm4b:s9+s2], $0x80, v19, vm0, $0xb8;
	[tilespmem:$0x18900] =	vst v63  }
0x2a0: {  	v37 =	vperm.xlane v18, v14;
	s23 =	sadd.s32 $0x480, s29;
	v19 =	vadd.s32 v4, v36  }
0x2a1: {  	[tilespmem:s23], [sflag:$0x1] =	stream.indirect_vreg.gather [hbm4b:s9+s2], $0x80, v33, vm0, $0xb8;
	[tilespmem:$0x18900] =	vst v63  }
0x2a2: {  	v39 =	vperm.xlane v18, v15;
	v38 =	vadd.s32 v4, v37;
	s23 =	sadd.s32 $0x500, s29  }
0x2a3: {  	[tilespmem:s23], [sflag:$0x1] =	stream.indirect_vreg.gather [hbm4b:s9+s2], $0x80, v35, vm0, $0xb8;
	[tilespmem:$0x18900] =	vst v63  }
0x2a4: {  	v41 =	vperm.xlane v18, v16;
	v40 =	vadd.s32 v4, v39;
	s23 =	sadd.s32 $0x580, s29  }
0x2a5: {  	[tilespmem:s23], [sflag:$0x1] =	stream.indirect_vreg.gather [hbm4b:s9+s2], $0x80, v19, vm0, $0xb8;
	[tilespmem:$0x18900] =	vst v63  }
0x2a6: {  	v18 =	vperm.xlane v18, v17;
	s23 =	sadd.s32 $0x600, s29;
	v19 =	vadd.s32 v4, v41  }
0x2a7: {  	[tilespmem:s23], [sflag:$0x1] =	stream.indirect_vreg.gather [hbm4b:s9+s2], $0x80, v38, vm0, $0xb8;
	[tilespmem:$0x18900] =	vst v63  }
0x2a8: {  	v18 =	vadd.s32 v4, v18;
	s23 =	sadd.s32 $0x680, s29  }
0x2a9: {  	[tilespmem:s23], [sflag:$0x1] =	stream.indirect_vreg.gather [hbm4b:s9+s2], $0x80, v40, vm0, $0xb8;
	[tilespmem:$0x18900] =	vst v63  }
0x2aa: {  	s23 =	sadd.s32 $0x700, s29  }
0x2ab: {  	[tilespmem:s23], [sflag:$0x1] =	stream.indirect_vreg.gather [hbm4b:s9+s2], $0x80, v19, vm0, $0xb8;
	[tilespmem:$0x18900] =	vst v63  }
0x2ac: {  	s23 =	sadd.s32 $0x780, s29  }
0x2ad: {  	[tilespmem:s23], [sflag:$0x1] =	stream.indirect_vreg.gather [hbm4b:s9+s2], $0x80, v18, vm0, $0xb8;
	[tilespmem:$0x18900] =	vst v63  }
0x2ae: {  	v18 =	vld [tilespmem:s24+$0x0];
	_ =	sdelay $0x4  }
0x2af: {  	v19 =	vshll.u32 v18, $0x3  }
0x2b0: {  	v18 =	vand.u32 $0x7, v18;
	v19 =	vand.u32 $0xFFFFFFC0, v19  }
0x2b1: {  	v18 =	vor.u32 v18, v19  }
0x2b2: {  	v19 =	vperm.xlane v18, v0;
	_ =	sdelay $0x1  }
0x2b3: {  	v42 =	vperm.xlane v18, v5;
	v19 =	vadd.s32 v4, v19;
	_ =	sdelay $0x1  }
0x2b4: {  	v43 =	vperm.xlane v18, v6;
	v20 =	vadd.s32 v4, v42;
	_ =	sdelay $0x1  }
0x2b5: {  	s31 =	sadd.s32 $0x800, s31;
	v44 =	vperm.xlane v18, v3;
	v21 =	vadd.s32 v4, v43  }
0x2b6: {  	[tilespmem:s31], [sflag:$0x1] =	stream.indirect_vreg.gather [hbm4b:s9+s2], $0x80, v19, vm0, $0xb8;
	[tilespmem:$0x18900] =	vst v63  }
0x2b7: {  	v45 =	vperm.xlane v18, v7;
	s31 =	sadd.s32 $0x880, s29;
	v19 =	vadd.s32 v4, v44  }
0x2b8: {  	[tilespmem:s31], [sflag:$0x1] =	stream.indirect_vreg.gather [hbm4b:s9+s2], $0x80, v20, vm0, $0xb8;
	[tilespmem:$0x18900] =	vst v63  }
0x2b9: {  	v47 =	vperm.xlane v18, v8;
	v46 =	vadd.s32 v4, v45;
	s31 =	sadd.s32 $0x900, s29  }
0x2ba: {  	[tilespmem:s31], [sflag:$0x1] =	stream.indirect_vreg.gather [hbm4b:s9+s2], $0x80, v21, vm0, $0xb8;
	[tilespmem:$0x18900] =	vst v63  }
0x2bb: {  	v49 =	vperm.xlane v18, v9;
	v48 =	vadd.s32 v4, v47;
	s31 =	sadd.s32 $0x980, s29  }
0x2bc: {  	[tilespmem:s31], [sflag:$0x1] =	stream.indirect_vreg.gather [hbm4b:s9+s2], $0x80, v19, vm0, $0xb8;
	[tilespmem:$0x18900] =	vst v63  }
0x2bd: {  	v50 =	vperm.xlane v18, v2;
	s31 =	sadd.s32 $0xA00, s29;
	v19 =	vadd.s32 v4, v49  }
0x2be: {  	[tilespmem:s31], [sflag:$0x1] =	stream.indirect_vreg.gather [hbm4b:s9+s2], $0x80, v46, vm0, $0xb8;
	[tilespmem:$0x18900] =	vst v63  }
0x2bf: {  	v52 =	vperm.xlane v18, v10;
	v51 =	vadd.s32 v4, v50;
	s31 =	sadd.s32 $0xA80, s29  }
0x2c0: {  	[tilespmem:s31], [sflag:$0x1] =	stream.indirect_vreg.gather [hbm4b:s9+s2], $0x80, v48, vm0, $0xb8;
	[tilespmem:$0x18900] =	vst v63  }
0x2c1: {  	v54 =	vperm.xlane v18, v11;
	v53 =	vadd.s32 v4, v52;
	s31 =	sadd.s32 $0xB00, s29  }
0x2c2: {  	[tilespmem:s31], [sflag:$0x1] =	stream.indirect_vreg.gather [hbm4b:s9+s2], $0x80, v19, vm0, $0xb8;
	[tilespmem:$0x18900] =	vst v63  }
0x2c3: {  	v55 =	vperm.xlane v18, v12;
	s31 =	sadd.s32 $0xB80, s29;
	v19 =	vadd.s32 v4, v54  }
0x2c4: {  	[tilespmem:s31], [sflag:$0x1] =	stream.indirect_vreg.gather [hbm4b:s9+s2], $0x80, v51, vm0, $0xb8;
	[tilespmem:$0x18900] =	vst v63  }
0x2c5: {  	v57 =	vperm.xlane v18, v13;
	v56 =	vadd.s32 v4, v55;
	s31 =	sadd.s32 $0xC00, s29  }
0x2c6: {  	[tilespmem:s31], [sflag:$0x1] =	stream.indirect_vreg.gather [hbm4b:s9+s2], $0x80, v53, vm0, $0xb8;
	[tilespmem:$0x18900] =	vst v63  }
0x2c7: {  	v59 =	vperm.xlane v18, v14;
	v58 =	vadd.s32 v4, v57;
	s31 =	sadd.s32 $0xC80, s29  }
0x2c8: {  	[tilespmem:s31], [sflag:$0x1] =	stream.indirect_vreg.gather [hbm4b:s9+s2], $0x80, v19, vm0, $0xb8;
	[tilespmem:$0x18900] =	vst v63  }
0x2c9: {  	v60 =	vperm.xlane v18, v15;
	s31 =	sadd.s32 $0xD00, s29;
	v19 =	vadd.s32 v4, v59  }
0x2ca: {  	[tilespmem:s31], [sflag:$0x1] =	stream.indirect_vreg.gather [hbm4b:s9+s2], $0x80, v56, vm0, $0xb8;
	[tilespmem:$0x18900] =	vst v63  }
0x2cb: {  	v61 =	vadd.s32 v4, v60;
	s31 =	sadd.s32 $0xD80, s29  }
0x2cc: {  	v62 =	vperm.xlane v18, v16;
	[tilespmem:s31], [sflag:$0x1] =	stream.indirect_vreg.gather [hbm4b:s9+s2], $0x80, v58, vm0, $0xb8;
	[tilespmem:$0x18900] =	vst v63  }
0x2cd: {  	s31 =	sadd.s32 $0xE00, s29  }
0x2ce: {  	v18 =	vperm.xlane v18, v17;
	v63 =	vadd.s32 v4, v62;
	[tilespmem:s31], [sflag:$0x1] =	stream.indirect_vreg.gather [hbm4b:s9+s2], $0x80, v19, vm0, $0xb8;
	[tilespmem:$0x18900] =	vst v63  }
0x2cf: {  	s31 =	sadd.s32 $0xE80, s29  }
0x2d0: {  	v18 =	vadd.s32 v4, v18;
	[tilespmem:s31], [sflag:$0x1] =	stream.indirect_vreg.gather [hbm4b:s9+s2], $0x80, v61, vm0, $0xb8;
	[tilespmem:$0x18900] =	vst v63  }
.Ltmp21:
0x2d1: {  	_ = 	snop;
	(pc) =	sbr.rel .LBB2_24-.Ltmp21, $4  }
0x2d2: {  	s21 =	sadd.s32 s21, s17;
	s31 =	sadd.s32 $0xF00, s29  }
0x2d3: {  	[tilespmem:s31], [sflag:$0x1] =	stream.indirect_vreg.gather [hbm4b:s9+s2], $0x80, v63, vm0, $0xb8;
	[tilespmem:$0x18900] =	vst v63  }
0x2d4: {  	s21 =	sadd.s32 $0xF80, s21  }
0x2d5: {  	[tilespmem:s21], [sflag:$0x1] =	stream.indirect_vreg.gather [hbm4b:s9+s2], $0x80, v18, vm0, $0xb8;
	[tilespmem:$0x18900] =	vst v63  }
.LBB2_25:
0x2d6: {  	s5 =	rddreg [dreg:$0xd]  }
0x2d7: {  	s5 =	sshll.u32 s5, $0x9  }
0x2d8: {  	s22 =	sand.u32 $0xFFFFC000, s5  }
0x2d9: {  	s5 =	sadd.s32 s22, s3  }
.Ltmp22:
0x2da: {  	s5 =	sadd.s32 s13, s5;
	(pc) =	sbr.rel .LBB2_26-.Ltmp22, $4  }
0x2db: {  	s17 =	sadd.s32 s25, s1;
	s5 =	sadd.s32 s15, s5  }
0x2dc: {  	s20 =	simm.s32 $0x0;
	s31 =	sshll.u32 s17, $0x2;
	s5 =	sadd.s32 s14, s5  }
0x2dd: {  	s24 =	simm.s32 $0x0;
	s29 =	sshra.s32 s5, $0x2;
	s5 =	sshra.s32 s31, $0x2  }
0x2de: {  	s26 =	rddreg [dreg:$0xb];
	s1 =	sor.u32 $0x700, s29;
	s5 =	sadd.s32 $0x210, s5  }
.LBB2_28:
0x2df: {  	s24 =	sadd.s32 $0x4000, s24  }
0x2e0: {  	p0 =	sne.s32 s24, $0x40000  }
.Ltmp23:
0x2e1: {  	_ = 	snop;
	(pc) =	sbr.rel @!p0 .LBB2_29-.Ltmp23, $2  }
0x2e2: {  	_ =	sdelay $0x2  }
0x2e3: {  	s20 =	sadd.s32 $0x20, s20;
	s5 =	sadd.s32 $0x20, s5  }
.LBB2_26:
0x2e4: {  	p0 =	sge.s32 s20, s26  }
.Ltmp24:
0x2e5: {  	_ = 	snop;
	(pc) =	sbr.rel @p0 .LBB2_28-.Ltmp24, $1  }
0x2e6: {  	_ =	sdelay $0x3  }
0x2e7: {  	(ifvalue) =	ssetifvalue $0xFFFFFFFF;
	v18 =	vld [tilespmem:s5+$0xFFFFFFF0];
	_ =	sdelay $0x4  }
0x2e8: {  	v19 =	vshll.u32 v18, $0x3  }
0x2e9: {  	v18 =	vand.u32 $0x7, v18;
	v19 =	vand.u32 $0xFFFFFFC0, v19  }
0x2ea: {  	v18 =	vor.u32 v18, v19  }
0x2eb: {  	v19 =	vperm.xlane v18, v0;
	_ =	sdelay $0x1  }
0x2ec: {  	v20 =	vperm.xlane v18, v5;
	v19 =	vadd.s32 v4, v19;
	_ =	sdelay $0x1  }
0x2ed: {  	v21 =	vperm.xlane v18, v6;
	v20 =	vadd.s32 v4, v20  }
0x2ee: {  	s21 =	sshra.s32 s24, $0x2  }
0x2ef: {  	s21 =	sadd.s32 s21, s1;
	v22 =	vperm.xlane v18, v3;
	v21 =	vadd.s32 v4, v21  }
0x2f0: {  	[tilespmem:s21], [sflag:$0x1] =	stream.indirect_vreg.gather [hbm4b:s10+s2], $0x80, v19, vm0, $0xb8;
	[tilespmem:$0x18900] =	vst v63  }
0x2f1: {  	s23 =	sadd.s32 $0x80, s21;
	v63 =	vperm.xlane v18, v7;
	v19 =	vadd.s32 v4, v22  }
0x2f2: {  	[tilespmem:s23], [sflag:$0x1] =	stream.indirect_vreg.gather [hbm4b:s10+s2], $0x80, v20, vm0, $0xb8;
	[tilespmem:$0x18900] =	vst v63  }
0x2f3: {  	s31 =	sadd.s32 $0x100, s21;
	v25 =	vperm.xlane v18, v8;
	v24 =	vadd.s32 v4, v63  }
0x2f4: {  	[tilespmem:s31], [sflag:$0x1] =	stream.indirect_vreg.gather [hbm4b:s10+s2], $0x80, v21, vm0, $0xb8;
	[tilespmem:$0x18900] =	vst v63  }
0x2f5: {  	s29 =	sadd.s32 $0x180, s21;
	v27 =	vperm.xlane v18, v9;
	v26 =	vadd.s32 v4, v25  }
0x2f6: {  	[tilespmem:s29], [sflag:$0x1] =	stream.indirect_vreg.gather [hbm4b:s10+s2], $0x80, v19, vm0, $0xb8;
	[tilespmem:$0x18900] =	vst v63  }
0x2f7: {  	v28 =	vperm.xlane v18, v2;
	s31 =	sadd.s32 $0x200, s21;
	v19 =	vadd.s32 v4, v27  }
0x2f8: {  	[tilespmem:s31], [sflag:$0x1] =	stream.indirect_vreg.gather [hbm4b:s10+s2], $0x80, v24, vm0, $0xb8;
	[tilespmem:$0x18900] =	vst v63  }
0x2f9: {  	v30 =	vperm.xlane v18, v10;
	v29 =	vadd.s32 v4, v28;
	s29 =	sadd.s32 $0x280, s21  }
0x2fa: {  	[tilespmem:s29], [sflag:$0x1] =	stream.indirect_vreg.gather [hbm4b:s10+s2], $0x80, v26, vm0, $0xb8;
	[tilespmem:$0x18900] =	vst v63  }
0x2fb: {  	v32 =	vperm.xlane v18, v11;
	v31 =	vadd.s32 v4, v30;
	s31 =	sadd.s32 $0x300, s21  }
0x2fc: {  	[tilespmem:s31], [sflag:$0x1] =	stream.indirect_vreg.gather [hbm4b:s10+s2], $0x80, v19, vm0, $0xb8;
	[tilespmem:$0x18900] =	vst v63  }
0x2fd: {  	v33 =	vperm.xlane v18, v12;
	s29 =	sadd.s32 $0x380, s21;
	v19 =	vadd.s32 v4, v32  }
0x2fe: {  	[tilespmem:s29], [sflag:$0x1] =	stream.indirect_vreg.gather [hbm4b:s10+s2], $0x80, v29, vm0, $0xb8;
	[tilespmem:$0x18900] =	vst v63  }
0x2ff: {  	v35 =	vperm.xlane v18, v13;
	v34 =	vadd.s32 v4, v33;
	s31 =	sadd.s32 $0x400, s21  }
0x300: {  	[tilespmem:s31], [sflag:$0x1] =	stream.indirect_vreg.gather [hbm4b:s10+s2], $0x80, v31, vm0, $0xb8;
	[tilespmem:$0x18900] =	vst v63  }
0x301: {  	v37 =	vperm.xlane v18, v14;
	v36 =	vadd.s32 v4, v35;
	s29 =	sadd.s32 $0x480, s21  }
0x302: {  	[tilespmem:s29], [sflag:$0x1] =	stream.indirect_vreg.gather [hbm4b:s10+s2], $0x80, v19, vm0, $0xb8;
	[tilespmem:$0x18900] =	vst v63  }
0x303: {  	v38 =	vperm.xlane v18, v15;
	s31 =	sadd.s32 $0x500, s21;
	v19 =	vadd.s32 v4, v37  }
0x304: {  	[tilespmem:s31], [sflag:$0x1] =	stream.indirect_vreg.gather [hbm4b:s10+s2], $0x80, v34, vm0, $0xb8;
	[tilespmem:$0x18900] =	vst v63  }
0x305: {  	v40 =	vperm.xlane v18, v16;
	v39 =	vadd.s32 v4, v38;
	s29 =	sadd.s32 $0x580, s21  }
0x306: {  	[tilespmem:s29], [sflag:$0x1] =	stream.indirect_vreg.gather [hbm4b:s10+s2], $0x80, v36, vm0, $0xb8;
	[tilespmem:$0x18900] =	vst v63  }
0x307: {  	v18 =	vperm.xlane v18, v17;
	v41 =	vadd.s32 v4, v40;
	s31 =	sadd.s32 $0x600, s21  }
0x308: {  	[tilespmem:s31], [sflag:$0x1] =	stream.indirect_vreg.gather [hbm4b:s10+s2], $0x80, v19, vm0, $0xb8;
	[tilespmem:$0x18900] =	vst v63  }
0x309: {  	v18 =	vadd.s32 v4, v18;
	s29 =	sadd.s32 $0x680, s21  }
0x30a: {  	[tilespmem:s29], [sflag:$0x1] =	stream.indirect_vreg.gather [hbm4b:s10+s2], $0x80, v39, vm0, $0xb8;
	[tilespmem:$0x18900] =	vst v63  }
0x30b: {  	s31 =	sadd.s32 $0x700, s21  }
0x30c: {  	[tilespmem:s31], [sflag:$0x1] =	stream.indirect_vreg.gather [hbm4b:s10+s2], $0x80, v41, vm0, $0xb8;
	[tilespmem:$0x18900] =	vst v63  }
0x30d: {  	s29 =	sadd.s32 $0x780, s21  }
0x30e: {  	[tilespmem:s29], [sflag:$0x1] =	stream.indirect_vreg.gather [hbm4b:s10+s2], $0x80, v18, vm0, $0xb8;
	[tilespmem:$0x18900] =	vst v63  }
0x30f: {  	v18 =	vld [tilespmem:s5+$0x0];
	_ =	sdelay $0x4  }
0x310: {  	v19 =	vshll.u32 v18, $0x3  }
0x311: {  	v18 =	vand.u32 $0x7, v18;
	v19 =	vand.u32 $0xFFFFFFC0, v19  }
0x312: {  	v18 =	vor.u32 v18, v19  }
0x313: {  	v19 =	vperm.xlane v18, v0;
	_ =	sdelay $0x1  }
0x314: {  	v42 =	vperm.xlane v18, v5;
	v19 =	vadd.s32 v4, v19;
	_ =	sdelay $0x1  }
0x315: {  	v43 =	vperm.xlane v18, v6;
	v20 =	vadd.s32 v4, v42;
	_ =	sdelay $0x1  }
0x316: {  	s31 =	sadd.s32 $0x800, s21;
	v44 =	vperm.xlane v18, v3;
	v21 =	vadd.s32 v4, v43  }
0x317: {  	[tilespmem:s31], [sflag:$0x1] =	stream.indirect_vreg.gather [hbm4b:s10+s2], $0x80, v19, vm0, $0xb8;
	[tilespmem:$0x18900] =	vst v63  }
0x318: {  	s29 =	sadd.s32 $0x880, s21;
	v45 =	vperm.xlane v18, v7;
	v19 =	vadd.s32 v4, v44  }
0x319: {  	[tilespmem:s29], [sflag:$0x1] =	stream.indirect_vreg.gather [hbm4b:s10+s2], $0x80, v20, vm0, $0xb8;
	[tilespmem:$0x18900] =	vst v63  }
0x31a: {  	v47 =	vperm.xlane v18, v8;
	v46 =	vadd.s32 v4, v45;
	s31 =	sadd.s32 $0x900, s21  }
0x31b: {  	[tilespmem:s31], [sflag:$0x1] =	stream.indirect_vreg.gather [hbm4b:s10+s2], $0x80, v21, vm0, $0xb8;
	[tilespmem:$0x18900] =	vst v63  }
0x31c: {  	v49 =	vperm.xlane v18, v9;
	v48 =	vadd.s32 v4, v47;
	s29 =	sadd.s32 $0x980, s21  }
0x31d: {  	[tilespmem:s29], [sflag:$0x1] =	stream.indirect_vreg.gather [hbm4b:s10+s2], $0x80, v19, vm0, $0xb8;
	[tilespmem:$0x18900] =	vst v63  }
0x31e: {  	v50 =	vperm.xlane v18, v2;
	s31 =	sadd.s32 $0xA00, s21;
	v19 =	vadd.s32 v4, v49  }
0x31f: {  	[tilespmem:s31], [sflag:$0x1] =	stream.indirect_vreg.gather [hbm4b:s10+s2], $0x80, v46, vm0, $0xb8;
	[tilespmem:$0x18900] =	vst v63  }
0x320: {  	v52 =	vperm.xlane v18, v10;
	v51 =	vadd.s32 v4, v50;
	s29 =	sadd.s32 $0xA80, s21  }
0x321: {  	[tilespmem:s29], [sflag:$0x1] =	stream.indirect_vreg.gather [hbm4b:s10+s2], $0x80, v48, vm0, $0xb8;
	[tilespmem:$0x18900] =	vst v63  }
0x322: {  	v54 =	vperm.xlane v18, v11;
	v53 =	vadd.s32 v4, v52;
	s31 =	sadd.s32 $0xB00, s21  }
0x323: {  	[tilespmem:s31], [sflag:$0x1] =	stream.indirect_vreg.gather [hbm4b:s10+s2], $0x80, v19, vm0, $0xb8;
	[tilespmem:$0x18900] =	vst v63  }
0x324: {  	v55 =	vperm.xlane v18, v12;
	s29 =	sadd.s32 $0xB80, s21;
	v19 =	vadd.s32 v4, v54  }
0x325: {  	[tilespmem:s29], [sflag:$0x1] =	stream.indirect_vreg.gather [hbm4b:s10+s2], $0x80, v51, vm0, $0xb8;
	[tilespmem:$0x18900] =	vst v63  }
0x326: {  	v57 =	vperm.xlane v18, v13;
	v56 =	vadd.s32 v4, v55;
	s31 =	sadd.s32 $0xC00, s21  }
0x327: {  	[tilespmem:s31], [sflag:$0x1] =	stream.indirect_vreg.gather [hbm4b:s10+s2], $0x80, v53, vm0, $0xb8;
	[tilespmem:$0x18900] =	vst v63  }
0x328: {  	v59 =	vperm.xlane v18, v14;
	v58 =	vadd.s32 v4, v57;
	s29 =	sadd.s32 $0xC80, s21  }
0x329: {  	[tilespmem:s29], [sflag:$0x1] =	stream.indirect_vreg.gather [hbm4b:s10+s2], $0x80, v19, vm0, $0xb8;
	[tilespmem:$0x18900] =	vst v63  }
0x32a: {  	v60 =	vperm.xlane v18, v15;
	s31 =	sadd.s32 $0xD00, s21;
	v19 =	vadd.s32 v4, v59  }
0x32b: {  	[tilespmem:s31], [sflag:$0x1] =	stream.indirect_vreg.gather [hbm4b:s10+s2], $0x80, v56, vm0, $0xb8;
	[tilespmem:$0x18900] =	vst v63  }
0x32c: {  	v61 =	vadd.s32 v4, v60;
	s29 =	sadd.s32 $0xD80, s21  }
0x32d: {  	v62 =	vperm.xlane v18, v16;
	[tilespmem:s29], [sflag:$0x1] =	stream.indirect_vreg.gather [hbm4b:s10+s2], $0x80, v58, vm0, $0xb8;
	[tilespmem:$0x18900] =	vst v63  }
0x32e: {  	s31 =	sadd.s32 $0xE00, s21  }
0x32f: {  	v18 =	vperm.xlane v18, v17;
	v63 =	vadd.s32 v4, v62;
	[tilespmem:s31], [sflag:$0x1] =	stream.indirect_vreg.gather [hbm4b:s10+s2], $0x80, v19, vm0, $0xb8;
	[tilespmem:$0x18900] =	vst v63  }
0x330: {  	s29 =	sadd.s32 $0xE80, s21  }
0x331: {  	v18 =	vadd.s32 v4, v18;
	[tilespmem:s29], [sflag:$0x1] =	stream.indirect_vreg.gather [hbm4b:s10+s2], $0x80, v61, vm0, $0xb8;
	[tilespmem:$0x18900] =	vst v63  }
.Ltmp25:
0x332: {  	_ = 	snop;
	(pc) =	sbr.rel .LBB2_28-.Ltmp25, $4  }
0x333: {  	s31 =	sadd.s32 $0xF00, s21  }
0x334: {  	[tilespmem:s31], [sflag:$0x1] =	stream.indirect_vreg.gather [hbm4b:s10+s2], $0x80, v63, vm0, $0xb8;
	[tilespmem:$0x18900] =	vst v63  }
0x335: {  	s21 =	sadd.s32 $0xF80, s21  }
0x336: {  	[tilespmem:s21], [sflag:$0x1] =	stream.indirect_vreg.gather [hbm4b:s10+s2], $0x80, v18, vm0, $0xb8;
	[tilespmem:$0x18900] =	vst v63  }
.LBB2_29:
0x337: {  	s1 =	rddreg [dreg:$0xc]  }
0x338: {  	s1 =	sshll.u32 s1, $0x9  }
0x339: {  	s1 =	sand.u32 $0xFFFFC000, s1  }
0x33a: {  	s5 =	sadd.s32 s1, s3  }
0x33b: {  	s5 =	sadd.s32 s22, s5  }
.Ltmp26:
0x33c: {  	s5 =	sadd.s32 s13, s5;
	(pc) =	sbr.rel .LBB2_30-.Ltmp26, $4  }
0x33d: {  	s17 =	sadd.s32 s26, s17;
	s5 =	sadd.s32 s15, s5  }
0x33e: {  	s24 =	simm.s32 $0x0;
	s21 =	sshll.u32 s17, $0x2;
	s5 =	sadd.s32 s14, s5  }
0x33f: {  	s26 =	simm.s32 $0x0;
	s31 =	sshra.s32 s21, $0x2;
	s5 =	sshra.s32 s5, $0x2  }
0x340: {  	s21 =	rddreg [dreg:$0x9];
	s20 =	sadd.s32 $0x700, s5;
	s5 =	sadd.s32 $0x210, s31  }
.LBB2_32:
0x341: {  	s26 =	sadd.s32 $0x4000, s26  }
0x342: {  	p0 =	sne.s32 s26, $0x40000  }
.Ltmp27:
0x343: {  	_ = 	snop;
	(pc) =	sbr.rel @!p0 .LBB2_33-.Ltmp27, $2  }
0x344: {  	_ =	sdelay $0x2  }
0x345: {  	s24 =	sadd.s32 $0x20, s24;
	s5 =	sadd.s32 $0x20, s5  }
.LBB2_30:
0x346: {  	p0 =	sge.s32 s24, s21  }
.Ltmp28:
0x347: {  	_ = 	snop;
	(pc) =	sbr.rel @p0 .LBB2_32-.Ltmp28, $1  }
0x348: {  	_ =	sdelay $0x3  }
0x349: {  	(ifvalue) =	ssetifvalue $0xFFFFFFFF;
	v18 =	vld [tilespmem:s5+$0xFFFFFFF0];
	_ =	sdelay $0x4  }
0x34a: {  	v19 =	vshll.u32 v18, $0x3  }
0x34b: {  	v18 =	vand.u32 $0x7, v18;
	v19 =	vand.u32 $0xFFFFFFC0, v19  }
0x34c: {  	v18 =	vor.u32 v18, v19  }
0x34d: {  	v19 =	vperm.xlane v18, v0;
	_ =	sdelay $0x1  }
0x34e: {  	v20 =	vperm.xlane v18, v5;
	v19 =	vadd.s32 v4, v19;
	_ =	sdelay $0x1  }
0x34f: {  	v21 =	vperm.xlane v18, v6;
	v20 =	vadd.s32 v4, v20  }
0x350: {  	s21 =	sshra.s32 s26, $0x2  }
0x351: {  	s21 =	sadd.s32 s21, s20;
	v22 =	vperm.xlane v18, v3;
	v21 =	vadd.s32 v4, v21  }
0x352: {  	[tilespmem:s21], [sflag:$0x1] =	stream.indirect_vreg.gather [hbm4b:s11+s2], $0x80, v19, vm0, $0xb8;
	[tilespmem:$0x18900] =	vst v63  }
0x353: {  	s23 =	sadd.s32 $0x80, s21;
	v63 =	vperm.xlane v18, v7;
	v19 =	vadd.s32 v4, v22  }
0x354: {  	[tilespmem:s23], [sflag:$0x1] =	stream.indirect_vreg.gather [hbm4b:s11+s2], $0x80, v20, vm0, $0xb8;
	[tilespmem:$0x18900] =	vst v63  }
0x355: {  	s31 =	sadd.s32 $0x100, s21;
	v25 =	vperm.xlane v18, v8;
	v24 =	vadd.s32 v4, v63  }
0x356: {  	[tilespmem:s31], [sflag:$0x1] =	stream.indirect_vreg.gather [hbm4b:s11+s2], $0x80, v21, vm0, $0xb8;
	[tilespmem:$0x18900] =	vst v63  }
0x357: {  	s29 =	sadd.s32 $0x180, s21;
	v27 =	vperm.xlane v18, v9;
	v26 =	vadd.s32 v4, v25  }
0x358: {  	[tilespmem:s29], [sflag:$0x1] =	stream.indirect_vreg.gather [hbm4b:s11+s2], $0x80, v19, vm0, $0xb8;
	[tilespmem:$0x18900] =	vst v63  }
0x359: {  	v28 =	vperm.xlane v18, v2;
	s31 =	sadd.s32 $0x200, s21;
	v19 =	vadd.s32 v4, v27  }
0x35a: {  	[tilespmem:s31], [sflag:$0x1] =	stream.indirect_vreg.gather [hbm4b:s11+s2], $0x80, v24, vm0, $0xb8;
	[tilespmem:$0x18900] =	vst v63  }
0x35b: {  	v30 =	vperm.xlane v18, v10;
	v29 =	vadd.s32 v4, v28;
	s29 =	sadd.s32 $0x280, s21  }
0x35c: {  	[tilespmem:s29], [sflag:$0x1] =	stream.indirect_vreg.gather [hbm4b:s11+s2], $0x80, v26, vm0, $0xb8;
	[tilespmem:$0x18900] =	vst v63  }
0x35d: {  	v32 =	vperm.xlane v18, v11;
	v31 =	vadd.s32 v4, v30;
	s31 =	sadd.s32 $0x300, s21  }
0x35e: {  	[tilespmem:s31], [sflag:$0x1] =	stream.indirect_vreg.gather [hbm4b:s11+s2], $0x80, v19, vm0, $0xb8;
	[tilespmem:$0x18900] =	vst v63  }
0x35f: {  	v33 =	vperm.xlane v18, v12;
	s29 =	sadd.s32 $0x380, s21;
	v19 =	vadd.s32 v4, v32  }
0x360: {  	[tilespmem:s29], [sflag:$0x1] =	stream.indirect_vreg.gather [hbm4b:s11+s2], $0x80, v29, vm0, $0xb8;
	[tilespmem:$0x18900] =	vst v63  }
0x361: {  	v35 =	vperm.xlane v18, v13;
	v34 =	vadd.s32 v4, v33;
	s31 =	sadd.s32 $0x400, s21  }
0x362: {  	[tilespmem:s31], [sflag:$0x1] =	stream.indirect_vreg.gather [hbm4b:s11+s2], $0x80, v31, vm0, $0xb8;
	[tilespmem:$0x18900] =	vst v63  }
0x363: {  	v37 =	vperm.xlane v18, v14;
	v36 =	vadd.s32 v4, v35;
	s29 =	sadd.s32 $0x480, s21  }
0x364: {  	[tilespmem:s29], [sflag:$0x1] =	stream.indirect_vreg.gather [hbm4b:s11+s2], $0x80, v19, vm0, $0xb8;
	[tilespmem:$0x18900] =	vst v63  }
0x365: {  	v38 =	vperm.xlane v18, v15;
	s31 =	sadd.s32 $0x500, s21;
	v19 =	vadd.s32 v4, v37  }
0x366: {  	[tilespmem:s31], [sflag:$0x1] =	stream.indirect_vreg.gather [hbm4b:s11+s2], $0x80, v34, vm0, $0xb8;
	[tilespmem:$0x18900] =	vst v63  }
0x367: {  	v40 =	vperm.xlane v18, v16;
	v39 =	vadd.s32 v4, v38;
	s29 =	sadd.s32 $0x580, s21  }
0x368: {  	[tilespmem:s29], [sflag:$0x1] =	stream.indirect_vreg.gather [hbm4b:s11+s2], $0x80, v36, vm0, $0xb8;
	[tilespmem:$0x18900] =	vst v63  }
0x369: {  	v18 =	vperm.xlane v18, v17;
	v41 =	vadd.s32 v4, v40;
	s31 =	sadd.s32 $0x600, s21  }
0x36a: {  	[tilespmem:s31], [sflag:$0x1] =	stream.indirect_vreg.gather [hbm4b:s11+s2], $0x80, v19, vm0, $0xb8;
	[tilespmem:$0x18900] =	vst v63  }
0x36b: {  	v18 =	vadd.s32 v4, v18;
	s29 =	sadd.s32 $0x680, s21  }
0x36c: {  	[tilespmem:s29], [sflag:$0x1] =	stream.indirect_vreg.gather [hbm4b:s11+s2], $0x80, v39, vm0, $0xb8;
	[tilespmem:$0x18900] =	vst v63  }
0x36d: {  	s31 =	sadd.s32 $0x700, s21  }
0x36e: {  	[tilespmem:s31], [sflag:$0x1] =	stream.indirect_vreg.gather [hbm4b:s11+s2], $0x80, v41, vm0, $0xb8;
	[tilespmem:$0x18900] =	vst v63  }
0x36f: {  	s29 =	sadd.s32 $0x780, s21  }
0x370: {  	[tilespmem:s29], [sflag:$0x1] =	stream.indirect_vreg.gather [hbm4b:s11+s2], $0x80, v18, vm0, $0xb8;
	[tilespmem:$0x18900] =	vst v63  }
0x371: {  	v18 =	vld [tilespmem:s5+$0x0];
	_ =	sdelay $0x4  }
0x372: {  	v19 =	vshll.u32 v18, $0x3  }
0x373: {  	v18 =	vand.u32 $0x7, v18;
	v19 =	vand.u32 $0xFFFFFFC0, v19  }
0x374: {  	v18 =	vor.u32 v18, v19  }
0x375: {  	v19 =	vperm.xlane v18, v0;
	_ =	sdelay $0x1  }
0x376: {  	v42 =	vperm.xlane v18, v5;
	v19 =	vadd.s32 v4, v19;
	_ =	sdelay $0x1  }
0x377: {  	v43 =	vperm.xlane v18, v6;
	v20 =	vadd.s32 v4, v42;
	_ =	sdelay $0x1  }
0x378: {  	s31 =	sadd.s32 $0x800, s21;
	v44 =	vperm.xlane v18, v3;
	v21 =	vadd.s32 v4, v43  }
0x379: {  	[tilespmem:s31], [sflag:$0x1] =	stream.indirect_vreg.gather [hbm4b:s11+s2], $0x80, v19, vm0, $0xb8;
	[tilespmem:$0x18900] =	vst v63  }
0x37a: {  	s29 =	sadd.s32 $0x880, s21;
	v45 =	vperm.xlane v18, v7;
	v19 =	vadd.s32 v4, v44  }
0x37b: {  	[tilespmem:s29], [sflag:$0x1] =	stream.indirect_vreg.gather [hbm4b:s11+s2], $0x80, v20, vm0, $0xb8;
	[tilespmem:$0x18900] =	vst v63  }
0x37c: {  	v47 =	vperm.xlane v18, v8;
	v46 =	vadd.s32 v4, v45;
	s31 =	sadd.s32 $0x900, s21  }
0x37d: {  	[tilespmem:s31], [sflag:$0x1] =	stream.indirect_vreg.gather [hbm4b:s11+s2], $0x80, v21, vm0, $0xb8;
	[tilespmem:$0x18900] =	vst v63  }
0x37e: {  	v49 =	vperm.xlane v18, v9;
	v48 =	vadd.s32 v4, v47;
	s29 =	sadd.s32 $0x980, s21  }
0x37f: {  	[tilespmem:s29], [sflag:$0x1] =	stream.indirect_vreg.gather [hbm4b:s11+s2], $0x80, v19, vm0, $0xb8;
	[tilespmem:$0x18900] =	vst v63  }
0x380: {  	v50 =	vperm.xlane v18, v2;
	s31 =	sadd.s32 $0xA00, s21;
	v19 =	vadd.s32 v4, v49  }
0x381: {  	[tilespmem:s31], [sflag:$0x1] =	stream.indirect_vreg.gather [hbm4b:s11+s2], $0x80, v46, vm0, $0xb8;
	[tilespmem:$0x18900] =	vst v63  }
0x382: {  	v52 =	vperm.xlane v18, v10;
	v51 =	vadd.s32 v4, v50;
	s29 =	sadd.s32 $0xA80, s21  }
0x383: {  	[tilespmem:s29], [sflag:$0x1] =	stream.indirect_vreg.gather [hbm4b:s11+s2], $0x80, v48, vm0, $0xb8;
	[tilespmem:$0x18900] =	vst v63  }
0x384: {  	v54 =	vperm.xlane v18, v11;
	v53 =	vadd.s32 v4, v52;
	s31 =	sadd.s32 $0xB00, s21  }
0x385: {  	[tilespmem:s31], [sflag:$0x1] =	stream.indirect_vreg.gather [hbm4b:s11+s2], $0x80, v19, vm0, $0xb8;
	[tilespmem:$0x18900] =	vst v63  }
0x386: {  	v55 =	vperm.xlane v18, v12;
	s29 =	sadd.s32 $0xB80, s21;
	v19 =	vadd.s32 v4, v54  }
0x387: {  	[tilespmem:s29], [sflag:$0x1] =	stream.indirect_vreg.gather [hbm4b:s11+s2], $0x80, v51, vm0, $0xb8;
	[tilespmem:$0x18900] =	vst v63  }
0x388: {  	v57 =	vperm.xlane v18, v13;
	v56 =	vadd.s32 v4, v55;
	s31 =	sadd.s32 $0xC00, s21  }
0x389: {  	[tilespmem:s31], [sflag:$0x1] =	stream.indirect_vreg.gather [hbm4b:s11+s2], $0x80, v53, vm0, $0xb8;
	[tilespmem:$0x18900] =	vst v63  }
0x38a: {  	v59 =	vperm.xlane v18, v14;
	v58 =	vadd.s32 v4, v57;
	s29 =	sadd.s32 $0xC80, s21  }
0x38b: {  	[tilespmem:s29], [sflag:$0x1] =	stream.indirect_vreg.gather [hbm4b:s11+s2], $0x80, v19, vm0, $0xb8;
	[tilespmem:$0x18900] =	vst v63  }
0x38c: {  	v60 =	vperm.xlane v18, v15;
	s31 =	sadd.s32 $0xD00, s21;
	v19 =	vadd.s32 v4, v59  }
0x38d: {  	[tilespmem:s31], [sflag:$0x1] =	stream.indirect_vreg.gather [hbm4b:s11+s2], $0x80, v56, vm0, $0xb8;
	[tilespmem:$0x18900] =	vst v63  }
0x38e: {  	v62 =	vperm.xlane v18, v16;
	v61 =	vadd.s32 v4, v60;
	s29 =	sadd.s32 $0xD80, s21  }
0x38f: {  	[tilespmem:s29], [sflag:$0x1] =	stream.indirect_vreg.gather [hbm4b:s11+s2], $0x80, v58, vm0, $0xb8;
	[tilespmem:$0x18900] =	vst v63  }
0x390: {  	v18 =	vperm.xlane v18, v17;
	v63 =	vadd.s32 v4, v62;
	s31 =	sadd.s32 $0xE00, s21  }
0x391: {  	[tilespmem:s31], [sflag:$0x1] =	stream.indirect_vreg.gather [hbm4b:s11+s2], $0x80, v19, vm0, $0xb8;
	[tilespmem:$0x18900] =	vst v63  }
0x392: {  	v18 =	vadd.s32 v4, v18;
	s29 =	sadd.s32 $0xE80, s21  }
0x393: {  	[tilespmem:s29], [sflag:$0x1] =	stream.indirect_vreg.gather [hbm4b:s11+s2], $0x80, v61, vm0, $0xb8;
	[tilespmem:$0x18900] =	vst v63  }
.Ltmp29:
0x394: {  	s31 =	sadd.s32 $0xF00, s21;
	(pc) =	sbr.rel .LBB2_32-.Ltmp29, $4  }
0x395: {  	[tilespmem:s31], [sflag:$0x1] =	stream.indirect_vreg.gather [hbm4b:s11+s2], $0x80, v63, vm0, $0xb8;
	[tilespmem:$0x18900] =	vst v63  }
0x396: {  	s21 =	sadd.s32 $0xF80, s21  }
0x397: {  	[tilespmem:s21], [sflag:$0x1] =	stream.indirect_vreg.gather [hbm4b:s11+s2], $0x80, v18, vm0, $0xb8;
	[tilespmem:$0x18900] =	vst v63  }
0x398: {  	s21 =	rddreg [dreg:$0x9]  }
.LBB2_33:
0x399: {  	s23 =	rddreg [dreg:$0xa]  }
0x39a: {  	s5 =	sshll.u32 s23, $0x9  }
0x39b: {  	s5 =	sand.u32 $0xFFFFC000, s5  }
0x39c: {  	s3 =	sadd.s32 s5, s3  }
0x39d: {  	s1 =	sadd.s32 s1, s3  }
0x39e: {  	s29 =	sadd.s32 s21, s17;
	s1 =	sadd.s32 s22, s1  }
.Ltmp30:
0x39f: {  	s31 =	rddreg [dreg:$0x12];
	s1 =	sadd.s32 s13, s1;
	(pc) =	sbr.rel .LBB2_34-.Ltmp30, $4  }
0x3a0: {  	s5 =	simm.s32 $0x0;
	s3 =	sshll.u32 s29, $0x2;
	s1 =	sadd.s32 s15, s1  }
0x3a1: {  	s3 =	sshra.s32 s3, $0x2;
	s22 =	rddreg [dreg:$0xb];
	s1 =	sadd.s32 s14, s1  }
0x3a2: {  	s3 =	sadd.s32 $0x210, s3;
	s14 =	sadd.s32 $0x1F, s31;
	s1 =	sshra.s32 s1, $0x2  }
0x3a3: {  	s15 =	simm.s32 $0x0;
	s13 =	sand.u32 $0xFFFFFFE0, s14;
	s1 =	sadd.s32 $0x700, s1  }
.LBB2_36:
0x3a4: {  	s15 =	sadd.s32 $0x4000, s15  }
0x3a5: {  	p0 =	sne.s32 s15, $0x40000  }
.Ltmp31:
0x3a6: {  	_ = 	snop;
	(pc) =	sbr.rel @!p0 .LBB2_37-.Ltmp31, $2  }
0x3a7: {  	_ =	sdelay $0x2  }
0x3a8: {  	s5 =	sadd.s32 $0x20, s5;
	s3 =	sadd.s32 $0x20, s3  }
.LBB2_34:
0x3a9: {  	p0 =	sge.s32 s5, s13  }
.Ltmp32:
0x3aa: {  	_ = 	snop;
	(pc) =	sbr.rel @p0 .LBB2_36-.Ltmp32, $1  }
0x3ab: {  	_ =	sdelay $0x3  }
0x3ac: {  	(ifvalue) =	ssetifvalue $0xFFFFFFFF;
	v18 =	vld [tilespmem:s3+$0xFFFFFFF0];
	_ =	sdelay $0x4  }
0x3ad: {  	v19 =	vshll.u32 v18, $0x3  }
0x3ae: {  	v18 =	vand.u32 $0x7, v18;
	v19 =	vand.u32 $0xFFFFFFC0, v19  }
0x3af: {  	v18 =	vor.u32 v18, v19  }
0x3b0: {  	v19 =	vperm.xlane v18, v0;
	_ =	sdelay $0x1  }
0x3b1: {  	v20 =	vperm.xlane v18, v5;
	v19 =	vadd.s32 v4, v19;
	_ =	sdelay $0x1  }
0x3b2: {  	v21 =	vperm.xlane v18, v6;
	v20 =	vadd.s32 v4, v20  }
0x3b3: {  	s17 =	sshra.s32 s15, $0x2  }
0x3b4: {  	s17 =	sadd.s32 s17, s1;
	v22 =	vperm.xlane v18, v3;
	v21 =	vadd.s32 v4, v21  }
0x3b5: {  	[tilespmem:s17], [sflag:$0x1] =	stream.indirect_vreg.gather [hbm4b:s12+s2], $0x80, v19, vm0, $0xb8;
	[tilespmem:$0x18900] =	vst v63  }
0x3b6: {  	s20 =	sadd.s32 $0x80, s17;
	v63 =	vperm.xlane v18, v7;
	v19 =	vadd.s32 v4, v22  }
0x3b7: {  	[tilespmem:s20], [sflag:$0x1] =	stream.indirect_vreg.gather [hbm4b:s12+s2], $0x80, v20, vm0, $0xb8;
	[tilespmem:$0x18900] =	vst v63  }
0x3b8: {  	s31 =	sadd.s32 $0x100, s17;
	v25 =	vperm.xlane v18, v8;
	v24 =	vadd.s32 v4, v63  }
0x3b9: {  	[tilespmem:s31], [sflag:$0x1] =	stream.indirect_vreg.gather [hbm4b:s12+s2], $0x80, v21, vm0, $0xb8;
	[tilespmem:$0x18900] =	vst v63  }
0x3ba: {  	s24 =	sadd.s32 $0x180, s17;
	v27 =	vperm.xlane v18, v9;
	v26 =	vadd.s32 v4, v25  }
0x3bb: {  	[tilespmem:s24], [sflag:$0x1] =	stream.indirect_vreg.gather [hbm4b:s12+s2], $0x80, v19, vm0, $0xb8;
	[tilespmem:$0x18900] =	vst v63  }
0x3bc: {  	s26 =	sadd.s32 $0x200, s17;
	v28 =	vperm.xlane v18, v2;
	v19 =	vadd.s32 v4, v27  }
0x3bd: {  	[tilespmem:s26], [sflag:$0x1] =	stream.indirect_vreg.gather [hbm4b:s12+s2], $0x80, v24, vm0, $0xb8;
	[tilespmem:$0x18900] =	vst v63  }
0x3be: {  	s29 =	sadd.s32 $0x280, s17;
	v30 =	vperm.xlane v18, v10;
	v29 =	vadd.s32 v4, v28  }
0x3bf: {  	[tilespmem:s29], [sflag:$0x1] =	stream.indirect_vreg.gather [hbm4b:s12+s2], $0x80, v26, vm0, $0xb8;
	[tilespmem:$0x18900] =	vst v63  }
0x3c0: {  	v32 =	vperm.xlane v18, v11;
	v31 =	vadd.s32 v4, v30;
	s31 =	sadd.s32 $0x300, s17  }
0x3c1: {  	[tilespmem:s31], [sflag:$0x1] =	stream.indirect_vreg.gather [hbm4b:s12+s2], $0x80, v19, vm0, $0xb8;
	[tilespmem:$0x18900] =	vst v63  }
0x3c2: {  	v33 =	vperm.xlane v18, v12;
	s24 =	sadd.s32 $0x380, s17;
	v19 =	vadd.s32 v4, v32  }
0x3c3: {  	[tilespmem:s24], [sflag:$0x1] =	stream.indirect_vreg.gather [hbm4b:s12+s2], $0x80, v29, vm0, $0xb8;
	[tilespmem:$0x18900] =	vst v63  }
0x3c4: {  	v35 =	vperm.xlane v18, v13;
	v34 =	vadd.s32 v4, v33;
	s26 =	sadd.s32 $0x400, s17  }
0x3c5: {  	[tilespmem:s26], [sflag:$0x1] =	stream.indirect_vreg.gather [hbm4b:s12+s2], $0x80, v31, vm0, $0xb8;
	[tilespmem:$0x18900] =	vst v63  }
0x3c6: {  	v37 =	vperm.xlane v18, v14;
	v36 =	vadd.s32 v4, v35;
	s29 =	sadd.s32 $0x480, s17  }
0x3c7: {  	[tilespmem:s29], [sflag:$0x1] =	stream.indirect_vreg.gather [hbm4b:s12+s2], $0x80, v19, vm0, $0xb8;
	[tilespmem:$0x18900] =	vst v63  }
0x3c8: {  	v38 =	vperm.xlane v18, v15;
	s31 =	sadd.s32 $0x500, s17;
	v19 =	vadd.s32 v4, v37  }
0x3c9: {  	[tilespmem:s31], [sflag:$0x1] =	stream.indirect_vreg.gather [hbm4b:s12+s2], $0x80, v34, vm0, $0xb8;
	[tilespmem:$0x18900] =	vst v63  }
0x3ca: {  	v40 =	vperm.xlane v18, v16;
	v39 =	vadd.s32 v4, v38;
	s24 =	sadd.s32 $0x580, s17  }
0x3cb: {  	[tilespmem:s24], [sflag:$0x1] =	stream.indirect_vreg.gather [hbm4b:s12+s2], $0x80, v36, vm0, $0xb8;
	[tilespmem:$0x18900] =	vst v63  }
0x3cc: {  	v18 =	vperm.xlane v18, v17;
	v41 =	vadd.s32 v4, v40;
	s26 =	sadd.s32 $0x600, s17  }
0x3cd: {  	[tilespmem:s26], [sflag:$0x1] =	stream.indirect_vreg.gather [hbm4b:s12+s2], $0x80, v19, vm0, $0xb8;
	[tilespmem:$0x18900] =	vst v63  }
0x3ce: {  	v18 =	vadd.s32 v4, v18;
	s29 =	sadd.s32 $0x680, s17  }
0x3cf: {  	[tilespmem:s29], [sflag:$0x1] =	stream.indirect_vreg.gather [hbm4b:s12+s2], $0x80, v39, vm0, $0xb8;
	[tilespmem:$0x18900] =	vst v63  }
0x3d0: {  	s31 =	sadd.s32 $0x700, s17  }
0x3d1: {  	[tilespmem:s31], [sflag:$0x1] =	stream.indirect_vreg.gather [hbm4b:s12+s2], $0x80, v41, vm0, $0xb8;
	[tilespmem:$0x18900] =	vst v63  }
0x3d2: {  	s24 =	sadd.s32 $0x780, s17  }
0x3d3: {  	[tilespmem:s24], [sflag:$0x1] =	stream.indirect_vreg.gather [hbm4b:s12+s2], $0x80, v18, vm0, $0xb8;
	[tilespmem:$0x18900] =	vst v63  }
0x3d4: {  	v18 =	vld [tilespmem:s3+$0x0];
	_ =	sdelay $0x4  }
0x3d5: {  	v19 =	vshll.u32 v18, $0x3  }
0x3d6: {  	v18 =	vand.u32 $0x7, v18;
	v19 =	vand.u32 $0xFFFFFFC0, v19  }
0x3d7: {  	v18 =	vor.u32 v18, v19  }
0x3d8: {  	v19 =	vperm.xlane v18, v0;
	_ =	sdelay $0x1  }
0x3d9: {  	v42 =	vperm.xlane v18, v5;
	v19 =	vadd.s32 v4, v19;
	_ =	sdelay $0x1  }
0x3da: {  	v43 =	vperm.xlane v18, v6;
	v20 =	vadd.s32 v4, v42;
	_ =	sdelay $0x1  }
0x3db: {  	s26 =	sadd.s32 $0x800, s17;
	v44 =	vperm.xlane v18, v3;
	v21 =	vadd.s32 v4, v43  }
0x3dc: {  	[tilespmem:s26], [sflag:$0x1] =	stream.indirect_vreg.gather [hbm4b:s12+s2], $0x80, v19, vm0, $0xb8;
	[tilespmem:$0x18900] =	vst v63  }
0x3dd: {  	s29 =	sadd.s32 $0x880, s17;
	v45 =	vperm.xlane v18, v7;
	v19 =	vadd.s32 v4, v44  }
0x3de: {  	[tilespmem:s29], [sflag:$0x1] =	stream.indirect_vreg.gather [hbm4b:s12+s2], $0x80, v20, vm0, $0xb8;
	[tilespmem:$0x18900] =	vst v63  }
0x3df: {  	s31 =	sadd.s32 $0x900, s17;
	v47 =	vperm.xlane v18, v8;
	v46 =	vadd.s32 v4, v45  }
0x3e0: {  	[tilespmem:s31], [sflag:$0x1] =	stream.indirect_vreg.gather [hbm4b:s12+s2], $0x80, v21, vm0, $0xb8;
	[tilespmem:$0x18900] =	vst v63  }
0x3e1: {  	s24 =	sadd.s32 $0x980, s17;
	v49 =	vperm.xlane v18, v9;
	v48 =	vadd.s32 v4, v47  }
0x3e2: {  	[tilespmem:s24], [sflag:$0x1] =	stream.indirect_vreg.gather [hbm4b:s12+s2], $0x80, v19, vm0, $0xb8;
	[tilespmem:$0x18900] =	vst v63  }
0x3e3: {  	v50 =	vperm.xlane v18, v2;
	s26 =	sadd.s32 $0xA00, s17;
	v19 =	vadd.s32 v4, v49  }
0x3e4: {  	[tilespmem:s26], [sflag:$0x1] =	stream.indirect_vreg.gather [hbm4b:s12+s2], $0x80, v46, vm0, $0xb8;
	[tilespmem:$0x18900] =	vst v63  }
0x3e5: {  	v52 =	vperm.xlane v18, v10;
	v51 =	vadd.s32 v4, v50;
	s29 =	sadd.s32 $0xA80, s17  }
0x3e6: {  	[tilespmem:s29], [sflag:$0x1] =	stream.indirect_vreg.gather [hbm4b:s12+s2], $0x80, v48, vm0, $0xb8;
	[tilespmem:$0x18900] =	vst v63  }
0x3e7: {  	v54 =	vperm.xlane v18, v11;
	v53 =	vadd.s32 v4, v52;
	s31 =	sadd.s32 $0xB00, s17  }
0x3e8: {  	[tilespmem:s31], [sflag:$0x1] =	stream.indirect_vreg.gather [hbm4b:s12+s2], $0x80, v19, vm0, $0xb8;
	[tilespmem:$0x18900] =	vst v63  }
0x3e9: {  	v55 =	vperm.xlane v18, v12;
	s24 =	sadd.s32 $0xB80, s17;
	v19 =	vadd.s32 v4, v54  }
0x3ea: {  	[tilespmem:s24], [sflag:$0x1] =	stream.indirect_vreg.gather [hbm4b:s12+s2], $0x80, v51, vm0, $0xb8;
	[tilespmem:$0x18900] =	vst v63  }
0x3eb: {  	v57 =	vperm.xlane v18, v13;
	v56 =	vadd.s32 v4, v55;
	s26 =	sadd.s32 $0xC00, s17  }
0x3ec: {  	[tilespmem:s26], [sflag:$0x1] =	stream.indirect_vreg.gather [hbm4b:s12+s2], $0x80, v53, vm0, $0xb8;
	[tilespmem:$0x18900] =	vst v63  }
0x3ed: {  	v59 =	vperm.xlane v18, v14;
	v58 =	vadd.s32 v4, v57;
	s29 =	sadd.s32 $0xC80, s17  }
0x3ee: {  	[tilespmem:s29], [sflag:$0x1] =	stream.indirect_vreg.gather [hbm4b:s12+s2], $0x80, v19, vm0, $0xb8;
	[tilespmem:$0x18900] =	vst v63  }
0x3ef: {  	v60 =	vperm.xlane v18, v15;
	s31 =	sadd.s32 $0xD00, s17;
	v19 =	vadd.s32 v4, v59  }
0x3f0: {  	[tilespmem:s31], [sflag:$0x1] =	stream.indirect_vreg.gather [hbm4b:s12+s2], $0x80, v56, vm0, $0xb8;
	[tilespmem:$0x18900] =	vst v63  }
0x3f1: {  	v61 =	vadd.s32 v4, v60;
	s24 =	sadd.s32 $0xD80, s17  }
0x3f2: {  	v62 =	vperm.xlane v18, v16;
	[tilespmem:s24], [sflag:$0x1] =	stream.indirect_vreg.gather [hbm4b:s12+s2], $0x80, v58, vm0, $0xb8;
	[tilespmem:$0x18900] =	vst v63  }
0x3f3: {  	s26 =	sadd.s32 $0xE00, s17  }
0x3f4: {  	v18 =	vperm.xlane v18, v17;
	v63 =	vadd.s32 v4, v62;
	[tilespmem:s26], [sflag:$0x1] =	stream.indirect_vreg.gather [hbm4b:s12+s2], $0x80, v19, vm0, $0xb8;
	[tilespmem:$0x18900] =	vst v63  }
0x3f5: {  	s29 =	sadd.s32 $0xE80, s17  }
0x3f6: {  	v18 =	vadd.s32 v4, v18;
	[tilespmem:s29], [sflag:$0x1] =	stream.indirect_vreg.gather [hbm4b:s12+s2], $0x80, v61, vm0, $0xb8;
	[tilespmem:$0x18900] =	vst v63  }
.Ltmp33:
0x3f7: {  	_ = 	snop;
	(pc) =	sbr.rel .LBB2_36-.Ltmp33, $4  }
0x3f8: {  	s31 =	sadd.s32 $0xF00, s17  }
0x3f9: {  	[tilespmem:s31], [sflag:$0x1] =	stream.indirect_vreg.gather [hbm4b:s12+s2], $0x80, v63, vm0, $0xb8;
	[tilespmem:$0x18900] =	vst v63  }
0x3fa: {  	s17 =	sadd.s32 $0xF80, s17  }
0x3fb: {  	[tilespmem:s17], [sflag:$0x1] =	stream.indirect_vreg.gather [hbm4b:s12+s2], $0x80, v18, vm0, $0xb8;
	[tilespmem:$0x18900] =	vst v63  }
.LBB2_37:
0x3fc: {  	s1 =	rddreg [dreg:$0x11]  }
0x3fd: {  	p0 =	slt.s32 s1, $0x20  }
0x3fe: {  	s1 =	simm.s32 @!p0 $0x1  }
0x3ff: {  	_ =	swait.ge @!p0 [sflag:s1], $0x1000  }
0x400: {  	p1 =	slt.s32 s19, $0x21;
	[sflag:s1] =	ssyncset.done @!p0 $0x0  }
0x401: {  	[sflag:s1] =	ssyncadd.s32 @!p0 $0xFFFFF000;
	s1 =	simm.s32 @!p1 $0x1  }
0x402: {  	p0 =	slt.u32 @!p1 s19, $0x41;
	_ =	swait.ge @!p1 [sflag:s1], $0x1000  }
0x403: {  	p0 =	por p1, p0;
	[sflag:s1] =	ssyncset.done @!p1 $0x0  }
0x404: {  	[sflag:s1] =	ssyncadd.s32 @!p1 $0xFFFFF000;
	s1 =	simm.s32 @!p0 $0x1  }
0x405: {  	p1 =	slt.u32 @!p0 s19, $0x61;
	_ =	swait.ge @!p0 [sflag:s1], $0x1000  }
0x406: {  	p1 =	por p0, p1;
	[sflag:s1] =	ssyncset.done @!p0 $0x0  }
0x407: {  	[sflag:s1] =	ssyncadd.s32 @!p0 $0xFFFFF000;
	s1 =	simm.s32 @!p1 $0x1  }
0x408: {  	p0 =	slt.u32 @!p1 s19, $0x81;
	_ =	swait.ge @!p1 [sflag:s1], $0x1000  }
0x409: {  	p0 =	por p1, p0;
	[sflag:s1] =	ssyncset.done @!p1 $0x0  }
0x40a: {  	[sflag:s1] =	ssyncadd.s32 @!p1 $0xFFFFF000;
	s1 =	simm.s32 @!p0 $0x1  }
0x40b: {  	p1 =	slt.u32 @!p0 s19, $0xA1;
	_ =	swait.ge @!p0 [sflag:s1], $0x1000  }
0x40c: {  	p1 =	por p0, p1;
	[sflag:s1] =	ssyncset.done @!p0 $0x0  }
0x40d: {  	[sflag:s1] =	ssyncadd.s32 @!p0 $0xFFFFF000;
	s1 =	simm.s32 @!p1 $0x1  }
0x40e: {  	p0 =	slt.u32 @!p1 s19, $0xC1;
	_ =	swait.ge @!p1 [sflag:s1], $0x1000  }
0x40f: {  	p0 =	por p1, p0;
	[sflag:s1] =	ssyncset.done @!p1 $0x0  }
0x410: {  	[sflag:s1] =	ssyncadd.s32 @!p1 $0xFFFFF000;
	s1 =	simm.s32 @!p0 $0x1  }
0x411: {  	p1 =	slt.u32 @!p0 s19, $0xE1;
	_ =	swait.ge @!p0 [sflag:s1], $0x1000  }
0x412: {  	p1 =	por p0, p1;
	[sflag:s1] =	ssyncset.done @!p0 $0x0  }
0x413: {  	[sflag:s1] =	ssyncadd.s32 @!p0 $0xFFFFF000;
	s1 =	simm.s32 @!p1 $0x1  }
0x414: {  	p0 =	slt.u32 @!p1 s19, $0x101;
	_ =	swait.ge @!p1 [sflag:s1], $0x1000  }
0x415: {  	p0 =	por p1, p0;
	[sflag:s1] =	ssyncset.done @!p1 $0x0  }
0x416: {  	[sflag:s1] =	ssyncadd.s32 @!p1 $0xFFFFF000;
	s1 =	simm.s32 @!p0 $0x1  }
0x417: {  	p1 =	slt.u32 @!p0 s19, $0x121;
	_ =	swait.ge @!p0 [sflag:s1], $0x1000  }
0x418: {  	p1 =	por p0, p1;
	[sflag:s1] =	ssyncset.done @!p0 $0x0  }
0x419: {  	[sflag:s1] =	ssyncadd.s32 @!p0 $0xFFFFF000;
	p0 =	slt.u32 @!p1 s19, $0x141  }
0x41a: {  	p0 =	por p1, p0  }
.Ltmp34:
0x41b: {  	_ = 	snop;
	(pc) =	sbr.rel @p0 .LBB2_39-.Ltmp34, $4  }
0x41c: {  	s1 =	simm.s32 @!p1 $0x1  }
0x41d: {  	_ =	swait.ge @!p1 [sflag:s1], $0x1000  }
0x41e: {  	[sflag:s1] =	ssyncset.done @!p1 $0x0  }
0x41f: {  	s3 =	simm.s32 $0x1;
	[sflag:s1] =	ssyncadd.s32 @!p1 $0xFFFFF000  }
0x420: {  	p0 =	slt.u32 s19, $0x161  }
0x421: {  	p1 =	slt.u32 @!p0 s19, $0x181  }
0x422: {  	p2 =	por p1, p0  }
0x423: {  	_ =	swait.ge [sflag:s3], $0x1000;
	p3 =	slt.u32 @!p2 s19, $0x1A1  }
0x424: {  	[sflag:s3] =	ssyncset.done $0x0;
	s5 =	simm.s32 @!p3 $0x0;
	p4 =	por @!p0 p3, p1  }
0x425: {  	s1 =	simm.s32 @!p0 $0x1;
	s5 =	simm.s32 @p3 $0x1;
	p4 =	por p4, p0  }
0x426: {  	[sflag:s3] =	ssyncadd.s32 $0xFFFFF000;
	[smem:$0x7FD] =	sst s5;
	p5 =	slt.u32 @!p4 s19, $0x1C1  }
0x427: {  	_ =	swait.ge @!p0 [sflag:s1], $0x1000;
	s5 =	simm.s32 @!p5 $0x0  }
0x428: {  	[sflag:s1] =	ssyncset.done @!p0 $0x0;
	s5 =	simm.s32 @p5 $0x1  }
0x429: {  	[sflag:s1] =	ssyncadd.s32 @!p0 $0xFFFFF000;
	s1 =	simm.s32 @!p2 $0x1;
	[smem:$0x7FC] =	sst s5  }
0x42a: {  	_ =	swait.ge @!p2 [sflag:s1], $0x1000  }
0x42b: {  	[sflag:s1] =	ssyncset.done @!p2 $0x0  }
0x42c: {  	[sflag:s1] =	ssyncadd.s32 @!p2 $0xFFFFF000;
	s1 =	simm.s32 @!p4 $0x1  }
0x42d: {  	_ =	swait.ge @!p4 [sflag:s1], $0x1000  }
0x42e: {  	p6 =	por @!p2 p5, p3;
	s29 =	sld [smem:$0x7FC]  }
0x42f: {  	p6 =	por @!p0 p6, p1;
	s31 =	sld [smem:$0x7FD]  }
0x430: {  	p6 =	por p6, p0  }
0x431: {  	p5 =	slt.u32 @!p6 s19, $0x1E1;
	p3 =	seq.s32 s29, $0x1  }
0x432: {  	[sflag:s1] =	ssyncset.done @!p4 $0x0;
	p5 =	por @!p4 p5, p3;
	p3 =	seq.s32 s31, $0x1  }
0x433: {  	[sflag:s1] =	ssyncadd.s32 @!p4 $0xFFFFF000;
	s1 =	simm.s32 @!p6 $0x1;
	p2 =	por @!p2 p5, p3  }
0x434: {  	_ =	swait.ge @!p6 [sflag:s1], $0x1000;
	p1 =	por @!p0 p2, p1  }
0x435: {  	[sflag:s1] =	ssyncset.done @!p6 $0x0;
	p0 =	por p1, p0  }
0x436: {  	[sflag:s1] =	ssyncadd.s32 @!p6 $0xFFFFF000;
	s1 =	simm.s32 @!p0 $0x1  }
0x437: {  	_ =	swait.ge @!p0 [sflag:s1], $0x1000  }
0x438: {  	[sflag:s1] =	ssyncset.done @!p0 $0x0  }
0x439: {  	[sflag:s1] =	ssyncadd.s32 @!p0 $0xFFFFF000  }
.LBB2_39:
0x43a: {  	s1 =	rddreg [dreg:$0x10]  }
0x43b: {  	p0 =	slt.s32 s1, $0x20  }
0x43c: {  	s1 =	simm.s32 @!p0 $0x1  }
0x43d: {  	_ =	swait.ge @!p0 [sflag:s1], $0x1000  }
0x43e: {  	p1 =	slt.s32 s0, $0x21;
	[sflag:s1] =	ssyncset.done @!p0 $0x0  }
0x43f: {  	[sflag:s1] =	ssyncadd.s32 @!p0 $0xFFFFF000;
	s1 =	simm.s32 @!p1 $0x1  }
0x440: {  	p0 =	slt.u32 @!p1 s0, $0x41;
	_ =	swait.ge @!p1 [sflag:s1], $0x1000  }
0x441: {  	p0 =	por p1, p0;
	[sflag:s1] =	ssyncset.done @!p1 $0x0  }
0x442: {  	[sflag:s1] =	ssyncadd.s32 @!p1 $0xFFFFF000;
	s1 =	simm.s32 @!p0 $0x1  }
0x443: {  	p1 =	slt.u32 @!p0 s0, $0x61;
	_ =	swait.ge @!p0 [sflag:s1], $0x1000  }
0x444: {  	p1 =	por p0, p1;
	[sflag:s1] =	ssyncset.done @!p0 $0x0  }
0x445: {  	[sflag:s1] =	ssyncadd.s32 @!p0 $0xFFFFF000;
	s1 =	simm.s32 @!p1 $0x1  }
0x446: {  	p0 =	slt.u32 @!p1 s0, $0x81;
	_ =	swait.ge @!p1 [sflag:s1], $0x1000  }
0x447: {  	p0 =	por p1, p0;
	[sflag:s1] =	ssyncset.done @!p1 $0x0  }
0x448: {  	[sflag:s1] =	ssyncadd.s32 @!p1 $0xFFFFF000;
	s1 =	simm.s32 @!p0 $0x1  }
0x449: {  	p1 =	slt.u32 @!p0 s0, $0xA1;
	_ =	swait.ge @!p0 [sflag:s1], $0x1000  }
0x44a: {  	p1 =	por p0, p1;
	[sflag:s1] =	ssyncset.done @!p0 $0x0  }
0x44b: {  	[sflag:s1] =	ssyncadd.s32 @!p0 $0xFFFFF000;
	s1 =	simm.s32 @!p1 $0x1  }
0x44c: {  	p0 =	slt.u32 @!p1 s0, $0xC1;
	_ =	swait.ge @!p1 [sflag:s1], $0x1000  }
0x44d: {  	p0 =	por p1, p0;
	[sflag:s1] =	ssyncset.done @!p1 $0x0  }
0x44e: {  	[sflag:s1] =	ssyncadd.s32 @!p1 $0xFFFFF000;
	s1 =	simm.s32 @!p0 $0x1  }
0x44f: {  	p1 =	slt.u32 @!p0 s0, $0xE1;
	_ =	swait.ge @!p0 [sflag:s1], $0x1000  }
0x450: {  	p1 =	por p0, p1;
	[sflag:s1] =	ssyncset.done @!p0 $0x0  }
0x451: {  	[sflag:s1] =	ssyncadd.s32 @!p0 $0xFFFFF000;
	s1 =	simm.s32 @!p1 $0x1  }
0x452: {  	p0 =	slt.u32 @!p1 s0, $0x101;
	_ =	swait.ge @!p1 [sflag:s1], $0x1000  }
0x453: {  	p0 =	por p1, p0;
	[sflag:s1] =	ssyncset.done @!p1 $0x0  }
0x454: {  	[sflag:s1] =	ssyncadd.s32 @!p1 $0xFFFFF000;
	s1 =	simm.s32 @!p0 $0x1  }
0x455: {  	p1 =	slt.u32 @!p0 s0, $0x121;
	_ =	swait.ge @!p0 [sflag:s1], $0x1000  }
0x456: {  	p1 =	por p0, p1;
	[sflag:s1] =	ssyncset.done @!p0 $0x0  }
0x457: {  	[sflag:s1] =	ssyncadd.s32 @!p0 $0xFFFFF000;
	p0 =	slt.u32 @!p1 s0, $0x141  }
0x458: {  	p0 =	por p1, p0  }
.Ltmp35:
0x459: {  	_ = 	snop;
	(pc) =	sbr.rel @p0 .LBB2_41-.Ltmp35, $4  }
0x45a: {  	s1 =	simm.s32 @!p1 $0x1  }
0x45b: {  	_ =	swait.ge @!p1 [sflag:s1], $0x1000  }
0x45c: {  	[sflag:s1] =	ssyncset.done @!p1 $0x0  }
0x45d: {  	[sflag:s1] =	ssyncadd.s32 @!p1 $0xFFFFF000  }
0x45e: {  	p0 =	slt.u32 s0, $0x161  }
0x45f: {  	p1 =	slt.u32 @!p0 s0, $0x181  }
0x460: {  	p2 =	por p1, p0  }
0x461: {  	_ =	swait.ge [sflag:s3], $0x1000;
	p3 =	slt.u32 @!p2 s0, $0x1A1  }
0x462: {  	[sflag:s3] =	ssyncset.done $0x0;
	s5 =	simm.s32 @!p3 $0x0;
	p4 =	por @!p0 p3, p1  }
0x463: {  	s1 =	simm.s32 @!p0 $0x1;
	s5 =	simm.s32 @p3 $0x1;
	p4 =	por p4, p0  }
0x464: {  	[sflag:s3] =	ssyncadd.s32 $0xFFFFF000;
	[smem:$0x7FB] =	sst s5;
	p5 =	slt.u32 @!p4 s0, $0x1C1  }
0x465: {  	_ =	swait.ge @!p0 [sflag:s1], $0x1000;
	s5 =	simm.s32 @!p5 $0x0  }
0x466: {  	[sflag:s1] =	ssyncset.done @!p0 $0x0;
	s5 =	simm.s32 @p5 $0x1  }
0x467: {  	[sflag:s1] =	ssyncadd.s32 @!p0 $0xFFFFF000;
	s1 =	simm.s32 @!p2 $0x1;
	[smem:$0x7FA] =	sst s5  }
0x468: {  	_ =	swait.ge @!p2 [sflag:s1], $0x1000  }
0x469: {  	[sflag:s1] =	ssyncset.done @!p2 $0x0  }
0x46a: {  	[sflag:s1] =	ssyncadd.s32 @!p2 $0xFFFFF000;
	s1 =	simm.s32 @!p4 $0x1  }
0x46b: {  	_ =	swait.ge @!p4 [sflag:s1], $0x1000  }
0x46c: {  	p6 =	por @!p2 p5, p3;
	s29 =	sld [smem:$0x7FA]  }
0x46d: {  	p6 =	por @!p0 p6, p1;
	s31 =	sld [smem:$0x7FB]  }
0x46e: {  	p6 =	por p6, p0  }
0x46f: {  	p5 =	slt.u32 @!p6 s0, $0x1E1;
	p3 =	seq.s32 s29, $0x1  }
0x470: {  	[sflag:s1] =	ssyncset.done @!p4 $0x0;
	p5 =	por @!p4 p5, p3;
	p3 =	seq.s32 s31, $0x1  }
0x471: {  	s0 =	simm.s32 @!p6 $0x1;
	[sflag:s1] =	ssyncadd.s32 @!p4 $0xFFFFF000;
	p2 =	por @!p2 p5, p3  }
0x472: {  	_ =	swait.ge @!p6 [sflag:s0], $0x1000;
	p1 =	por @!p0 p2, p1  }
0x473: {  	[sflag:s0] =	ssyncset.done @!p6 $0x0;
	p0 =	por p1, p0  }
0x474: {  	[sflag:s0] =	ssyncadd.s32 @!p6 $0xFFFFF000;
	s0 =	simm.s32 @!p0 $0x1  }
0x475: {  	_ =	swait.ge @!p0 [sflag:s0], $0x1000  }
0x476: {  	[sflag:s0] =	ssyncset.done @!p0 $0x0  }
0x477: {  	[sflag:s0] =	ssyncadd.s32 @!p0 $0xFFFFF000  }
.LBB2_41:
0x478: {  	s0 =	rddreg [dreg:$0xf]  }
0x479: {  	p0 =	slt.s32 s0, $0x20  }
0x47a: {  	s0 =	simm.s32 @!p0 $0x1  }
0x47b: {  	_ =	swait.ge @!p0 [sflag:s0], $0x1000  }
0x47c: {  	p1 =	slt.s32 s30, $0x21;
	[sflag:s0] =	ssyncset.done @!p0 $0x0  }
0x47d: {  	[sflag:s0] =	ssyncadd.s32 @!p0 $0xFFFFF000;
	s0 =	simm.s32 @!p1 $0x1  }
0x47e: {  	p0 =	slt.u32 @!p1 s30, $0x41;
	_ =	swait.ge @!p1 [sflag:s0], $0x1000  }
0x47f: {  	p0 =	por p1, p0;
	[sflag:s0] =	ssyncset.done @!p1 $0x0  }
0x480: {  	[sflag:s0] =	ssyncadd.s32 @!p1 $0xFFFFF000;
	s0 =	simm.s32 @!p0 $0x1  }
0x481: {  	p1 =	slt.u32 @!p0 s30, $0x61;
	_ =	swait.ge @!p0 [sflag:s0], $0x1000  }
0x482: {  	p1 =	por p0, p1;
	[sflag:s0] =	ssyncset.done @!p0 $0x0  }
0x483: {  	[sflag:s0] =	ssyncadd.s32 @!p0 $0xFFFFF000;
	s0 =	simm.s32 @!p1 $0x1  }
0x484: {  	p0 =	slt.u32 @!p1 s30, $0x81;
	_ =	swait.ge @!p1 [sflag:s0], $0x1000  }
0x485: {  	p0 =	por p1, p0;
	[sflag:s0] =	ssyncset.done @!p1 $0x0  }
0x486: {  	[sflag:s0] =	ssyncadd.s32 @!p1 $0xFFFFF000;
	s0 =	simm.s32 @!p0 $0x1  }
0x487: {  	p1 =	slt.u32 @!p0 s30, $0xA1;
	_ =	swait.ge @!p0 [sflag:s0], $0x1000  }
0x488: {  	p1 =	por p0, p1;
	[sflag:s0] =	ssyncset.done @!p0 $0x0  }
0x489: {  	[sflag:s0] =	ssyncadd.s32 @!p0 $0xFFFFF000;
	s0 =	simm.s32 @!p1 $0x1  }
0x48a: {  	p0 =	slt.u32 @!p1 s30, $0xC1;
	_ =	swait.ge @!p1 [sflag:s0], $0x1000  }
0x48b: {  	p0 =	por p1, p0;
	[sflag:s0] =	ssyncset.done @!p1 $0x0  }
0x48c: {  	[sflag:s0] =	ssyncadd.s32 @!p1 $0xFFFFF000;
	s0 =	simm.s32 @!p0 $0x1  }
0x48d: {  	p1 =	slt.u32 @!p0 s30, $0xE1;
	_ =	swait.ge @!p0 [sflag:s0], $0x1000  }
0x48e: {  	p1 =	por p0, p1;
	[sflag:s0] =	ssyncset.done @!p0 $0x0  }
0x48f: {  	[sflag:s0] =	ssyncadd.s32 @!p0 $0xFFFFF000;
	s0 =	simm.s32 @!p1 $0x1  }
0x490: {  	p0 =	slt.u32 @!p1 s30, $0x101;
	_ =	swait.ge @!p1 [sflag:s0], $0x1000  }
0x491: {  	p0 =	por p1, p0;
	[sflag:s0] =	ssyncset.done @!p1 $0x0  }
0x492: {  	[sflag:s0] =	ssyncadd.s32 @!p1 $0xFFFFF000;
	s0 =	simm.s32 @!p0 $0x1  }
0x493: {  	p1 =	slt.u32 @!p0 s30, $0x121;
	_ =	swait.ge @!p0 [sflag:s0], $0x1000  }
0x494: {  	p1 =	por p0, p1;
	[sflag:s0] =	ssyncset.done @!p0 $0x0  }
0x495: {  	[sflag:s0] =	ssyncadd.s32 @!p0 $0xFFFFF000;
	p0 =	slt.u32 @!p1 s30, $0x141  }
0x496: {  	p0 =	por p1, p0  }
.Ltmp36:
0x497: {  	_ = 	snop;
	(pc) =	sbr.rel @p0 .LBB2_43-.Ltmp36, $4  }
0x498: {  	s0 =	simm.s32 @!p1 $0x1  }
0x499: {  	_ =	swait.ge @!p1 [sflag:s0], $0x1000  }
0x49a: {  	[sflag:s0] =	ssyncset.done @!p1 $0x0  }
0x49b: {  	[sflag:s0] =	ssyncadd.s32 @!p1 $0xFFFFF000  }
0x49c: {  	p0 =	slt.u32 s30, $0x161  }
0x49d: {  	p1 =	slt.u32 @!p0 s30, $0x181  }
0x49e: {  	p2 =	por p1, p0  }
0x49f: {  	_ =	swait.ge [sflag:s3], $0x1000;
	p3 =	slt.u32 @!p2 s30, $0x1A1  }
0x4a0: {  	[sflag:s3] =	ssyncset.done $0x0;
	s1 =	simm.s32 @!p3 $0x0;
	p4 =	por @!p0 p3, p1  }
0x4a1: {  	s0 =	simm.s32 @!p0 $0x1;
	s1 =	simm.s32 @p3 $0x1;
	p4 =	por p4, p0  }
0x4a2: {  	[sflag:s3] =	ssyncadd.s32 $0xFFFFF000;
	[smem:$0x7F9] =	sst s1;
	p5 =	slt.u32 @!p4 s30, $0x1C1  }
0x4a3: {  	_ =	swait.ge @!p0 [sflag:s0], $0x1000;
	s1 =	simm.s32 @!p5 $0x0  }
0x4a4: {  	[sflag:s0] =	ssyncset.done @!p0 $0x0;
	s1 =	simm.s32 @p5 $0x1  }
0x4a5: {  	[sflag:s0] =	ssyncadd.s32 @!p0 $0xFFFFF000;
	s0 =	simm.s32 @!p2 $0x1;
	[smem:$0x7F8] =	sst s1  }
0x4a6: {  	_ =	swait.ge @!p2 [sflag:s0], $0x1000  }
0x4a7: {  	p6 =	por @!p2 p5, p3;
	[sflag:s0] =	ssyncset.done @!p2 $0x0  }
0x4a8: {  	p6 =	por @!p0 p6, p1;
	[sflag:s0] =	ssyncadd.s32 @!p2 $0xFFFFF000;
	s0 =	simm.s32 @!p4 $0x1  }
0x4a9: {  	p6 =	por p6, p0;
	_ =	swait.ge @!p4 [sflag:s0], $0x1000  }
0x4aa: {  	p5 =	slt.u32 @!p6 s30, $0x1E1;
	s30 =	sld [smem:$0x7F8]  }
0x4ab: {  	s31 =	sld [smem:$0x7F9];
	_ =	sdelay $0x1  }
0x4ac: {  	p3 =	seq.s32 s30, $0x1  }
0x4ad: {  	[sflag:s0] =	ssyncset.done @!p4 $0x0;
	p5 =	por @!p4 p5, p3;
	p3 =	seq.s32 s31, $0x1  }
0x4ae: {  	[sflag:s0] =	ssyncadd.s32 @!p4 $0xFFFFF000;
	s0 =	simm.s32 @!p6 $0x1;
	p2 =	por @!p2 p5, p3  }
0x4af: {  	_ =	swait.ge @!p6 [sflag:s0], $0x1000;
	p1 =	por @!p0 p2, p1  }
0x4b0: {  	[sflag:s0] =	ssyncset.done @!p6 $0x0;
	p0 =	por p1, p0  }
0x4b1: {  	[sflag:s0] =	ssyncadd.s32 @!p6 $0xFFFFF000;
	s0 =	simm.s32 @!p0 $0x1  }
0x4b2: {  	_ =	swait.ge @!p0 [sflag:s0], $0x1000  }
0x4b3: {  	[sflag:s0] =	ssyncset.done @!p0 $0x0  }
0x4b4: {  	[sflag:s0] =	ssyncadd.s32 @!p0 $0xFFFFF000  }
.LBB2_43:
0x4b5: {  	s0 =	rddreg [dreg:$0xe]  }
0x4b6: {  	p0 =	slt.s32 s0, $0x20  }
0x4b7: {  	s0 =	simm.s32 @!p0 $0x1  }
0x4b8: {  	_ =	swait.ge @!p0 [sflag:s0], $0x1000  }
0x4b9: {  	p1 =	slt.s32 s28, $0x21;
	[sflag:s0] =	ssyncset.done @!p0 $0x0  }
0x4ba: {  	[sflag:s0] =	ssyncadd.s32 @!p0 $0xFFFFF000;
	s0 =	simm.s32 @!p1 $0x1  }
0x4bb: {  	p0 =	slt.u32 @!p1 s28, $0x41;
	_ =	swait.ge @!p1 [sflag:s0], $0x1000  }
0x4bc: {  	p0 =	por p1, p0;
	[sflag:s0] =	ssyncset.done @!p1 $0x0  }
0x4bd: {  	[sflag:s0] =	ssyncadd.s32 @!p1 $0xFFFFF000;
	s0 =	simm.s32 @!p0 $0x1  }
0x4be: {  	p1 =	slt.u32 @!p0 s28, $0x61;
	_ =	swait.ge @!p0 [sflag:s0], $0x1000  }
0x4bf: {  	p1 =	por p0, p1;
	[sflag:s0] =	ssyncset.done @!p0 $0x0  }
0x4c0: {  	[sflag:s0] =	ssyncadd.s32 @!p0 $0xFFFFF000;
	s0 =	simm.s32 @!p1 $0x1  }
0x4c1: {  	p0 =	slt.u32 @!p1 s28, $0x81;
	_ =	swait.ge @!p1 [sflag:s0], $0x1000  }
0x4c2: {  	p0 =	por p1, p0;
	[sflag:s0] =	ssyncset.done @!p1 $0x0  }
0x4c3: {  	[sflag:s0] =	ssyncadd.s32 @!p1 $0xFFFFF000;
	s0 =	simm.s32 @!p0 $0x1  }
0x4c4: {  	p1 =	slt.u32 @!p0 s28, $0xA1;
	_ =	swait.ge @!p0 [sflag:s0], $0x1000  }
0x4c5: {  	p1 =	por p0, p1;
	[sflag:s0] =	ssyncset.done @!p0 $0x0  }
0x4c6: {  	[sflag:s0] =	ssyncadd.s32 @!p0 $0xFFFFF000;
	s0 =	simm.s32 @!p1 $0x1  }
0x4c7: {  	p0 =	slt.u32 @!p1 s28, $0xC1;
	_ =	swait.ge @!p1 [sflag:s0], $0x1000  }
0x4c8: {  	p0 =	por p1, p0;
	[sflag:s0] =	ssyncset.done @!p1 $0x0  }
0x4c9: {  	[sflag:s0] =	ssyncadd.s32 @!p1 $0xFFFFF000;
	s0 =	simm.s32 @!p0 $0x1  }
0x4ca: {  	p1 =	slt.u32 @!p0 s28, $0xE1;
	_ =	swait.ge @!p0 [sflag:s0], $0x1000  }
0x4cb: {  	p1 =	por p0, p1;
	[sflag:s0] =	ssyncset.done @!p0 $0x0  }
0x4cc: {  	[sflag:s0] =	ssyncadd.s32 @!p0 $0xFFFFF000;
	s0 =	simm.s32 @!p1 $0x1  }
0x4cd: {  	p0 =	slt.u32 @!p1 s28, $0x101;
	_ =	swait.ge @!p1 [sflag:s0], $0x1000  }
0x4ce: {  	p0 =	por p1, p0;
	[sflag:s0] =	ssyncset.done @!p1 $0x0  }
0x4cf: {  	[sflag:s0] =	ssyncadd.s32 @!p1 $0xFFFFF000;
	s0 =	simm.s32 @!p0 $0x1  }
0x4d0: {  	p1 =	slt.u32 @!p0 s28, $0x121;
	_ =	swait.ge @!p0 [sflag:s0], $0x1000  }
0x4d1: {  	p1 =	por p0, p1;
	[sflag:s0] =	ssyncset.done @!p0 $0x0  }
0x4d2: {  	[sflag:s0] =	ssyncadd.s32 @!p0 $0xFFFFF000;
	p0 =	slt.u32 @!p1 s28, $0x141  }
0x4d3: {  	p0 =	por p1, p0  }
.Ltmp37:
0x4d4: {  	_ = 	snop;
	(pc) =	sbr.rel @p0 .LBB2_45-.Ltmp37, $4  }
0x4d5: {  	s0 =	simm.s32 @!p1 $0x1  }
0x4d6: {  	_ =	swait.ge @!p1 [sflag:s0], $0x1000  }
0x4d7: {  	[sflag:s0] =	ssyncset.done @!p1 $0x0  }
0x4d8: {  	[sflag:s0] =	ssyncadd.s32 @!p1 $0xFFFFF000  }
0x4d9: {  	p0 =	slt.u32 s28, $0x161  }
0x4da: {  	p1 =	slt.u32 @!p0 s28, $0x181  }
0x4db: {  	p2 =	por p1, p0  }
0x4dc: {  	_ =	swait.ge [sflag:s3], $0x1000;
	p3 =	slt.u32 @!p2 s28, $0x1A1  }
0x4dd: {  	[sflag:s3] =	ssyncset.done $0x0;
	s1 =	simm.s32 @!p3 $0x0;
	p4 =	por @!p0 p3, p1  }
0x4de: {  	s0 =	simm.s32 @!p0 $0x1;
	s1 =	simm.s32 @p3 $0x1;
	p4 =	por p4, p0  }
0x4df: {  	[sflag:s3] =	ssyncadd.s32 $0xFFFFF000;
	[smem:$0x7F7] =	sst s1;
	p5 =	slt.u32 @!p4 s28, $0x1C1  }
0x4e0: {  	_ =	swait.ge @!p0 [sflag:s0], $0x1000;
	s1 =	simm.s32 @!p5 $0x0  }
0x4e1: {  	[sflag:s0] =	ssyncset.done @!p0 $0x0;
	s1 =	simm.s32 @p5 $0x1  }
0x4e2: {  	[sflag:s0] =	ssyncadd.s32 @!p0 $0xFFFFF000;
	s0 =	simm.s32 @!p2 $0x1;
	[smem:$0x7F6] =	sst s1  }
0x4e3: {  	_ =	swait.ge @!p2 [sflag:s0], $0x1000  }
0x4e4: {  	[sflag:s0] =	ssyncset.done @!p2 $0x0  }
0x4e5: {  	[sflag:s0] =	ssyncadd.s32 @!p2 $0xFFFFF000;
	s0 =	simm.s32 @!p4 $0x1  }
0x4e6: {  	_ =	swait.ge @!p4 [sflag:s0], $0x1000  }
0x4e7: {  	p6 =	por @!p2 p5, p3;
	s30 =	sld [smem:$0x7F6]  }
0x4e8: {  	p6 =	por @!p0 p6, p1;
	s31 =	sld [smem:$0x7F7]  }
0x4e9: {  	p6 =	por p6, p0  }
0x4ea: {  	p5 =	slt.u32 @!p6 s28, $0x1E1;
	p3 =	seq.s32 s30, $0x1  }
0x4eb: {  	[sflag:s0] =	ssyncset.done @!p4 $0x0;
	p5 =	por @!p4 p5, p3;
	p3 =	seq.s32 s31, $0x1  }
0x4ec: {  	[sflag:s0] =	ssyncadd.s32 @!p4 $0xFFFFF000;
	s0 =	simm.s32 @!p6 $0x1;
	p2 =	por @!p2 p5, p3  }
0x4ed: {  	_ =	swait.ge @!p6 [sflag:s0], $0x1000;
	p1 =	por @!p0 p2, p1  }
0x4ee: {  	[sflag:s0] =	ssyncset.done @!p6 $0x0;
	p0 =	por p1, p0  }
0x4ef: {  	[sflag:s0] =	ssyncadd.s32 @!p6 $0xFFFFF000;
	s0 =	simm.s32 @!p0 $0x1  }
0x4f0: {  	_ =	swait.ge @!p0 [sflag:s0], $0x1000  }
0x4f1: {  	[sflag:s0] =	ssyncset.done @!p0 $0x0  }
0x4f2: {  	[sflag:s0] =	ssyncadd.s32 @!p0 $0xFFFFF000  }
.LBB2_45:
0x4f3: {  	s0 =	rddreg [dreg:$0xd]  }
0x4f4: {  	p0 =	slt.s32 s0, $0x20  }
0x4f5: {  	s0 =	simm.s32 @!p0 $0x1  }
0x4f6: {  	_ =	swait.ge @!p0 [sflag:s0], $0x1000  }
0x4f7: {  	p1 =	slt.s32 s25, $0x21;
	[sflag:s0] =	ssyncset.done @!p0 $0x0  }
0x4f8: {  	[sflag:s0] =	ssyncadd.s32 @!p0 $0xFFFFF000;
	s0 =	simm.s32 @!p1 $0x1  }
0x4f9: {  	p0 =	slt.u32 @!p1 s25, $0x41;
	_ =	swait.ge @!p1 [sflag:s0], $0x1000  }
0x4fa: {  	p0 =	por p1, p0;
	[sflag:s0] =	ssyncset.done @!p1 $0x0  }
0x4fb: {  	[sflag:s0] =	ssyncadd.s32 @!p1 $0xFFFFF000;
	s0 =	simm.s32 @!p0 $0x1  }
0x4fc: {  	p1 =	slt.u32 @!p0 s25, $0x61;
	_ =	swait.ge @!p0 [sflag:s0], $0x1000  }
0x4fd: {  	p1 =	por p0, p1;
	[sflag:s0] =	ssyncset.done @!p0 $0x0  }
0x4fe: {  	[sflag:s0] =	ssyncadd.s32 @!p0 $0xFFFFF000;
	s0 =	simm.s32 @!p1 $0x1  }
0x4ff: {  	p0 =	slt.u32 @!p1 s25, $0x81;
	_ =	swait.ge @!p1 [sflag:s0], $0x1000  }
0x500: {  	p0 =	por p1, p0;
	[sflag:s0] =	ssyncset.done @!p1 $0x0  }
0x501: {  	[sflag:s0] =	ssyncadd.s32 @!p1 $0xFFFFF000;
	s0 =	simm.s32 @!p0 $0x1  }
0x502: {  	p1 =	slt.u32 @!p0 s25, $0xA1;
	_ =	swait.ge @!p0 [sflag:s0], $0x1000  }
0x503: {  	p1 =	por p0, p1;
	[sflag:s0] =	ssyncset.done @!p0 $0x0  }
0x504: {  	[sflag:s0] =	ssyncadd.s32 @!p0 $0xFFFFF000;
	s0 =	simm.s32 @!p1 $0x1  }
0x505: {  	p0 =	slt.u32 @!p1 s25, $0xC1;
	_ =	swait.ge @!p1 [sflag:s0], $0x1000  }
0x506: {  	p0 =	por p1, p0;
	[sflag:s0] =	ssyncset.done @!p1 $0x0  }
0x507: {  	[sflag:s0] =	ssyncadd.s32 @!p1 $0xFFFFF000;
	s0 =	simm.s32 @!p0 $0x1  }
0x508: {  	p1 =	slt.u32 @!p0 s25, $0xE1;
	_ =	swait.ge @!p0 [sflag:s0], $0x1000  }
0x509: {  	p1 =	por p0, p1;
	[sflag:s0] =	ssyncset.done @!p0 $0x0  }
0x50a: {  	[sflag:s0] =	ssyncadd.s32 @!p0 $0xFFFFF000;
	s0 =	simm.s32 @!p1 $0x1  }
0x50b: {  	p0 =	slt.u32 @!p1 s25, $0x101;
	_ =	swait.ge @!p1 [sflag:s0], $0x1000  }
0x50c: {  	p0 =	por p1, p0;
	[sflag:s0] =	ssyncset.done @!p1 $0x0  }
0x50d: {  	[sflag:s0] =	ssyncadd.s32 @!p1 $0xFFFFF000;
	s0 =	simm.s32 @!p0 $0x1  }
0x50e: {  	p1 =	slt.u32 @!p0 s25, $0x121;
	_ =	swait.ge @!p0 [sflag:s0], $0x1000  }
0x50f: {  	p1 =	por p0, p1;
	[sflag:s0] =	ssyncset.done @!p0 $0x0  }
0x510: {  	[sflag:s0] =	ssyncadd.s32 @!p0 $0xFFFFF000;
	p0 =	slt.u32 @!p1 s25, $0x141  }
0x511: {  	p0 =	por p1, p0  }
.Ltmp38:
0x512: {  	_ = 	snop;
	(pc) =	sbr.rel @p0 .LBB2_47-.Ltmp38, $4  }
0x513: {  	s0 =	simm.s32 @!p1 $0x1  }
0x514: {  	_ =	swait.ge @!p1 [sflag:s0], $0x1000  }
0x515: {  	[sflag:s0] =	ssyncset.done @!p1 $0x0  }
0x516: {  	[sflag:s0] =	ssyncadd.s32 @!p1 $0xFFFFF000  }
0x517: {  	p0 =	slt.u32 s25, $0x161  }
0x518: {  	p1 =	slt.u32 @!p0 s25, $0x181  }
0x519: {  	p2 =	por p1, p0  }
0x51a: {  	_ =	swait.ge [sflag:s3], $0x1000;
	p3 =	slt.u32 @!p2 s25, $0x1A1  }
0x51b: {  	[sflag:s3] =	ssyncset.done $0x0;
	s1 =	simm.s32 @!p3 $0x0;
	p4 =	por @!p0 p3, p1  }
0x51c: {  	s0 =	simm.s32 @!p0 $0x1;
	s1 =	simm.s32 @p3 $0x1;
	p4 =	por p4, p0  }
0x51d: {  	[sflag:s3] =	ssyncadd.s32 $0xFFFFF000;
	[smem:$0x7F5] =	sst s1;
	p5 =	slt.u32 @!p4 s25, $0x1C1  }
0x51e: {  	_ =	swait.ge @!p0 [sflag:s0], $0x1000;
	s1 =	simm.s32 @!p5 $0x0  }
0x51f: {  	[sflag:s0] =	ssyncset.done @!p0 $0x0;
	s1 =	simm.s32 @p5 $0x1  }
0x520: {  	[sflag:s0] =	ssyncadd.s32 @!p0 $0xFFFFF000;
	s0 =	simm.s32 @!p2 $0x1;
	[smem:$0x7F4] =	sst s1  }
0x521: {  	_ =	swait.ge @!p2 [sflag:s0], $0x1000  }
0x522: {  	[sflag:s0] =	ssyncset.done @!p2 $0x0  }
0x523: {  	[sflag:s0] =	ssyncadd.s32 @!p2 $0xFFFFF000;
	s0 =	simm.s32 @!p4 $0x1  }
0x524: {  	_ =	swait.ge @!p4 [sflag:s0], $0x1000  }
0x525: {  	p6 =	por @!p2 p5, p3;
	s30 =	sld [smem:$0x7F4]  }
0x526: {  	p6 =	por @!p0 p6, p1;
	s31 =	sld [smem:$0x7F5]  }
0x527: {  	p6 =	por p6, p0  }
0x528: {  	p5 =	slt.u32 @!p6 s25, $0x1E1;
	p3 =	seq.s32 s30, $0x1  }
0x529: {  	[sflag:s0] =	ssyncset.done @!p4 $0x0;
	p5 =	por @!p4 p5, p3;
	p3 =	seq.s32 s31, $0x1  }
0x52a: {  	[sflag:s0] =	ssyncadd.s32 @!p4 $0xFFFFF000;
	s0 =	simm.s32 @!p6 $0x1;
	p2 =	por @!p2 p5, p3  }
0x52b: {  	_ =	swait.ge @!p6 [sflag:s0], $0x1000;
	p1 =	por @!p0 p2, p1  }
0x52c: {  	[sflag:s0] =	ssyncset.done @!p6 $0x0;
	p0 =	por p1, p0  }
0x52d: {  	[sflag:s0] =	ssyncadd.s32 @!p6 $0xFFFFF000;
	s0 =	simm.s32 @!p0 $0x1  }
0x52e: {  	_ =	swait.ge @!p0 [sflag:s0], $0x1000  }
0x52f: {  	[sflag:s0] =	ssyncset.done @!p0 $0x0  }
0x530: {  	[sflag:s0] =	ssyncadd.s32 @!p0 $0xFFFFF000  }
.LBB2_47:
0x531: {  	s0 =	rddreg [dreg:$0xc]  }
0x532: {  	p0 =	slt.s32 s0, $0x20  }
0x533: {  	s0 =	simm.s32 @!p0 $0x1  }
0x534: {  	_ =	swait.ge @!p0 [sflag:s0], $0x1000  }
0x535: {  	p1 =	slt.s32 s22, $0x21;
	[sflag:s0] =	ssyncset.done @!p0 $0x0  }
0x536: {  	[sflag:s0] =	ssyncadd.s32 @!p0 $0xFFFFF000;
	s0 =	simm.s32 @!p1 $0x1  }
0x537: {  	p0 =	slt.u32 @!p1 s22, $0x41;
	_ =	swait.ge @!p1 [sflag:s0], $0x1000  }
0x538: {  	p0 =	por p1, p0;
	[sflag:s0] =	ssyncset.done @!p1 $0x0  }
0x539: {  	[sflag:s0] =	ssyncadd.s32 @!p1 $0xFFFFF000;
	s0 =	simm.s32 @!p0 $0x1  }
0x53a: {  	p1 =	slt.u32 @!p0 s22, $0x61;
	_ =	swait.ge @!p0 [sflag:s0], $0x1000  }
0x53b: {  	p1 =	por p0, p1;
	[sflag:s0] =	ssyncset.done @!p0 $0x0  }
0x53c: {  	[sflag:s0] =	ssyncadd.s32 @!p0 $0xFFFFF000;
	s0 =	simm.s32 @!p1 $0x1  }
0x53d: {  	p0 =	slt.u32 @!p1 s22, $0x81;
	_ =	swait.ge @!p1 [sflag:s0], $0x1000  }
0x53e: {  	p0 =	por p1, p0;
	[sflag:s0] =	ssyncset.done @!p1 $0x0  }
0x53f: {  	[sflag:s0] =	ssyncadd.s32 @!p1 $0xFFFFF000;
	s0 =	simm.s32 @!p0 $0x1  }
0x540: {  	p1 =	slt.u32 @!p0 s22, $0xA1;
	_ =	swait.ge @!p0 [sflag:s0], $0x1000  }
0x541: {  	p1 =	por p0, p1;
	[sflag:s0] =	ssyncset.done @!p0 $0x0  }
0x542: {  	[sflag:s0] =	ssyncadd.s32 @!p0 $0xFFFFF000;
	s0 =	simm.s32 @!p1 $0x1  }
0x543: {  	p0 =	slt.u32 @!p1 s22, $0xC1;
	_ =	swait.ge @!p1 [sflag:s0], $0x1000  }
0x544: {  	p0 =	por p1, p0;
	[sflag:s0] =	ssyncset.done @!p1 $0x0  }
0x545: {  	[sflag:s0] =	ssyncadd.s32 @!p1 $0xFFFFF000;
	s0 =	simm.s32 @!p0 $0x1  }
0x546: {  	p1 =	slt.u32 @!p0 s22, $0xE1;
	_ =	swait.ge @!p0 [sflag:s0], $0x1000  }
0x547: {  	p1 =	por p0, p1;
	[sflag:s0] =	ssyncset.done @!p0 $0x0  }
0x548: {  	[sflag:s0] =	ssyncadd.s32 @!p0 $0xFFFFF000;
	s0 =	simm.s32 @!p1 $0x1  }
0x549: {  	p0 =	slt.u32 @!p1 s22, $0x101;
	_ =	swait.ge @!p1 [sflag:s0], $0x1000  }
0x54a: {  	p0 =	por p1, p0;
	[sflag:s0] =	ssyncset.done @!p1 $0x0  }
0x54b: {  	[sflag:s0] =	ssyncadd.s32 @!p1 $0xFFFFF000;
	s0 =	simm.s32 @!p0 $0x1  }
0x54c: {  	p1 =	slt.u32 @!p0 s22, $0x121;
	_ =	swait.ge @!p0 [sflag:s0], $0x1000  }
0x54d: {  	p1 =	por p0, p1;
	[sflag:s0] =	ssyncset.done @!p0 $0x0  }
0x54e: {  	[sflag:s0] =	ssyncadd.s32 @!p0 $0xFFFFF000;
	p0 =	slt.u32 @!p1 s22, $0x141  }
0x54f: {  	p0 =	por p1, p0  }
.Ltmp39:
0x550: {  	_ = 	snop;
	(pc) =	sbr.rel @p0 .LBB2_49-.Ltmp39, $4  }
0x551: {  	s0 =	simm.s32 @!p1 $0x1  }
0x552: {  	_ =	swait.ge @!p1 [sflag:s0], $0x1000  }
0x553: {  	[sflag:s0] =	ssyncset.done @!p1 $0x0  }
0x554: {  	[sflag:s0] =	ssyncadd.s32 @!p1 $0xFFFFF000  }
0x555: {  	p0 =	slt.u32 s22, $0x161  }
0x556: {  	p1 =	slt.u32 @!p0 s22, $0x181  }
0x557: {  	p2 =	por p1, p0  }
0x558: {  	_ =	swait.ge [sflag:s3], $0x1000;
	p3 =	slt.u32 @!p2 s22, $0x1A1  }
0x559: {  	[sflag:s3] =	ssyncset.done $0x0;
	s1 =	simm.s32 @!p3 $0x0;
	p4 =	por @!p0 p3, p1  }
0x55a: {  	s0 =	simm.s32 @!p0 $0x1;
	s1 =	simm.s32 @p3 $0x1;
	p4 =	por p4, p0  }
0x55b: {  	[sflag:s3] =	ssyncadd.s32 $0xFFFFF000;
	[smem:$0x7F3] =	sst s1;
	p5 =	slt.u32 @!p4 s22, $0x1C1  }
0x55c: {  	_ =	swait.ge @!p0 [sflag:s0], $0x1000;
	s1 =	simm.s32 @!p5 $0x0  }
0x55d: {  	[sflag:s0] =	ssyncset.done @!p0 $0x0;
	s1 =	simm.s32 @p5 $0x1  }
0x55e: {  	[sflag:s0] =	ssyncadd.s32 @!p0 $0xFFFFF000;
	s0 =	simm.s32 @!p2 $0x1;
	[smem:$0x7F2] =	sst s1  }
0x55f: {  	_ =	swait.ge @!p2 [sflag:s0], $0x1000  }
0x560: {  	[sflag:s0] =	ssyncset.done @!p2 $0x0  }
0x561: {  	[sflag:s0] =	ssyncadd.s32 @!p2 $0xFFFFF000;
	s0 =	simm.s32 @!p4 $0x1  }
0x562: {  	_ =	swait.ge @!p4 [sflag:s0], $0x1000  }
0x563: {  	p6 =	por @!p2 p5, p3;
	s30 =	sld [smem:$0x7F2]  }
0x564: {  	p6 =	por @!p0 p6, p1;
	s31 =	sld [smem:$0x7F3]  }
0x565: {  	p6 =	por p6, p0  }
0x566: {  	p5 =	slt.u32 @!p6 s22, $0x1E1;
	p3 =	seq.s32 s30, $0x1  }
0x567: {  	[sflag:s0] =	ssyncset.done @!p4 $0x0;
	p5 =	por @!p4 p5, p3;
	p3 =	seq.s32 s31, $0x1  }
0x568: {  	[sflag:s0] =	ssyncadd.s32 @!p4 $0xFFFFF000;
	s0 =	simm.s32 @!p6 $0x1;
	p2 =	por @!p2 p5, p3  }
0x569: {  	_ =	swait.ge @!p6 [sflag:s0], $0x1000;
	p1 =	por @!p0 p2, p1  }
0x56a: {  	[sflag:s0] =	ssyncset.done @!p6 $0x0;
	p0 =	por p1, p0  }
0x56b: {  	[sflag:s0] =	ssyncadd.s32 @!p6 $0xFFFFF000;
	s0 =	simm.s32 @!p0 $0x1  }
0x56c: {  	_ =	swait.ge @!p0 [sflag:s0], $0x1000  }
0x56d: {  	[sflag:s0] =	ssyncset.done @!p0 $0x0  }
0x56e: {  	[sflag:s0] =	ssyncadd.s32 @!p0 $0xFFFFF000  }
.LBB2_49:
0x56f: {  	p0 =	slt.s32 s23, $0x20  }
0x570: {  	s0 =	simm.s32 @!p0 $0x1  }
0x571: {  	_ =	swait.ge @!p0 [sflag:s0], $0x1000  }
0x572: {  	p1 =	slt.s32 s21, $0x21;
	[sflag:s0] =	ssyncset.done @!p0 $0x0  }
0x573: {  	[sflag:s0] =	ssyncadd.s32 @!p0 $0xFFFFF000;
	s0 =	simm.s32 @!p1 $0x1  }
0x574: {  	p0 =	slt.u32 @!p1 s21, $0x41;
	_ =	swait.ge @!p1 [sflag:s0], $0x1000  }
0x575: {  	p0 =	por p1, p0;
	[sflag:s0] =	ssyncset.done @!p1 $0x0  }
0x576: {  	[sflag:s0] =	ssyncadd.s32 @!p1 $0xFFFFF000;
	s0 =	simm.s32 @!p0 $0x1  }
0x577: {  	p1 =	slt.u32 @!p0 s21, $0x61;
	_ =	swait.ge @!p0 [sflag:s0], $0x1000  }
0x578: {  	p1 =	por p0, p1;
	[sflag:s0] =	ssyncset.done @!p0 $0x0  }
0x579: {  	[sflag:s0] =	ssyncadd.s32 @!p0 $0xFFFFF000;
	s0 =	simm.s32 @!p1 $0x1  }
0x57a: {  	p0 =	slt.u32 @!p1 s21, $0x81;
	_ =	swait.ge @!p1 [sflag:s0], $0x1000  }
0x57b: {  	p0 =	por p1, p0;
	[sflag:s0] =	ssyncset.done @!p1 $0x0  }
0x57c: {  	[sflag:s0] =	ssyncadd.s32 @!p1 $0xFFFFF000;
	s0 =	simm.s32 @!p0 $0x1  }
0x57d: {  	p1 =	slt.u32 @!p0 s21, $0xA1;
	_ =	swait.ge @!p0 [sflag:s0], $0x1000  }
0x57e: {  	p1 =	por p0, p1;
	[sflag:s0] =	ssyncset.done @!p0 $0x0  }
0x57f: {  	[sflag:s0] =	ssyncadd.s32 @!p0 $0xFFFFF000;
	s0 =	simm.s32 @!p1 $0x1  }
0x580: {  	p0 =	slt.u32 @!p1 s21, $0xC1;
	_ =	swait.ge @!p1 [sflag:s0], $0x1000  }
0x581: {  	p0 =	por p1, p0;
	[sflag:s0] =	ssyncset.done @!p1 $0x0  }
0x582: {  	[sflag:s0] =	ssyncadd.s32 @!p1 $0xFFFFF000;
	s0 =	simm.s32 @!p0 $0x1  }
0x583: {  	p1 =	slt.u32 @!p0 s21, $0xE1;
	_ =	swait.ge @!p0 [sflag:s0], $0x1000  }
0x584: {  	p1 =	por p0, p1;
	[sflag:s0] =	ssyncset.done @!p0 $0x0  }
0x585: {  	[sflag:s0] =	ssyncadd.s32 @!p0 $0xFFFFF000;
	s0 =	simm.s32 @!p1 $0x1  }
0x586: {  	p0 =	slt.u32 @!p1 s21, $0x101;
	_ =	swait.ge @!p1 [sflag:s0], $0x1000  }
0x587: {  	p0 =	por p1, p0;
	[sflag:s0] =	ssyncset.done @!p1 $0x0  }
0x588: {  	[sflag:s0] =	ssyncadd.s32 @!p1 $0xFFFFF000;
	s0 =	simm.s32 @!p0 $0x1  }
0x589: {  	p1 =	slt.u32 @!p0 s21, $0x121;
	_ =	swait.ge @!p0 [sflag:s0], $0x1000  }
0x58a: {  	p1 =	por p0, p1;
	[sflag:s0] =	ssyncset.done @!p0 $0x0  }
0x58b: {  	[sflag:s0] =	ssyncadd.s32 @!p0 $0xFFFFF000;
	p0 =	slt.u32 @!p1 s21, $0x141  }
0x58c: {  	p0 =	por p1, p0  }
.Ltmp40:
0x58d: {  	_ = 	snop;
	(pc) =	sbr.rel @p0 .LBB2_51-.Ltmp40, $4  }
0x58e: {  	s0 =	simm.s32 @!p1 $0x1  }
0x58f: {  	_ =	swait.ge @!p1 [sflag:s0], $0x1000  }
0x590: {  	[sflag:s0] =	ssyncset.done @!p1 $0x0  }
0x591: {  	[sflag:s0] =	ssyncadd.s32 @!p1 $0xFFFFF000  }
0x592: {  	p0 =	slt.u32 s21, $0x161  }
0x593: {  	p1 =	slt.u32 @!p0 s21, $0x181  }
0x594: {  	p2 =	por p1, p0  }
0x595: {  	_ =	swait.ge [sflag:s3], $0x1000;
	p3 =	slt.u32 @!p2 s21, $0x1A1  }
0x596: {  	[sflag:s3] =	ssyncset.done $0x0;
	s1 =	simm.s32 @!p3 $0x0;
	p4 =	por @!p0 p3, p1  }
0x597: {  	s0 =	simm.s32 @!p0 $0x1;
	s1 =	simm.s32 @p3 $0x1;
	p4 =	por p4, p0  }
0x598: {  	[sflag:s3] =	ssyncadd.s32 $0xFFFFF000;
	[smem:$0x7F1] =	sst s1;
	p5 =	slt.u32 @!p4 s21, $0x1C1  }
0x599: {  	_ =	swait.ge @!p0 [sflag:s0], $0x1000;
	s1 =	simm.s32 @!p5 $0x0  }
0x59a: {  	[sflag:s0] =	ssyncset.done @!p0 $0x0;
	s1 =	simm.s32 @p5 $0x1  }
0x59b: {  	[sflag:s0] =	ssyncadd.s32 @!p0 $0xFFFFF000;
	s0 =	simm.s32 @!p2 $0x1;
	[smem:$0x7F0] =	sst s1  }
0x59c: {  	_ =	swait.ge @!p2 [sflag:s0], $0x1000  }
0x59d: {  	[sflag:s0] =	ssyncset.done @!p2 $0x0  }
0x59e: {  	[sflag:s0] =	ssyncadd.s32 @!p2 $0xFFFFF000;
	s0 =	simm.s32 @!p4 $0x1  }
0x59f: {  	_ =	swait.ge @!p4 [sflag:s0], $0x1000  }
0x5a0: {  	p6 =	por @!p2 p5, p3;
	s30 =	sld [smem:$0x7F0]  }
0x5a1: {  	p6 =	por @!p0 p6, p1;
	s31 =	sld [smem:$0x7F1]  }
0x5a2: {  	p6 =	por p6, p0  }
0x5a3: {  	p5 =	slt.u32 @!p6 s21, $0x1E1;
	p3 =	seq.s32 s30, $0x1  }
0x5a4: {  	[sflag:s0] =	ssyncset.done @!p4 $0x0;
	p5 =	por @!p4 p5, p3;
	p3 =	seq.s32 s31, $0x1  }
0x5a5: {  	[sflag:s0] =	ssyncadd.s32 @!p4 $0xFFFFF000;
	s0 =	simm.s32 @!p6 $0x1;
	p2 =	por @!p2 p5, p3  }
0x5a6: {  	_ =	swait.ge @!p6 [sflag:s0], $0x1000;
	p1 =	por @!p0 p2, p1  }
0x5a7: {  	[sflag:s0] =	ssyncset.done @!p6 $0x0;
	p0 =	por p1, p0  }
0x5a8: {  	[sflag:s0] =	ssyncadd.s32 @!p6 $0xFFFFF000;
	s0 =	simm.s32 @!p0 $0x1  }
0x5a9: {  	_ =	swait.ge @!p0 [sflag:s0], $0x1000  }
0x5aa: {  	[sflag:s0] =	ssyncset.done @!p0 $0x0  }
0x5ab: {  	[sflag:s0] =	ssyncadd.s32 @!p0 $0xFFFFF000  }
.LBB2_51:
0x5ac: {  	p0 =	slt.s32 s14, $0x20  }
0x5ad: {  	s0 =	simm.s32 @!p0 $0x1  }
0x5ae: {  	_ =	swait.ge @!p0 [sflag:s0], $0x1000  }
0x5af: {  	p1 =	slt.s32 s13, $0x21;
	[sflag:s0] =	ssyncset.done @!p0 $0x0  }
0x5b0: {  	[sflag:s0] =	ssyncadd.s32 @!p0 $0xFFFFF000;
	s0 =	simm.s32 @!p1 $0x1  }
0x5b1: {  	p0 =	slt.u32 @!p1 s13, $0x41;
	_ =	swait.ge @!p1 [sflag:s0], $0x1000  }
0x5b2: {  	p0 =	por p1, p0;
	[sflag:s0] =	ssyncset.done @!p1 $0x0  }
0x5b3: {  	[sflag:s0] =	ssyncadd.s32 @!p1 $0xFFFFF000;
	s0 =	simm.s32 @!p0 $0x1  }
0x5b4: {  	p1 =	slt.u32 @!p0 s13, $0x61;
	_ =	swait.ge @!p0 [sflag:s0], $0x1000  }
0x5b5: {  	p1 =	por p0, p1;
	[sflag:s0] =	ssyncset.done @!p0 $0x0  }
0x5b6: {  	[sflag:s0] =	ssyncadd.s32 @!p0 $0xFFFFF000;
	s0 =	simm.s32 @!p1 $0x1  }
0x5b7: {  	p0 =	slt.u32 @!p1 s13, $0x81;
	_ =	swait.ge @!p1 [sflag:s0], $0x1000  }
0x5b8: {  	p0 =	por p1, p0;
	[sflag:s0] =	ssyncset.done @!p1 $0x0  }
0x5b9: {  	[sflag:s0] =	ssyncadd.s32 @!p1 $0xFFFFF000;
	s0 =	simm.s32 @!p0 $0x1  }
0x5ba: {  	p1 =	slt.u32 @!p0 s13, $0xA1;
	_ =	swait.ge @!p0 [sflag:s0], $0x1000  }
0x5bb: {  	p1 =	por p0, p1;
	[sflag:s0] =	ssyncset.done @!p0 $0x0  }
0x5bc: {  	[sflag:s0] =	ssyncadd.s32 @!p0 $0xFFFFF000;
	s0 =	simm.s32 @!p1 $0x1  }
0x5bd: {  	p0 =	slt.u32 @!p1 s13, $0xC1;
	_ =	swait.ge @!p1 [sflag:s0], $0x1000  }
0x5be: {  	p0 =	por p1, p0;
	[sflag:s0] =	ssyncset.done @!p1 $0x0  }
0x5bf: {  	[sflag:s0] =	ssyncadd.s32 @!p1 $0xFFFFF000;
	s0 =	simm.s32 @!p0 $0x1  }
0x5c0: {  	p1 =	slt.u32 @!p0 s13, $0xE1;
	_ =	swait.ge @!p0 [sflag:s0], $0x1000  }
0x5c1: {  	p1 =	por p0, p1;
	[sflag:s0] =	ssyncset.done @!p0 $0x0  }
0x5c2: {  	[sflag:s0] =	ssyncadd.s32 @!p0 $0xFFFFF000;
	s0 =	simm.s32 @!p1 $0x1  }
0x5c3: {  	p0 =	slt.u32 @!p1 s13, $0x101;
	_ =	swait.ge @!p1 [sflag:s0], $0x1000  }
0x5c4: {  	p0 =	por p1, p0;
	[sflag:s0] =	ssyncset.done @!p1 $0x0  }
0x5c5: {  	[sflag:s0] =	ssyncadd.s32 @!p1 $0xFFFFF000;
	s0 =	simm.s32 @!p0 $0x1  }
0x5c6: {  	p1 =	slt.u32 @!p0 s13, $0x121;
	_ =	swait.ge @!p0 [sflag:s0], $0x1000  }
0x5c7: {  	p1 =	por p0, p1;
	[sflag:s0] =	ssyncset.done @!p0 $0x0  }
0x5c8: {  	[sflag:s0] =	ssyncadd.s32 @!p0 $0xFFFFF000;
	p0 =	slt.u32 @!p1 s13, $0x141  }
0x5c9: {  	p0 =	por p1, p0  }
.Ltmp41:
0x5ca: {  	_ = 	snop;
	(pc) =	sbr.rel @p0 .LBB2_53-.Ltmp41, $4  }
0x5cb: {  	s0 =	simm.s32 @!p1 $0x1  }
0x5cc: {  	_ =	swait.ge @!p1 [sflag:s0], $0x1000  }
0x5cd: {  	[sflag:s0] =	ssyncset.done @!p1 $0x0  }
0x5ce: {  	[sflag:s0] =	ssyncadd.s32 @!p1 $0xFFFFF000  }
0x5cf: {  	p0 =	slt.u32 s13, $0x161  }
0x5d0: {  	p1 =	slt.u32 @!p0 s13, $0x181  }
0x5d1: {  	p2 =	por p1, p0  }
0x5d2: {  	_ =	swait.ge [sflag:s3], $0x1000;
	p3 =	slt.u32 @!p2 s13, $0x1A1  }
0x5d3: {  	[sflag:s3] =	ssyncset.done $0x0;
	s1 =	simm.s32 @!p3 $0x0;
	p4 =	por @!p0 p3, p1  }
0x5d4: {  	s0 =	simm.s32 @!p0 $0x1;
	s1 =	simm.s32 @p3 $0x1;
	p4 =	por p4, p0  }
0x5d5: {  	[sflag:s3] =	ssyncadd.s32 $0xFFFFF000;
	[smem:$0x7EF] =	sst s1;
	p5 =	slt.u32 @!p4 s13, $0x1C1  }
0x5d6: {  	_ =	swait.ge @!p0 [sflag:s0], $0x1000;
	s1 =	simm.s32 @!p5 $0x0  }
0x5d7: {  	[sflag:s0] =	ssyncset.done @!p0 $0x0;
	s1 =	simm.s32 @p5 $0x1  }
0x5d8: {  	[sflag:s0] =	ssyncadd.s32 @!p0 $0xFFFFF000;
	s0 =	simm.s32 @!p2 $0x1;
	[smem:$0x7EE] =	sst s1  }
0x5d9: {  	_ =	swait.ge @!p2 [sflag:s0], $0x1000  }
0x5da: {  	[sflag:s0] =	ssyncset.done @!p2 $0x0  }
0x5db: {  	[sflag:s0] =	ssyncadd.s32 @!p2 $0xFFFFF000;
	s0 =	simm.s32 @!p4 $0x1  }
0x5dc: {  	_ =	swait.ge @!p4 [sflag:s0], $0x1000  }
0x5dd: {  	p6 =	por @!p2 p5, p3;
	s30 =	sld [smem:$0x7EE]  }
0x5de: {  	p6 =	por @!p0 p6, p1;
	s31 =	sld [smem:$0x7EF]  }
0x5df: {  	p6 =	por p6, p0  }
0x5e0: {  	p5 =	slt.u32 @!p6 s13, $0x1E1;
	p3 =	seq.s32 s30, $0x1  }
0x5e1: {  	[sflag:s0] =	ssyncset.done @!p4 $0x0;
	p5 =	por @!p4 p5, p3;
	p3 =	seq.s32 s31, $0x1  }
0x5e2: {  	[sflag:s0] =	ssyncadd.s32 @!p4 $0xFFFFF000;
	s0 =	simm.s32 @!p6 $0x1;
	p2 =	por @!p2 p5, p3  }
0x5e3: {  	_ =	swait.ge @!p6 [sflag:s0], $0x1000;
	p1 =	por @!p0 p2, p1  }
0x5e4: {  	[sflag:s0] =	ssyncset.done @!p6 $0x0;
	p0 =	por p1, p0  }
0x5e5: {  	[sflag:s0] =	ssyncadd.s32 @!p6 $0xFFFFF000;
	s0 =	simm.s32 @!p0 $0x1  }
0x5e6: {  	_ =	swait.ge @!p0 [sflag:s0], $0x1000  }
0x5e7: {  	[sflag:s0] =	ssyncset.done @!p0 $0x0  }
0x5e8: {  	[sflag:s0] =	ssyncadd.s32 @!p0 $0xFFFFF000  }
.LBB2_53:
0x5e9: {  	s0 =	simm.s32 $0x0  }
0x5ea: {  	v18 =	vld [tilespmem:s0+$0x0]  }
0x5eb: {  	v19 =	vld [tilespmem:s0+$0x500];
	_ =	sdelay $0x4  }
0x5ec: {  	v18 =	vand.u32 $0x7F, v18;
	v19 =	vshll.u32 v19, $0x7  }
0x5ed: {  	v18 =	vor.u32 v18, v19;
	_ =	sdelay $0x4  }
0x5ee: {  	v18 =	vld.idx.msk [tilespmem:v18+s18+$0x0], $0xffff;
	_ =	sdelay $0x4  }
0x5ef: {  	v18 =	vand.u32 $0x7FFFFFFF, v18  }
0x5f0: {  	v18 =	vmul.f32 $1.000000010e-01, v18;
	_ =	sdelay $0x1  }
0x5f1: {  	v18 =	vmul.f32 $1.442695020e+00, v18;
	_ =	sdelay $0x1  }
0x5f2: {  	s1 =	simm.s32 $0x10;
	(erf) = vpow2.f32 v18  }
0x5f3: {  	s3 =	simm.s32 $0x80;
	v18 =	vld [tilespmem:s1+$0x0]  }
.LBB2_54:
0x5f4: {  	p0 =	sne.s32 s3, $0x7C0;
	v19 =	vld [tilespmem:s1+$0x500];
	_ =	sdelay $0x4  }
0x5f5: {  	v18 =	vand.u32 $0x7F, v18;
	v20 =	vshll.u32 v19, $0x7  }
0x5f6: {  	v18 =	vor.u32 v18, v20  }
0x5f7: {  	v19 =	vpop (erf)  }
0x5f8: {  	v19 =	vadd.f32 $-1.000000000e+00, v19;
	_ =	sdelay $0x1  }
0x5f9: {  	[tilespmem:s0+$0x18700] =	vst v19;
	s0 =	smov.u32 s1  }
0x5fa: {  	v18 =	vld.idx.msk [tilespmem:v18+s18+$0x0], $0xffff;
	_ =	sdelay $0x5  }
0x5fb: {  	v18 =	vand.u32 $0x7FFFFFFF, v18  }
0x5fc: {  	v18 =	vmul.f32 $1.000000010e-01, v18  }
.Ltmp42:
0x5fd: {  	(pc) =	sbr.rel @p0 .LBB2_54-.Ltmp42, $3  }
0x5fe: {  	v18 =	vmul.f32 $1.442695020e+00, v18;
	_ =	sdelay $0x1  }
0x5ff: {  	s1 =	sshra.s32 s3, $0x2;
	(erf) = vpow2.f32 v18  }
0x600: {  	s3 =	sadd.s32 $0x40, s3;
	v18 =	vld [tilespmem:s1+$0x0]  }
0x601: {  	v19 =	vld [tilespmem:s1+$0x500];
	_ =	sdelay $0x4  }
0x602: {  	v19 =	vshll.u32 v19, $0x7  }
0x603: {  	v18 =	vand.u32 $0x7F, v18  }
0x604: {  	v18 =	vor.u32 v18, v19  }
0x605: {  	v19 =	vpop (erf)  }
0x606: {  	v19 =	vadd.f32 $-1.000000000e+00, v19;
	_ =	sdelay $0x1  }
0x607: {  	[tilespmem:s0+$0x18700] =	vst v19  }
0x608: {  	v18 =	vld.idx.msk [tilespmem:v18+s18+$0x0], $0xffff;
	_ =	sdelay $0x4  }
0x609: {  	v18 =	vand.u32 $0x7FFFFFFF, v18  }
0x60a: {  	v18 =	vmul.f32 $1.000000010e-01, v18;
	_ =	sdelay $0x1  }
0x60b: {  	v18 =	vmul.f32 $1.442695020e+00, v18;
	_ =	sdelay $0x1  }
0x60c: {  	(erf) = vpow2.f32 v18;
	_ =	sdelay $0x8  }
0x60d: {  	v18 =	vpop (erf)  }
0x60e: {  	v18 =	vadd.f32 $-1.000000000e+00, v18;
	_ =	sdelay $0x1  }
0x60f: {  	s29 =	rddreg [dreg:$0x6];
	s30 =	simm.s32 $0x18700;
	[tilespmem:s1+$0x18700] =	vst v18;
	s1 =	simm.s32 $0x2  }
0x610: {  	[hbm4b:s29+s2] =	stream.linear.scatter [tilespmem:s30], [sflag:$0x2], $0x200, $0x38;
	[tilespmem:$0x18900] =	vst v63  }
0x611: {  	_ =	swait.ge [sflag:s1], $0x200  }
0x612: {  	s3 =	rddreg [dreg:$0x8]  }
0x613: {  	s31 =	rddreg [dreg:$0x7];
	s3 =	sadd.s32 $0x1, s3  }
0x614: {  	p0 =	sne.s32 s3, s31  }
.Ltmp43:
0x615: {  	_ = 	snop;
	(pc) =	sbr.rel @p0 .LBB2_1-.Ltmp43, $3  }
0x616: {  	_ =	sdelay $0x1  }
0x617: {  	[sflag:s1] =	ssyncset.done $0x0  }
0x618: {  	[sflag:s1] =	ssyncadd.s32 $0xFFFFFE00  }
0x619: {  	_ =	sfence.sel $0x180000  }
0x61a: {  	[bflag:$0x0] =	sbarrier.arrive $0xFFFF  }
0x61b: {  	_ =	strace $0x90000047  }
0x61c: {  	s0 =	stileid.u32;
	[bflag:$0x2] =	sbarrier.arrive $0xFFFF  }
0x61d: {  	p0 =	sne.s32 s0, $0x0;
	s0 =	rddreg [dreg:$0x3]  }
0x61e: {  	s0 =	sadd.s32 @!p0 $0x100000, s0  }
0x61f: {  	[sflag:s0] =	ssyncadd.tile.s32 @!p0 $0x1;
	_ =	shalt  }
.Lfunc_end2:
_tile_overlayer_lowered:
.L_overlay_start_2:
0x620: {  	(tag) =	ssettag $0x2  }
0x621: {  	s0 =	rddreg [dreg:$0x0];
	s2 =	stileid.u32  }
0x622: {  	s1 =	rddreg [dreg:$0x1];
	p0 =	sne.s32 s2, $0x0  }
0x623: {  	s3 =	rddreg [dreg:$0x2];
	[bflag:$0x3] =	sbarrier.arrive $0xFFFF;
	s2 =	simm.s32 @!p0 $0x1C02  }
0x624: {  	[timem:s3], [sflag:s2] =	dma.local @!p0 [hbm:s0], s1  }
0x625: {  	s0 =	simm.s32 @!p0 $0x2  }
0x626: {  	_ =	swait.ge @!p0 [sflag:s0], s1  }
0x627: {  	s1 =	ssub.s32 @!p0 $0x0, s1;
	[sflag:s0] =	ssyncset.done @!p0 $0x0  }
0x628: {  	[sflag:s0] =	ssyncadd.s32 @!p0 s1  }
0x629: {  	[bflag:$0x3] =	sbarrier.arrive $0xFFFF  }
0x62a: {  	_ =	shalt  }

</sc_bundles>
